<compile_context>
chip_gen: v7x
topology: tpu7x:2x2x1
jax: 0.10.2.dev20260603
libtpu: 0.0.44.dev20260713+nightly
codegen_flags: <defaults>
</compile_context>

<pallas_src>
import functools

import jax
import jax.numpy as jnp
from jax import lax
from jax.experimental import pallas as pl
from jax.experimental.pallas import tpu as pltpu
from jax.experimental.pallas import tpu_sc as plsc

N = 50000
E = 800000
IN_DIM = 1433
HID = 64
OUT_DIM = 7

NC = 2
NS = 16
NW = NC * NS
BN = 2176
NP = 23 * BN
GRID_N = NP // BN
N_TILE = NP // NS

CK = 4000
NCK = E // CK
NG = CK // 16
KB = 10
ECQ = E // 4

_mesh = plsc.VectorSubcoreMesh(core_axis_name="c", subcore_axis_name="s")
_sc_params = pltpu.CompilerParams(use_tc_tiling_on_sc=False, needs_layout_passes=False)


EPT = E // NW
NGD = EPT // 16


@functools.partial(
    pl.kernel,
    out_type=jax.ShapeDtypeStruct((NW, NP), jnp.float32),
    scratch_types=[
        pltpu.VMEM((NP,), jnp.float32),
        pltpu.VMEM((EPT + 24,), jnp.int32),
    ],
    mesh=_mesh,
    compiler_params=_sc_params,
)
def _sc_deg(dst_hbm, zeros_hbm, out_hbm, col_acc, dst_ch):
    c = lax.axis_index("c")
    s = lax.axis_index("s")
    wid = s * NC + c
    pltpu.sync_copy(zeros_hbm, col_acc)
    pltpu.sync_copy(dst_hbm.at[pl.ds(wid * EPT, EPT)],
                    dst_ch.at[pl.ds(0, EPT)])
    ones16 = jnp.ones((16,), jnp.float32)

    def grp(g, carry):
        dv = dst_ch[pl.ds(g * 16, 16)]
        plsc.addupdate_scatter(col_acc, [dv], ones16)
        return carry

    lax.fori_loop(0, NGD, grp, 0, unroll=8)
    tail = EPT - NGD * 16
    if tail:
        dv = dst_ch[pl.ds(NGD * 16, 16)]
        mask = lax.iota(jnp.int32, 16) < tail
        plsc.addupdate_scatter(col_acc, [dv], ones16, mask=mask)
    pltpu.sync_copy(col_acc, out_hbm.at[wid])


def _col_sweep(col_in, col_acc, src_hbm, dst_hbm, bufs, sems,
               e_base, n_chunks):
    s0, d0, s1, d1 = bufs
    sem0, sem1 = sems

    def start(ch, sb, db, sem):
        off = e_base + ch * CK
        pltpu.async_copy(src_hbm.at[pl.ds(off, CK)], sb, sem)
        pltpu.async_copy(dst_hbm.at[pl.ds(off, CK)], db, sem)

    def drain(sb, db, sem):
        pltpu.make_async_copy(src_hbm.at[pl.ds(0, CK)], sb, sem).wait()
        pltpu.make_async_copy(dst_hbm.at[pl.ds(0, CK)], db, sem).wait()

    def compute(sb, db):
        def grp(g, c2):
            b = g * (16 * KB)
            svs = [sb[pl.ds(b + k * 16, 16)] for k in range(KB)]
            dvs = [db[pl.ds(b + k * 16, 16)] for k in range(KB)]
            vals = [plsc.load_gather(col_in, [sv]) for sv in svs]
            for k in range(KB):
                plsc.addupdate_scatter(col_acc, [dvs[k]], vals[k])
            return c2

        lax.fori_loop(0, NG // KB, grp, 0)

    start(0, s0, d0, sem0)
    n_half = n_chunks // 2

    def body(i, carry):
        ch = 2 * i
        start(ch + 1, s1, d1, sem1)
        drain(s0, d0, sem0)
        compute(s0, d0)

        @pl.when(i < n_half - 1)
        def _():
            start(ch + 2, s0, d0, sem0)

        drain(s1, d1, sem1)
        compute(s1, d1)
        return carry

    lax.fori_loop(0, n_half, body, 0)


@functools.partial(
    pl.kernel,
    out_type=jax.ShapeDtypeStruct((HID, NP), jnp.float32),
    scratch_types=[
        pltpu.VMEM((NP,), jnp.float32),
        pltpu.VMEM((NP,), jnp.float32),
        pltpu.VMEM((CK,), jnp.int32),
        pltpu.VMEM((CK,), jnp.int32),
        pltpu.VMEM((CK,), jnp.int32),
        pltpu.VMEM((CK,), jnp.int32),
        pltpu.SemaphoreType.DMA,
        pltpu.SemaphoreType.DMA,
    ],
    mesh=_mesh,
    compiler_params=_sc_params,
)
def _sc_l1(src_hbm, dst_hbm, yt_hbm, out_hbm,
           col_in, col_acc, s0, d0, s1, d1, sem0, sem1):
    c = lax.axis_index("c")
    s = lax.axis_index("s")
    wid = s * NC + c
    for p in range(2):
        col = wid + 32 * p
        pltpu.sync_copy(yt_hbm.at[col], col_in)
        pltpu.sync_copy(yt_hbm.at[col], col_acc)
        _col_sweep(col_in, col_acc, src_hbm, dst_hbm,
                   (s0, d0, s1, d1), (sem0, sem1), 0, NCK)
        pltpu.sync_copy(col_acc, out_hbm.at[col])


@functools.partial(
    pl.kernel,
    out_type=jax.ShapeDtypeStruct((NW, NP), jnp.float32),
    scratch_types=[
        pltpu.VMEM((NP,), jnp.float32),
        pltpu.VMEM((NP,), jnp.float32),
        pltpu.VMEM((CK,), jnp.int32),
        pltpu.VMEM((CK,), jnp.int32),
        pltpu.VMEM((CK,), jnp.int32),
        pltpu.VMEM((CK,), jnp.int32),
        pltpu.SemaphoreType.DMA,
        pltpu.SemaphoreType.DMA,
    ],
    mesh=_mesh,
    compiler_params=_sc_params,
)
def _sc_l2(src_hbm, dst_hbm, y2t_hbm, zeros_hbm, out_hbm,
           col_in, col_acc, s0, d0, s1, d1, sem0, sem1):
    c = lax.axis_index("c")
    s = lax.axis_index("s")
    wid = s * NC + c
    col = lax.rem(wid, 8)
    q = lax.div(wid, 8)
    pltpu.sync_copy(y2t_hbm.at[col], col_in)

    @pl.when(q == 0)
    def _():
        pltpu.sync_copy(y2t_hbm.at[col], col_acc)

    @pl.when(q > 0)
    def _():
        pltpu.sync_copy(zeros_hbm, col_acc)

    _col_sweep(col_in, col_acc, src_hbm, dst_hbm,
               (s0, d0, s1, d1), (sem0, sem1), q * ECQ, ECQ // CK)
    pltpu.sync_copy(col_acc, out_hbm.at[wid])


def _m0_body(p_ref, d_ref):
    d_ref[...] = 1.0 + jnp.sum(p_ref[...], axis=0, keepdims=True)


def _m1_body(x_ref, w_ref, d_ref, yt_ref):
    dis = lax.rsqrt(d_ref[...])
    xwt = lax.dot_general(w_ref[...], x_ref[...],
                          (((0,), (1,)), ((), ())),
                          preferred_element_type=jnp.float32)
    yt_ref[...] = dis * xwt


def _m2_body(a_ref, d_ref, w2t_ref, b1_ref, y2t_ref):
    dis = lax.rsqrt(d_ref[...])
    h = jnp.maximum(dis * a_ref[...] + b1_ref[...], 0.0)
    y2t = lax.dot_general(w2t_ref[...], h,
                          (((1,), (0,)), ((), ())),
                          preferred_element_type=jnp.float32)
    y2t_ref[...] = dis * y2t


def _m3_body(p_ref, d_ref, b2_ref, o_ref):
    dis = lax.rsqrt(d_ref[...])
    p = p_ref[...]
    tot = p[0:8] + p[8:16] + p[16:24] + p[24:32]
    o_ref[...] = dis * tot + b2_ref[...]


def kernel(x, edge_index, W1, b1, W2, b2):
    ei = edge_index.astype(jnp.int32)
    src = ei[0]
    dst = ei[1]
    zeros_n = jnp.zeros((NP,), jnp.float32)

    dparts = _sc_deg(dst, zeros_n)
    d2 = pl.pallas_call(
        _m0_body,
        grid=(GRID_N,),
        in_specs=[pl.BlockSpec((NW, BN), lambda i: (0, i))],
        out_specs=pl.BlockSpec((1, BN), lambda i: (0, i)),
        out_shape=jax.ShapeDtypeStruct((1, NP), jnp.float32),
    )(dparts)

    yt = pl.pallas_call(
        _m1_body,
        grid=(GRID_N,),
        in_specs=[
            pl.BlockSpec((BN, IN_DIM), lambda i: (i, 0)),
            pl.BlockSpec((IN_DIM, HID), lambda i: (0, 0)),
            pl.BlockSpec((1, BN), lambda i: (0, i)),
        ],
        out_specs=pl.BlockSpec((HID, BN), lambda i: (0, i)),
        out_shape=jax.ShapeDtypeStruct((HID, NP), jnp.float32),
    )(x, W1, d2)

    at = _sc_l1(src, dst, yt)

    w2t = jnp.zeros((HID, 16), jnp.float32).at[:, :OUT_DIM].set(W2).T
    y2t = pl.pallas_call(
        _m2_body,
        grid=(GRID_N,),
        in_specs=[
            pl.BlockSpec((HID, BN), lambda i: (0, i)),
            pl.BlockSpec((1, BN), lambda i: (0, i)),
            pl.BlockSpec((16, HID), lambda i: (0, 0)),
            pl.BlockSpec((HID, 1), lambda i: (0, 0)),
        ],
        out_specs=pl.BlockSpec((16, BN), lambda i: (0, i)),
        out_shape=jax.ShapeDtypeStruct((16, NP), jnp.float32),
    )(at, d2, w2t, b1.reshape(HID, 1))

    pt = _sc_l2(src, dst, y2t, zeros_n)

    b2p = jnp.zeros((8, 1), jnp.float32).at[:OUT_DIM, 0].set(b2)
    outt = pl.pallas_call(
        _m3_body,
        grid=(GRID_N,),
        in_specs=[
            pl.BlockSpec((NW, BN), lambda i: (0, i)),
            pl.BlockSpec((1, BN), lambda i: (0, i)),
            pl.BlockSpec((8, 1), lambda i: (0, 0)),
        ],
        out_specs=pl.BlockSpec((8, BN), lambda i: (0, i)),
        out_shape=jax.ShapeDtypeStruct((8, NP), jnp.float32),
    )(pt, d2, b2p)
    return outt[:OUT_DIM, :N].T

# --- scband reference (transcript-rebuilt; emitter-appended) ---
"""Pipeline reference for scband-gcn-24970939859192 (READ-ONLY COPY).

The authoritative reference and input builder live on the scoring server;
editing this copy changes nothing except your own understanding.
"""

import jax, jax.numpy as jnp
import numpy as np

N_NODES = 50000
N_EDGES = 800000
IN_DIM = 1433
HIDDEN = 64
OUT_DIM = 7


def gcn_conv(x, edge_index, W, b, n):
    # PyG GCNConv: transform first, add self-loops, symmetric normalization, scatter-add
    xw = x @ W
    src = edge_index[0]
    dst = edge_index[1]
    loop = jnp.arange(n, dtype=edge_index.dtype)
    src = jnp.concatenate([src, loop])
    dst = jnp.concatenate([dst, loop])
    ones = jnp.ones(src.shape[0], dtype=xw.dtype)
    deg = jax.ops.segment_sum(ones, dst, num_segments=n)
    deg_inv_sqrt = jnp.where(deg > 0, jax.lax.rsqrt(jnp.maximum(deg, 1e-12)), 0.0)
    norm = deg_inv_sqrt[src] * deg_inv_sqrt[dst]
    msg = xw[src] * norm[:, None]
    out = jax.ops.segment_sum(msg, dst, num_segments=n)
    return out + b


def setup_inputs(seed: int = 0) -> dict:
    key = jax.random.key(seed)
    k1, k2, k3, k4, k5, k6 = jax.random.split(key, 6)
    x = jax.random.normal(k1, (N_NODES, IN_DIM), dtype=jnp.float32)
    edge_index = jax.random.randint(k2, (2, N_EDGES), 0, N_NODES, dtype=jnp.int64)
    # Glorot-style init for GCNConv weights
    W1 = jax.random.normal(k3, (IN_DIM, HIDDEN), dtype=jnp.float32) * (1.0 / np.sqrt(IN_DIM))
    b1 = jnp.zeros((HIDDEN,), dtype=jnp.float32)
    W2 = jax.random.normal(k4, (HIDDEN, OUT_DIM), dtype=jnp.float32) * (1.0 / np.sqrt(HIDDEN))
    b2 = jnp.zeros((OUT_DIM,), dtype=jnp.float32)
    return {"x": x, "edge_index": edge_index, "W1": W1, "b1": b1, "W2": W2, "b2": b2}


def reference(x, edge_index, W1, b1, W2, b2):
    h = gcn_conv(x, edge_index, W1, b1, N_NODES)
    h = jax.nn.relu(h)
    # dropout is identity in eval mode
    out = gcn_conv(h, edge_index, W2, b2, N_NODES)
    return out

if __name__ == "__main__":
    import jax
    _d = setup_inputs()
    print(jax.jit(kernel)(*tuple(_d.values())))

</pallas_src>

<mosaic_0001>
#map = affine_map<(d0, d1) -> (0)>
#map1 = affine_map<(d0, d1) -> (0, 0)>
module attributes {stable_mosaic.version = 14 : i64} {
  func.func @_sc_deg(%arg0: i32, %arg1: i32, %arg2: memref<800000xi32, #tpu.memory_space<hbm>>, %arg3: memref<50048xf32, #tpu.memory_space<hbm>>, %arg4: memref<32x50048xf32, #tpu.memory_space<hbm>>, %arg5: memref<50048xf32, #tpu.memory_space<vmem>>, %arg6: memref<25024xi32, #tpu.memory_space<vmem>>) attributes {dimension_semantics = [#tpu.dimension_semantics<core_parallel>, #tpu.dimension_semantics<subcore_parallel>], iteration_bounds = array<i64: 2, 16>, scalar_prefetch = 0 : i64, scratch_operands = 2 : i64, tpu.core_type = #tpu.core_type<sc_vector_subcore>, window_params = [{transform_indices = #map}, {transform_indices = #map}, {transform_indices = #map1}]} {
    %mul3A = arith.constant 2 : i32
    %mul3A_0 = arith.muli %arg1, %mul3A : i32
    %add3A = arith.addi %mul3A_0, %arg0 : i32
    "tpu.region"() ({
      %run_scoped3A = tpu.sem_alloc : memref<!tpu.dma_semaphore, #tpu.memory_space<semaphore_mem>>
      tpu.enqueue_dma source(%arg3 : memref<50048xf32, #tpu.memory_space<hbm>>) target(%arg5 : memref<50048xf32, #tpu.memory_space<vmem>>) target_semaphore(%run_scoped3A : memref<!tpu.dma_semaphore, #tpu.memory_space<semaphore_mem>>)
      tpu.wait_dma2 semaphore(%run_scoped3A : memref<!tpu.dma_semaphore, #tpu.memory_space<semaphore_mem>>) src(%arg3 : memref<50048xf32, #tpu.memory_space<hbm>>) dst(%arg5 : memref<50048xf32, #tpu.memory_space<vmem>>)
      tpu.yield
    }) : () -> ()
    %mul3A_1 = arith.constant 25000 : i32
    %mul3A_2 = arith.muli %add3A, %mul3A_1 : i32
    "tpu.region"() ({
      %run_scoped3A = tpu.sem_alloc : memref<!tpu.dma_semaphore, #tpu.memory_space<semaphore_mem>>
      %dma_start3A = arith.constant 0 : i32
      %dma_start3A_24 = tpu.memref_slice %arg6[%dma_start3A] : memref<25024xi32, #tpu.memory_space<vmem>> -> memref<25000xi32, #tpu.memory_space<vmem>>
      %dma_start3A_25 = tpu.memref_slice %arg2[%mul3A_2] : memref<800000xi32, #tpu.memory_space<hbm>> -> memref<25000xi32, #tpu.memory_space<hbm>>
      %dma_start3A_26 = arith.constant 0 : i32
      %dma_start3A_27 = tpu.memref_slice %arg6[%dma_start3A_26] : memref<25024xi32, #tpu.memory_space<vmem>> -> memref<25000xi32, #tpu.memory_space<vmem>>
      %dma_start3A_28 = tpu.memref_slice %arg2[%mul3A_2] : memref<800000xi32, #tpu.memory_space<hbm>> -> memref<25000xi32, #tpu.memory_space<hbm>>
      tpu.enqueue_dma source(%dma_start3A_28 : memref<25000xi32, #tpu.memory_space<hbm>>) target(%dma_start3A_27 : memref<25000xi32, #tpu.memory_space<vmem>>) target_semaphore(%run_scoped3A : memref<!tpu.dma_semaphore, #tpu.memory_space<semaphore_mem>>)
      %dma_wait3A = arith.constant 0 : i32
      %dma_wait3A_29 = tpu.memref_slice %arg6[%dma_wait3A] : memref<25024xi32, #tpu.memory_space<vmem>> -> memref<25000xi32, #tpu.memory_space<vmem>>
      %dma_wait3A_30 = tpu.memref_slice %arg2[%mul3A_2] : memref<800000xi32, #tpu.memory_space<hbm>> -> memref<25000xi32, #tpu.memory_space<hbm>>
      %dma_wait3A_31 = arith.constant 0 : i32
      %dma_wait3A_32 = tpu.memref_slice %arg6[%dma_wait3A_31] : memref<25024xi32, #tpu.memory_space<vmem>> -> memref<25000xi32, #tpu.memory_space<vmem>>
      %dma_wait3A_33 = tpu.memref_slice %arg2[%mul3A_2] : memref<800000xi32, #tpu.memory_space<hbm>> -> memref<25000xi32, #tpu.memory_space<hbm>>
      tpu.wait_dma2 semaphore(%run_scoped3A : memref<!tpu.dma_semaphore, #tpu.memory_space<semaphore_mem>>) src(%dma_wait3A_33 : memref<25000xi32, #tpu.memory_space<hbm>>) dst(%dma_wait3A_32 : memref<25000xi32, #tpu.memory_space<vmem>>)
      tpu.yield
    }) : () -> ()
    %broadcast_in_dim3A = arith.constant 1.000000e+00 : f32
    %broadcast_in_dim3A_3 = vector.broadcast %broadcast_in_dim3A : f32 to vector<16xf32>
    %scan3A = arith.constant 0 : i32
    %scan3A_4 = arith.constant 0 : i32
    %scan3A_5 = arith.constant 1560 : i32
    %scan3A_6 = arith.addi %scan3A_4, %scan3A_5 : i32
    %scan3A_7 = arith.constant 8 : i32
    scf.for %scan3A_24 = %scan3A_4 to %scan3A_6 step %scan3A_7  : i32 {
      %mul3A_25 = arith.constant 16 : i32
      %mul3A_26 = arith.muli %scan3A_24, %mul3A_25 : i32
      %get3A_27 = arith.index_cast %mul3A_26 : i32 to index
      %get3A_28 = tpu.vector_load %arg6[%get3A_27] {strides = array<i32>} : memref<25024xi32, #tpu.memory_space<vmem>>, vector<16xi32>,
      tpu.vector_store_idx %arg5[%get3A_28], %broadcast_in_dim3A_3 {add = true} : memref<50048xf32, #tpu.memory_space<vmem>>[vector<16xi32>], vector<16xf32>,
      %scan3A_29 = arith.constant 1 : i32
      %scan3A_30 = arith.addi %scan3A_24, %scan3A_29 : i32
      %mul3A_31 = arith.constant 16 : i32
      %mul3A_32 = arith.muli %scan3A_30, %mul3A_31 : i32
      %get3A_33 = arith.index_cast %mul3A_32 : i32 to index
      %get3A_34 = tpu.vector_load %arg6[%get3A_33] {strides = array<i32>} : memref<25024xi32, #tpu.memory_space<vmem>>, vector<16xi32>,
      tpu.vector_store_idx %arg5[%get3A_34], %broadcast_in_dim3A_3 {add = true} : memref<50048xf32, #tpu.memory_space<vmem>>[vector<16xi32>], vector<16xf32>,
      %scan3A_35 = arith.constant 2 : i32
      %scan3A_36 = arith.addi %scan3A_24, %scan3A_35 : i32
      %mul3A_37 = arith.constant 16 : i32
      %mul3A_38 = arith.muli %scan3A_36, %mul3A_37 : i32
      %get3A_39 = arith.index_cast %mul3A_38 : i32 to index
      %get3A_40 = tpu.vector_load %arg6[%get3A_39] {strides = array<i32>} : memref<25024xi32, #tpu.memory_space<vmem>>, vector<16xi32>,
      tpu.vector_store_idx %arg5[%get3A_40], %broadcast_in_dim3A_3 {add = true} : memref<50048xf32, #tpu.memory_space<vmem>>[vector<16xi32>], vector<16xf32>,
      %scan3A_41 = arith.constant 3 : i32
      %scan3A_42 = arith.addi %scan3A_24, %scan3A_41 : i32
      %mul3A_43 = arith.constant 16 : i32
      %mul3A_44 = arith.muli %scan3A_42, %mul3A_43 : i32
      %get3A_45 = arith.index_cast %mul3A_44 : i32 to index
      %get3A_46 = tpu.vector_load %arg6[%get3A_45] {strides = array<i32>} : memref<25024xi32, #tpu.memory_space<vmem>>, vector<16xi32>,
      tpu.vector_store_idx %arg5[%get3A_46], %broadcast_in_dim3A_3 {add = true} : memref<50048xf32, #tpu.memory_space<vmem>>[vector<16xi32>], vector<16xf32>,
      %scan3A_47 = arith.constant 4 : i32
      %scan3A_48 = arith.addi %scan3A_24, %scan3A_47 : i32
      %mul3A_49 = arith.constant 16 : i32
      %mul3A_50 = arith.muli %scan3A_48, %mul3A_49 : i32
      %get3A_51 = arith.index_cast %mul3A_50 : i32 to index
      %get3A_52 = tpu.vector_load %arg6[%get3A_51] {strides = array<i32>} : memref<25024xi32, #tpu.memory_space<vmem>>, vector<16xi32>,
      tpu.vector_store_idx %arg5[%get3A_52], %broadcast_in_dim3A_3 {add = true} : memref<50048xf32, #tpu.memory_space<vmem>>[vector<16xi32>], vector<16xf32>,
      %scan3A_53 = arith.constant 5 : i32
      %scan3A_54 = arith.addi %scan3A_24, %scan3A_53 : i32
      %mul3A_55 = arith.constant 16 : i32
      %mul3A_56 = arith.muli %scan3A_54, %mul3A_55 : i32
      %get3A_57 = arith.index_cast %mul3A_56 : i32 to index
      %get3A_58 = tpu.vector_load %arg6[%get3A_57] {strides = array<i32>} : memref<25024xi32, #tpu.memory_space<vmem>>, vector<16xi32>,
      tpu.vector_store_idx %arg5[%get3A_58], %broadcast_in_dim3A_3 {add = true} : memref<50048xf32, #tpu.memory_space<vmem>>[vector<16xi32>], vector<16xf32>,
      %scan3A_59 = arith.constant 6 : i32
      %scan3A_60 = arith.addi %scan3A_24, %scan3A_59 : i32
      %mul3A_61 = arith.constant 16 : i32
      %mul3A_62 = arith.muli %scan3A_60, %mul3A_61 : i32
      %get3A_63 = arith.index_cast %mul3A_62 : i32 to index
      %get3A_64 = tpu.vector_load %arg6[%get3A_63] {strides = array<i32>} : memref<25024xi32, #tpu.memory_space<vmem>>, vector<16xi32>,
      tpu.vector_store_idx %arg5[%get3A_64], %broadcast_in_dim3A_3 {add = true} : memref<50048xf32, #tpu.memory_space<vmem>>[vector<16xi32>], vector<16xf32>,
      %scan3A_65 = arith.constant 7 : i32
      %scan3A_66 = arith.addi %scan3A_24, %scan3A_65 : i32
      %mul3A_67 = arith.constant 16 : i32
      %mul3A_68 = arith.muli %scan3A_66, %mul3A_67 : i32
      %get3A_69 = arith.index_cast %mul3A_68 : i32 to index
      %get3A_70 = tpu.vector_load %arg6[%get3A_69] {strides = array<i32>} : memref<25024xi32, #tpu.memory_space<vmem>>, vector<16xi32>,
      tpu.vector_store_idx %arg5[%get3A_70], %broadcast_in_dim3A_3 {add = true} : memref<50048xf32, #tpu.memory_space<vmem>>[vector<16xi32>], vector<16xf32>,
    }
    %scan3A_8 = arith.constant 1560 : i32
    %scan3A_9 = arith.addi %scan3A_4, %scan3A_8 : i32
    %mul3A_10 = arith.constant 16 : i32
    %mul3A_11 = arith.muli %scan3A_9, %mul3A_10 : i32
    %get3A = arith.index_cast %mul3A_11 : i32 to index
    %get3A_12 = tpu.vector_load %arg6[%get3A] {strides = array<i32>} : memref<25024xi32, #tpu.memory_space<vmem>>, vector<16xi32>,
    tpu.vector_store_idx %arg5[%get3A_12], %broadcast_in_dim3A_3 {add = true} : memref<50048xf32, #tpu.memory_space<vmem>>[vector<16xi32>], vector<16xf32>,
    %scan3A_13 = arith.constant 1561 : i32
    %scan3A_14 = arith.addi %scan3A_4, %scan3A_13 : i32
    %mul3A_15 = arith.constant 16 : i32
    %mul3A_16 = arith.muli %scan3A_14, %mul3A_15 : i32
    %get3A_17 = arith.index_cast %mul3A_16 : i32 to index
    %get3A_18 = tpu.vector_load %arg6[%get3A_17] {strides = array<i32>} : memref<25024xi32, #tpu.memory_space<vmem>>, vector<16xi32>,
    tpu.vector_store_idx %arg5[%get3A_18], %broadcast_in_dim3A_3 {add = true} : memref<50048xf32, #tpu.memory_space<vmem>>[vector<16xi32>], vector<16xf32>,
    %scan3A_19 = arith.constant 1562 : i32
    %get3A_20 = arith.constant 24992 : index
    %get3A_21 = tpu.vector_load %arg6[%get3A_20] {strides = array<i32>} : memref<25024xi32, #tpu.memory_space<vmem>>, vector<16xi32>,
    %iota3A = tpu.iota {dimensions = array<i32: 0>} : vector<16xi32>
    %lt3A = arith.constant 8 : i32
    %lt3A_22 = vector.broadcast %lt3A : i32 to vector<16xi32>
    %lt3A_23 = arith.cmpi slt, %iota3A, %lt3A_22 : vector<16xi32>
    tpu.vector_store_idx %arg5[%get3A_21], %broadcast_in_dim3A_3 masked %lt3A_23 {add = true} : memref<50048xf32, #tpu.memory_space<vmem>>[vector<16xi32>], vector<16xf32>, vector<16xi1>
    "tpu.region"() ({
      %run_scoped3A = tpu.sem_alloc : memref<!tpu.dma_semaphore, #tpu.memory_space<semaphore_mem>>
      %dma_start3A = arith.constant 0 : i32
      %dma_start3A_24 = tpu.memref_slice %arg4[%add3A, %dma_start3A] : memref<32x50048xf32, #tpu.memory_space<hbm>> -> memref<1x50048xf32, #tpu.memory_space<hbm>>
      %dma_start3A_25 = tpu.memref_squeeze %dma_start3A_24 : memref<1x50048xf32, #tpu.memory_space<hbm>> -> memref<50048xf32, #tpu.memory_space<hbm>>
      %dma_start3A_26 = arith.constant 0 : i32
      %dma_start3A_27 = tpu.memref_slice %arg4[%add3A, %dma_start3A_26] : memref<32x50048xf32, #tpu.memory_space<hbm>> -> memref<1x50048xf32, #tpu.memory_space<hbm>>
      %dma_start3A_28 = tpu.memref_squeeze %dma_start3A_27 : memref<1x50048xf32, #tpu.memory_space<hbm>> -> memref<50048xf32, #tpu.memory_space<hbm>>
      tpu.enqueue_dma source(%arg5 : memref<50048xf32, #tpu.memory_space<vmem>>) target(%dma_start3A_28 : memref<50048xf32, #tpu.memory_space<hbm>>) target_semaphore(%run_scoped3A : memref<!tpu.dma_semaphore, #tpu.memory_space<semaphore_mem>>)
      %dma_wait3A = arith.constant 0 : i32
      %dma_wait3A_29 = tpu.memref_slice %arg4[%add3A, %dma_wait3A] : memref<32x50048xf32, #tpu.memory_space<hbm>> -> memref<1x50048xf32, #tpu.memory_space<hbm>>
      %dma_wait3A_30 = tpu.memref_squeeze %dma_wait3A_29 : memref<1x50048xf32, #tpu.memory_space<hbm>> -> memref<50048xf32, #tpu.memory_space<hbm>>
      %dma_wait3A_31 = arith.constant 0 : i32
      %dma_wait3A_32 = tpu.memref_slice %arg4[%add3A, %dma_wait3A_31] : memref<32x50048xf32, #tpu.memory_space<hbm>> -> memref<1x50048xf32, #tpu.memory_space<hbm>>
      %dma_wait3A_33 = tpu.memref_squeeze %dma_wait3A_32 : memref<1x50048xf32, #tpu.memory_space<hbm>> -> memref<50048xf32, #tpu.memory_space<hbm>>
      tpu.wait_dma2 semaphore(%run_scoped3A : memref<!tpu.dma_semaphore, #tpu.memory_space<semaphore_mem>>) src(%arg5 : memref<50048xf32, #tpu.memory_space<vmem>>) dst(%dma_wait3A_33 : memref<50048xf32, #tpu.memory_space<hbm>>)
      tpu.yield
    }) : () -> ()
    return
  }
}

#map = affine_map<(d0, d1) -> (0)>
#map1 = affine_map<(d0, d1) -> (0, 0)>
module attributes {stable_mosaic.version = 14 : i64} {
  func.func @_sc_l1(%arg0: i32, %arg1: i32, %arg2: memref<800000xi32, #tpu.memory_space<hbm>>, %arg3: memref<800000xi32, #tpu.memory_space<hbm>>, %arg4: memref<64x50048xf32, #tpu.memory_space<hbm>>, %arg5: memref<64x50048xf32, #tpu.memory_space<hbm>>, %arg6: memref<50048xf32, #tpu.memory_space<vmem>>, %arg7: memref<50048xf32, #tpu.memory_space<vmem>>, %arg8: memref<4000xi32, #tpu.memory_space<vmem>>, %arg9: memref<4000xi32, #tpu.memory_space<vmem>>, %arg10: memref<4000xi32, #tpu.memory_space<vmem>>, %arg11: memref<4000xi32, #tpu.memory_space<vmem>>, %arg12: memref<!tpu.dma_semaphore, #tpu.memory_space<semaphore_mem>>, %arg13: memref<!tpu.dma_semaphore, #tpu.memory_space<semaphore_mem>>) attributes {dimension_semantics = [#tpu.dimension_semantics<core_parallel>, #tpu.dimension_semantics<subcore_parallel>], iteration_bounds = array<i64: 2, 16>, scalar_prefetch = 0 : i64, scratch_operands = 8 : i64, tpu.core_type = #tpu.core_type<sc_vector_subcore>, window_params = [{transform_indices = #map}, {transform_indices = #map}, {transform_indices = #map1}, {transform_indices = #map1}]} {
    %mul3A = arith.constant 2 : i32
    %mul3A_0 = arith.muli %arg1, %mul3A : i32
    %add3A = arith.addi %mul3A_0, %arg0 : i32
    %add3A_1 = arith.constant 0 : i32
    %add3A_2 = arith.addi %add3A, %add3A_1 : i32
    "tpu.region"() ({
      %run_scoped3A = tpu.sem_alloc : memref<!tpu.dma_semaphore, #tpu.memory_space<semaphore_mem>>
      %dma_start3A_31 = arith.constant 0 : i32
      %dma_start3A_32 = tpu.memref_slice %arg4[%add3A_2, %dma_start3A_31] : memref<64x50048xf32, #tpu.memory_space<hbm>> -> memref<1x50048xf32, #tpu.memory_space<hbm>>
      %dma_start3A_33 = tpu.memref_squeeze %dma_start3A_32 : memref<1x50048xf32, #tpu.memory_space<hbm>> -> memref<50048xf32, #tpu.memory_space<hbm>>
      %dma_start3A_34 = arith.constant 0 : i32
      %dma_start3A_35 = tpu.memref_slice %arg4[%add3A_2, %dma_start3A_34] : memref<64x50048xf32, #tpu.memory_space<hbm>> -> memref<1x50048xf32, #tpu.memory_space<hbm>>
      %dma_start3A_36 = tpu.memref_squeeze %dma_start3A_35 : memref<1x50048xf32, #tpu.memory_space<hbm>> -> memref<50048xf32, #tpu.memory_space<hbm>>
      tpu.enqueue_dma source(%dma_start3A_36 : memref<50048xf32, #tpu.memory_space<hbm>>) target(%arg6 : memref<50048xf32, #tpu.memory_space<vmem>>) target_semaphore(%run_scoped3A : memref<!tpu.dma_semaphore, #tpu.memory_space<semaphore_mem>>)
      %dma_wait3A = arith.constant 0 : i32
      %dma_wait3A_37 = tpu.memref_slice %arg4[%add3A_2, %dma_wait3A] : memref<64x50048xf32, #tpu.memory_space<hbm>> -> memref<1x50048xf32, #tpu.memory_space<hbm>>
      %dma_wait3A_38 = tpu.memref_squeeze %dma_wait3A_37 : memref<1x50048xf32, #tpu.memory_space<hbm>> -> memref<50048xf32, #tpu.memory_space<hbm>>
      %dma_wait3A_39 = arith.constant 0 : i32
      %dma_wait3A_40 = tpu.memref_slice %arg4[%add3A_2, %dma_wait3A_39] : memref<64x50048xf32, #tpu.memory_space<hbm>> -> memref<1x50048xf32, #tpu.memory_space<hbm>>
      %dma_wait3A_41 = tpu.memref_squeeze %dma_wait3A_40 : memref<1x50048xf32, #tpu.memory_space<hbm>> -> memref<50048xf32, #tpu.memory_space<hbm>>
      tpu.wait_dma2 semaphore(%run_scoped3A : memref<!tpu.dma_semaphore, #tpu.memory_space<semaphore_mem>>) src(%dma_wait3A_41 : memref<50048xf32, #tpu.memory_space<hbm>>) dst(%arg6 : memref<50048xf32, #tpu.memory_space<vmem>>)
      tpu.yield
    }) : () -> ()
    "tpu.region"() ({
      %run_scoped3A = tpu.sem_alloc : memref<!tpu.dma_semaphore, #tpu.memory_space<semaphore_mem>>
      %dma_start3A_31 = arith.constant 0 : i32
      %dma_start3A_32 = tpu.memref_slice %arg4[%add3A_2, %dma_start3A_31] : memref<64x50048xf32, #tpu.memory_space<hbm>> -> memref<1x50048xf32, #tpu.memory_space<hbm>>
      %dma_start3A_33 = tpu.memref_squeeze %dma_start3A_32 : memref<1x50048xf32, #tpu.memory_space<hbm>> -> memref<50048xf32, #tpu.memory_space<hbm>>
      %dma_start3A_34 = arith.constant 0 : i32
      %dma_start3A_35 = tpu.memref_slice %arg4[%add3A_2, %dma_start3A_34] : memref<64x50048xf32, #tpu.memory_space<hbm>> -> memref<1x50048xf32, #tpu.memory_space<hbm>>
      %dma_start3A_36 = tpu.memref_squeeze %dma_start3A_35 : memref<1x50048xf32, #tpu.memory_space<hbm>> -> memref<50048xf32, #tpu.memory_space<hbm>>
      tpu.enqueue_dma source(%dma_start3A_36 : memref<50048xf32, #tpu.memory_space<hbm>>) target(%arg7 : memref<50048xf32, #tpu.memory_space<vmem>>) target_semaphore(%run_scoped3A : memref<!tpu.dma_semaphore, #tpu.memory_space<semaphore_mem>>)
      %dma_wait3A = arith.constant 0 : i32
      %dma_wait3A_37 = tpu.memref_slice %arg4[%add3A_2, %dma_wait3A] : memref<64x50048xf32, #tpu.memory_space<hbm>> -> memref<1x50048xf32, #tpu.memory_space<hbm>>
      %dma_wait3A_38 = tpu.memref_squeeze %dma_wait3A_37 : memref<1x50048xf32, #tpu.memory_space<hbm>> -> memref<50048xf32, #tpu.memory_space<hbm>>
      %dma_wait3A_39 = arith.constant 0 : i32
      %dma_wait3A_40 = tpu.memref_slice %arg4[%add3A_2, %dma_wait3A_39] : memref<64x50048xf32, #tpu.memory_space<hbm>> -> memref<1x50048xf32, #tpu.memory_space<hbm>>
      %dma_wait3A_41 = tpu.memref_squeeze %dma_wait3A_40 : memref<1x50048xf32, #tpu.memory_space<hbm>> -> memref<50048xf32, #tpu.memory_space<hbm>>
      tpu.wait_dma2 semaphore(%run_scoped3A : memref<!tpu.dma_semaphore, #tpu.memory_space<semaphore_mem>>) src(%dma_wait3A_41 : memref<50048xf32, #tpu.memory_space<hbm>>) dst(%arg7 : memref<50048xf32, #tpu.memory_space<vmem>>)
      tpu.yield
    }) : () -> ()
    %dma_start3A = arith.constant 0 : i32
    %dma_start3A_3 = tpu.memref_slice %arg2[%dma_start3A] : memref<800000xi32, #tpu.memory_space<hbm>> -> memref<4000xi32, #tpu.memory_space<hbm>>
    %dma_start3A_4 = arith.constant 0 : i32
    %dma_start3A_5 = tpu.memref_slice %arg2[%dma_start3A_4] : memref<800000xi32, #tpu.memory_space<hbm>> -> memref<4000xi32, #tpu.memory_space<hbm>>
    tpu.enqueue_dma source(%dma_start3A_5 : memref<4000xi32, #tpu.memory_space<hbm>>) target(%arg8 : memref<4000xi32, #tpu.memory_space<vmem>>) target_semaphore(%arg12 : memref<!tpu.dma_semaphore, #tpu.memory_space<semaphore_mem>>)
    %dma_start3A_6 = arith.constant 0 : i32
    %dma_start3A_7 = tpu.memref_slice %arg3[%dma_start3A_6] : memref<800000xi32, #tpu.memory_space<hbm>> -> memref<4000xi32, #tpu.memory_space<hbm>>
    %dma_start3A_8 = arith.constant 0 : i32
    %dma_start3A_9 = tpu.memref_slice %arg3[%dma_start3A_8] : memref<800000xi32, #tpu.memory_space<hbm>> -> memref<4000xi32, #tpu.memory_space<hbm>>
    tpu.enqueue_dma source(%dma_start3A_9 : memref<4000xi32, #tpu.memory_space<hbm>>) target(%arg9 : memref<4000xi32, #tpu.memory_space<vmem>>) target_semaphore(%arg12 : memref<!tpu.dma_semaphore, #tpu.memory_space<semaphore_mem>>)
    %scan3A = arith.constant 0 : i32
    %scan3A_10 = arith.constant 0 : i32
    %scan3A_11 = arith.constant 100 : i32
    %scan3A_12 = arith.addi %scan3A_10, %scan3A_11 : i32
    %scan3A_13 = arith.constant 1 : i32
    scf.for %scan3A_31 = %scan3A_10 to %scan3A_12 step %scan3A_13  : i32 {
      %mul3A_32 = arith.constant 2 : i32
      %mul3A_33 = arith.muli %mul3A_32, %scan3A_31 : i32
      %add3A_34 = arith.constant 1 : i32
      %add3A_35 = arith.addi %mul3A_33, %add3A_34 : i32
      %mul3A_36 = arith.constant 4000 : i32
      %mul3A_37 = arith.muli %add3A_35, %mul3A_36 : i32
      %add3A_38 = arith.constant 0 : i32
      %add3A_39 = arith.addi %add3A_38, %mul3A_37 : i32
      %dma_start3A_40 = tpu.memref_slice %arg2[%add3A_39] : memref<800000xi32, #tpu.memory_space<hbm>> -> memref<4000xi32, #tpu.memory_space<hbm>>
      %dma_start3A_41 = tpu.memref_slice %arg2[%add3A_39] : memref<800000xi32, #tpu.memory_space<hbm>> -> memref<4000xi32, #tpu.memory_space<hbm>>
      tpu.enqueue_dma source(%dma_start3A_41 : memref<4000xi32, #tpu.memory_space<hbm>>) target(%arg10 : memref<4000xi32, #tpu.memory_space<vmem>>) target_semaphore(%arg13 : memref<!tpu.dma_semaphore, #tpu.memory_space<semaphore_mem>>)
      %dma_start3A_42 = tpu.memref_slice %arg3[%add3A_39] : memref<800000xi32, #tpu.memory_space<hbm>> -> memref<4000xi32, #tpu.memory_space<hbm>>
      %dma_start3A_43 = tpu.memref_slice %arg3[%add3A_39] : memref<800000xi32, #tpu.memory_space<hbm>> -> memref<4000xi32, #tpu.memory_space<hbm>>
      tpu.enqueue_dma source(%dma_start3A_43 : memref<4000xi32, #tpu.memory_space<hbm>>) target(%arg11 : memref<4000xi32, #tpu.memory_space<vmem>>) target_semaphore(%arg13 : memref<!tpu.dma_semaphore, #tpu.memory_space<semaphore_mem>>)
      %dma_wait3A = arith.constant 0 : i32
      %dma_wait3A_44 = tpu.memref_slice %arg2[%dma_wait3A] : memref<800000xi32, #tpu.memory_space<hbm>> -> memref<4000xi32, #tpu.memory_space<hbm>>
      %dma_wait3A_45 = arith.constant 0 : i32
      %dma_wait3A_46 = tpu.memref_slice %arg2[%dma_wait3A_45] : memref<800000xi32, #tpu.memory_space<hbm>> -> memref<4000xi32, #tpu.memory_space<hbm>>
      tpu.wait_dma2 semaphore(%arg12 : memref<!tpu.dma_semaphore, #tpu.memory_space<semaphore_mem>>) src(%dma_wait3A_46 : memref<4000xi32, #tpu.memory_space<hbm>>) dst(%arg8 : memref<4000xi32, #tpu.memory_space<vmem>>)
      %dma_wait3A_47 = arith.constant 0 : i32
      %dma_wait3A_48 = tpu.memref_slice %arg3[%dma_wait3A_47] : memref<800000xi32, #tpu.memory_space<hbm>> -> memref<4000xi32, #tpu.memory_space<hbm>>
      %dma_wait3A_49 = arith.constant 0 : i32
      %dma_wait3A_50 = tpu.memref_slice %arg3[%dma_wait3A_49] : memref<800000xi32, #tpu.memory_space<hbm>> -> memref<4000xi32, #tpu.memory_space<hbm>>
      tpu.wait_dma2 semaphore(%arg12 : memref<!tpu.dma_semaphore, #tpu.memory_space<semaphore_mem>>) src(%dma_wait3A_50 : memref<4000xi32, #tpu.memory_space<hbm>>) dst(%arg9 : memref<4000xi32, #tpu.memory_space<vmem>>)
      %scan3A_51 = arith.constant 0 : i32
      %scan3A_52 = arith.constant 0 : i32
      %scan3A_53 = arith.constant 25 : i32
      %scan3A_54 = arith.addi %scan3A_52, %scan3A_53 : i32
      %scan3A_55 = arith.constant 1 : i32
      scf.for %scan3A_73 = %scan3A_52 to %scan3A_54 step %scan3A_55  : i32 {
        %mul3A_74 = arith.constant 160 : i32
        %mul3A_75 = arith.muli %scan3A_73, %mul3A_74 : i32
        %add3A_76 = arith.constant 0 : i32
        %add3A_77 = arith.addi %mul3A_75, %add3A_76 : i32
        %get3A = arith.index_cast %add3A_77 : i32 to index
        %get3A_78 = tpu.vector_load %arg8[%get3A] {strides = array<i32>} : memref<4000xi32, #tpu.memory_space<vmem>>, vector<16xi32>,
        %add3A_79 = arith.constant 16 : i32
        %add3A_80 = arith.addi %mul3A_75, %add3A_79 : i32
        %get3A_81 = arith.index_cast %add3A_80 : i32 to index
        %get3A_82 = tpu.vector_load %arg8[%get3A_81] {strides = array<i32>} : memref<4000xi32, #tpu.memory_space<vmem>>, vector<16xi32>,
        %add3A_83 = arith.constant 32 : i32
        %add3A_84 = arith.addi %mul3A_75, %add3A_83 : i32
        %get3A_85 = arith.index_cast %add3A_84 : i32 to index
        %get3A_86 = tpu.vector_load %arg8[%get3A_85] {strides = array<i32>} : memref<4000xi32, #tpu.memory_space<vmem>>, vector<16xi32>,
        %add3A_87 = arith.constant 48 : i32
        %add3A_88 = arith.addi %mul3A_75, %add3A_87 : i32
        %get3A_89 = arith.index_cast %add3A_88 : i32 to index
        %get3A_90 = tpu.vector_load %arg8[%get3A_89] {strides = array<i32>} : memref<4000xi32, #tpu.memory_space<vmem>>, vector<16xi32>,
        %add3A_91 = arith.constant 64 : i32
        %add3A_92 = arith.addi %mul3A_75, %add3A_91 : i32
        %get3A_93 = arith.index_cast %add3A_92 : i32 to index
        %get3A_94 = tpu.vector_load %arg8[%get3A_93] {strides = array<i32>} : memref<4000xi32, #tpu.memory_space<vmem>>, vector<16xi32>,
        %add3A_95 = arith.constant 80 : i32
        %add3A_96 = arith.addi %mul3A_75, %add3A_95 : i32
        %get3A_97 = arith.index_cast %add3A_96 : i32 to index
        %get3A_98 = tpu.vector_load %arg8[%get3A_97] {strides = array<i32>} : memref<4000xi32, #tpu.memory_space<vmem>>, vector<16xi32>,
        %add3A_99 = arith.constant 96 : i32
        %add3A_100 = arith.addi %mul3A_75, %add3A_99 : i32
        %get3A_101 = arith.index_cast %add3A_100 : i32 to index
        %get3A_102 = tpu.vector_load %arg8[%get3A_101] {strides = array<i32>} : memref<4000xi32, #tpu.memory_space<vmem>>, vector<16xi32>,
        %add3A_103 = arith.constant 112 : i32
        %add3A_104 = arith.addi %mul3A_75, %add3A_103 : i32
        %get3A_105 = arith.index_cast %add3A_104 : i32 to index
        %get3A_106 = tpu.vector_load %arg8[%get3A_105] {strides = array<i32>} : memref<4000xi32, #tpu.memory_space<vmem>>, vector<16xi32>,
        %add3A_107 = arith.constant 128 : i32
        %add3A_108 = arith.addi %mul3A_75, %add3A_107 : i32
        %get3A_109 = arith.index_cast %add3A_108 : i32 to index
        %get3A_110 = tpu.vector_load %arg8[%get3A_109] {strides = array<i32>} : memref<4000xi32, #tpu.memory_space<vmem>>, vector<16xi32>,
        %add3A_111 = arith.constant 144 : i32
        %add3A_112 = arith.addi %mul3A_75, %add3A_111 : i32
        %get3A_113 = arith.index_cast %add3A_112 : i32 to index
        %get3A_114 = tpu.vector_load %arg8[%get3A_113] {strides = array<i32>} : memref<4000xi32, #tpu.memory_space<vmem>>, vector<16xi32>,
        %add3A_115 = arith.constant 0 : i32
        %add3A_116 = arith.addi %mul3A_75, %add3A_115 : i32
        %get3A_117 = arith.index_cast %add3A_116 : i32 to index
        %get3A_118 = tpu.vector_load %arg9[%get3A_117] {strides = array<i32>} : memref<4000xi32, #tpu.memory_space<vmem>>, vector<16xi32>,
        %add3A_119 = arith.constant 16 : i32
        %add3A_120 = arith.addi %mul3A_75, %add3A_119 : i32
        %get3A_121 = arith.index_cast %add3A_120 : i32 to index
        %get3A_122 = tpu.vector_load %arg9[%get3A_121] {strides = array<i32>} : memref<4000xi32, #tpu.memory_space<vmem>>, vector<16xi32>,
        %add3A_123 = arith.constant 32 : i32
        %add3A_124 = arith.addi %mul3A_75, %add3A_123 : i32
        %get3A_125 = arith.index_cast %add3A_124 : i32 to index
        %get3A_126 = tpu.vector_load %arg9[%get3A_125] {strides = array<i32>} : memref<4000xi32, #tpu.memory_space<vmem>>, vector<16xi32>,
        %add3A_127 = arith.constant 48 : i32
        %add3A_128 = arith.addi %mul3A_75, %add3A_127 : i32
        %get3A_129 = arith.index_cast %add3A_128 : i32 to index
        %get3A_130 = tpu.vector_load %arg9[%get3A_129] {strides = array<i32>} : memref<4000xi32, #tpu.memory_space<vmem>>, vector<16xi32>,
        %add3A_131 = arith.constant 64 : i32
        %add3A_132 = arith.addi %mul3A_75, %add3A_131 : i32
        %get3A_133 = arith.index_cast %add3A_132 : i32 to index
        %get3A_134 = tpu.vector_load %arg9[%get3A_133] {strides = array<i32>} : memref<4000xi32, #tpu.memory_space<vmem>>, vector<16xi32>,
        %add3A_135 = arith.constant 80 : i32
        %add3A_136 = arith.addi %mul3A_75, %add3A_135 : i32
        %get3A_137 = arith.index_cast %add3A_136 : i32 to index
        %get3A_138 = tpu.vector_load %arg9[%get3A_137] {strides = array<i32>} : memref<4000xi32, #tpu.memory_space<vmem>>, vector<16xi32>,
        %add3A_139 = arith.constant 96 : i32
        %add3A_140 = arith.addi %mul3A_75, %add3A_139 : i32
        %get3A_141 = arith.index_cast %add3A_140 : i32 to index
        %get3A_142 = tpu.vector_load %arg9[%get3A_141] {strides = array<i32>} : memref<4000xi32, #tpu.memory_space<vmem>>, vector<16xi32>,
        %add3A_143 = arith.constant 112 : i32
        %add3A_144 = arith.addi %mul3A_75, %add3A_143 : i32
        %get3A_145 = arith.index_cast %add3A_144 : i32 to index
        %get3A_146 = tpu.vector_load %arg9[%get3A_145] {strides = array<i32>} : memref<4000xi32, #tpu.memory_space<vmem>>, vector<16xi32>,
        %add3A_147 = arith.constant 128 : i32
        %add3A_148 = arith.addi %mul3A_75, %add3A_147 : i32
        %get3A_149 = arith.index_cast %add3A_148 : i32 to index
        %get3A_150 = tpu.vector_load %arg9[%get3A_149] {strides = array<i32>} : memref<4000xi32, #tpu.memory_space<vmem>>, vector<16xi32>,
        %add3A_151 = arith.constant 144 : i32
        %add3A_152 = arith.addi %mul3A_75, %add3A_151 : i32
        %get3A_153 = arith.index_cast %add3A_152 : i32 to index
        %get3A_154 = tpu.vector_load %arg9[%get3A_153] {strides = array<i32>} : memref<4000xi32, #tpu.memory_space<vmem>>, vector<16xi32>,
        %gather3A = tpu.vector_load_idx %arg6[%get3A_78] : memref<50048xf32, #tpu.memory_space<vmem>>[vector<16xi32>], vector<16xf32>,
        %gather3A_155 = tpu.vector_load_idx %arg6[%get3A_82] : memref<50048xf32, #tpu.memory_space<vmem>>[vector<16xi32>], vector<16xf32>,
        %gather3A_156 = tpu.vector_load_idx %arg6[%get3A_86] : memref<50048xf32, #tpu.memory_space<vmem>>[vector<16xi32>], vector<16xf32>,
        %gather3A_157 = tpu.vector_load_idx %arg6[%get3A_90] : memref<50048xf32, #tpu.memory_space<vmem>>[vector<16xi32>], vector<16xf32>,
        %gather3A_158 = tpu.vector_load_idx %arg6[%get3A_94] : memref<50048xf32, #tpu.memory_space<vmem>>[vector<16xi32>], vector<16xf32>,
        %gather3A_159 = tpu.vector_load_idx %arg6[%get3A_98] : memref<50048xf32, #tpu.memory_space<vmem>>[vector<16xi32>], vector<16xf32>,
        %gather3A_160 = tpu.vector_load_idx %arg6[%get3A_102] : memref<50048xf32, #tpu.memory_space<vmem>>[vector<16xi32>], vector<16xf32>,
        %gather3A_161 = tpu.vector_load_idx %arg6[%get3A_106] : memref<50048xf32, #tpu.memory_space<vmem>>[vector<16xi32>], vector<16xf32>,
        %gather3A_162 = tpu.vector_load_idx %arg6[%get3A_110] : memref<50048xf32, #tpu.memory_space<vmem>>[vector<16xi32>], vector<16xf32>,
        %gather3A_163 = tpu.vector_load_idx %arg6[%get3A_114] : memref<50048xf32, #tpu.memory_space<vmem>>[vector<16xi32>], vector<16xf32>,
        tpu.vector_store_idx %arg7[%get3A_118], %gather3A {add = true} : memref<50048xf32, #tpu.memory_space<vmem>>[vector<16xi32>], vector<16xf32>,
        tpu.vector_store_idx %arg7[%get3A_122], %gather3A_155 {add = true} : memref<50048xf32, #tpu.memory_space<vmem>>[vector<16xi32>], vector<16xf32>,
        tpu.vector_store_idx %arg7[%get3A_126], %gather3A_156 {add = true} : memref<50048xf32, #tpu.memory_space<vmem>>[vector<16xi32>], vector<16xf32>,
        tpu.vector_store_idx %arg7[%get3A_130], %gather3A_157 {add = true} : memref<50048xf32, #tpu.memory_space<vmem>>[vector<16xi32>], vector<16xf32>,
        tpu.vector_store_idx %arg7[%get3A_134], %gather3A_158 {add = true} : memref<50048xf32, #tpu.memory_space<vmem>>[vector<16xi32>], vector<16xf32>,
        tpu.vector_store_idx %arg7[%get3A_138], %gather3A_159 {add = true} : memref<50048xf32, #tpu.memory_space<vmem>>[vector<16xi32>], vector<16xf32>,
        tpu.vector_store_idx %arg7[%get3A_142], %gather3A_160 {add = true} : memref<50048xf32, #tpu.memory_space<vmem>>[vector<16xi32>], vector<16xf32>,
        tpu.vector_store_idx %arg7[%get3A_146], %gather3A_161 {add = true} : memref<50048xf32, #tpu.memory_space<vmem>>[vector<16xi32>], vector<16xf32>,
        tpu.vector_store_idx %arg7[%get3A_150], %gather3A_162 {add = true} : memref<50048xf32, #tpu.memory_space<vmem>>[vector<16xi32>], vector<16xf32>,
        tpu.vector_store_idx %arg7[%get3A_154], %gather3A_163 {add = true} : memref<50048xf32, #tpu.memory_space<vmem>>[vector<16xi32>], vector<16xf32>,
      }
      %scan3A_56 = arith.constant 25 : i32
      %lt3A = arith.constant 99 : i32
      %lt3A_57 = arith.cmpi slt, %scan3A_31, %lt3A : i32
      %convert_element_type3A = arith.extui %lt3A_57 : i1 to i32
      %cond3A = arith.constant 0 : i32
      %cond3A_58 = arith.cmpi ne, %convert_element_type3A, %cond3A : i32
      scf.if %cond3A_58 {
        %add3A_73 = arith.constant 2 : i32
        %add3A_74 = arith.addi %mul3A_33, %add3A_73 : i32
        %mul3A_75 = arith.constant 4000 : i32
        %mul3A_76 = arith.muli %add3A_74, %mul3A_75 : i32
        %add3A_77 = arith.constant 0 : i32
        %add3A_78 = arith.addi %add3A_77, %mul3A_76 : i32
        %dma_start3A_79 = tpu.memref_slice %arg2[%add3A_78] : memref<800000xi32, #tpu.memory_space<hbm>> -> memref<4000xi32, #tpu.memory_space<hbm>>
        %dma_start3A_80 = tpu.memref_slice %arg2[%add3A_78] : memref<800000xi32, #tpu.memory_space<hbm>> -> memref<4000xi32, #tpu.memory_space<hbm>>
        tpu.enqueue_dma source(%dma_start3A_80 : memref<4000xi32, #tpu.memory_space<hbm>>) target(%arg8 : memref<4000xi32, #tpu.memory_space<vmem>>) target_semaphore(%arg12 : memref<!tpu.dma_semaphore, #tpu.memory_space<semaphore_mem>>)
        %dma_start3A_81 = tpu.memref_slice %arg3[%add3A_78] : memref<800000xi32, #tpu.memory_space<hbm>> -> memref<4000xi32, #tpu.memory_space<hbm>>
        %dma_start3A_82 = tpu.memref_slice %arg3[%add3A_78] : memref<800000xi32, #tpu.memory_space<hbm>> -> memref<4000xi32, #tpu.memory_space<hbm>>
        tpu.enqueue_dma source(%dma_start3A_82 : memref<4000xi32, #tpu.memory_space<hbm>>) target(%arg9 : memref<4000xi32, #tpu.memory_space<vmem>>) target_semaphore(%arg12 : memref<!tpu.dma_semaphore, #tpu.memory_space<semaphore_mem>>)
      } else {
      }
      %dma_wait3A_59 = arith.constant 0 : i32
      %dma_wait3A_60 = tpu.memref_slice %arg2[%dma_wait3A_59] : memref<800000xi32, #tpu.memory_space<hbm>> -> memref<4000xi32, #tpu.memory_space<hbm>>
      %dma_wait3A_61 = arith.constant 0 : i32
      %dma_wait3A_62 = tpu.memref_slice %arg2[%dma_wait3A_61] : memref<800000xi32, #tpu.memory_space<hbm>> -> memref<4000xi32, #tpu.memory_space<hbm>>
      tpu.wait_dma2 semaphore(%arg13 : memref<!tpu.dma_semaphore, #tpu.memory_space<semaphore_mem>>) src(%dma_wait3A_62 : memref<4000xi32, #tpu.memory_space<hbm>>) dst(%arg10 : memref<4000xi32, #tpu.memory_space<vmem>>)
      %dma_wait3A_63 = arith.constant 0 : i32
      %dma_wait3A_64 = tpu.memref_slice %arg3[%dma_wait3A_63] : memref<800000xi32, #tpu.memory_space<hbm>> -> memref<4000xi32, #tpu.memory_space<hbm>>
      %dma_wait3A_65 = arith.constant 0 : i32
      %dma_wait3A_66 = tpu.memref_slice %arg3[%dma_wait3A_65] : memref<800000xi32, #tpu.memory_space<hbm>> -> memref<4000xi32, #tpu.memory_space<hbm>>
      tpu.wait_dma2 semaphore(%arg13 : memref<!tpu.dma_semaphore, #tpu.memory_space<semaphore_mem>>) src(%dma_wait3A_66 : memref<4000xi32, #tpu.memory_space<hbm>>) dst(%arg11 : memref<4000xi32, #tpu.memory_space<vmem>>)
      %scan3A_67 = arith.constant 0 : i32
      %scan3A_68 = arith.constant 0 : i32
      %scan3A_69 = arith.constant 25 : i32
      %scan3A_70 = arith.addi %scan3A_68, %scan3A_69 : i32
      %scan3A_71 = arith.constant 1 : i32
      scf.for %scan3A_73 = %scan3A_68 to %scan3A_70 step %scan3A_71  : i32 {
        %mul3A_74 = arith.constant 160 : i32
        %mul3A_75 = arith.muli %scan3A_73, %mul3A_74 : i32
        %add3A_76 = arith.constant 0 : i32
        %add3A_77 = arith.addi %mul3A_75, %add3A_76 : i32
        %get3A = arith.index_cast %add3A_77 : i32 to index
        %get3A_78 = tpu.vector_load %arg10[%get3A] {strides = array<i32>} : memref<4000xi32, #tpu.memory_space<vmem>>, vector<16xi32>,
        %add3A_79 = arith.constant 16 : i32
        %add3A_80 = arith.addi %mul3A_75, %add3A_79 : i32
        %get3A_81 = arith.index_cast %add3A_80 : i32 to index
        %get3A_82 = tpu.vector_load %arg10[%get3A_81] {strides = array<i32>} : memref<4000xi32, #tpu.memory_space<vmem>>, vector<16xi32>,
        %add3A_83 = arith.constant 32 : i32
        %add3A_84 = arith.addi %mul3A_75, %add3A_83 : i32
        %get3A_85 = arith.index_cast %add3A_84 : i32 to index
        %get3A_86 = tpu.vector_load %arg10[%get3A_85] {strides = array<i32>} : memref<4000xi32, #tpu.memory_space<vmem>>, vector<16xi32>,
        %add3A_87 = arith.constant 48 : i32
        %add3A_88 = arith.addi %mul3A_75, %add3A_87 : i32
        %get3A_89 = arith.index_cast %add3A_88 : i32 to index
        %get3A_90 = tpu.vector_load %arg10[%get3A_89] {strides = array<i32>} : memref<4000xi32, #tpu.memory_space<vmem>>, vector<16xi32>,
        %add3A_91 = arith.constant 64 : i32
        %add3A_92 = arith.addi %mul3A_75, %add3A_91 : i32
        %get3A_93 = arith.index_cast %add3A_92 : i32 to index
        %get3A_94 = tpu.vector_load %arg10[%get3A_93] {strides = array<i32>} : memref<4000xi32, #tpu.memory_space<vmem>>, vector<16xi32>,
        %add3A_95 = arith.constant 80 : i32
        %add3A_96 = arith.addi %mul3A_75, %add3A_95 : i32
        %get3A_97 = arith.index_cast %add3A_96 : i32 to index
        %get3A_98 = tpu.vector_load %arg10[%get3A_97] {strides = array<i32>} : memref<4000xi32, #tpu.memory_space<vmem>>, vector<16xi32>,
        %add3A_99 = arith.constant 96 : i32
        %add3A_100 = arith.addi %mul3A_75, %add3A_99 : i32
        %get3A_101 = arith.index_cast %add3A_100 : i32 to index
        %get3A_102 = tpu.vector_load %arg10[%get3A_101] {strides = array<i32>} : memref<4000xi32, #tpu.memory_space<vmem>>, vector<16xi32>,
        %add3A_103 = arith.constant 112 : i32
        %add3A_104 = arith.addi %mul3A_75, %add3A_103 : i32
        %get3A_105 = arith.index_cast %add3A_104 : i32 to index
        %get3A_106 = tpu.vector_load %arg10[%get3A_105] {strides = array<i32>} : memref<4000xi32, #tpu.memory_space<vmem>>, vector<16xi32>,
        %add3A_107 = arith.constant 128 : i32
        %add3A_108 = arith.addi %mul3A_75, %add3A_107 : i32
        %get3A_109 = arith.index_cast %add3A_108 : i32 to index
        %get3A_110 = tpu.vector_load %arg10[%get3A_109] {strides = array<i32>} : memref<4000xi32, #tpu.memory_space<vmem>>, vector<16xi32>,
        %add3A_111 = arith.constant 144 : i32
        %add3A_112 = arith.addi %mul3A_75, %add3A_111 : i32
        %get3A_113 = arith.index_cast %add3A_112 : i32 to index
        %get3A_114 = tpu.vector_load %arg10[%get3A_113] {strides = array<i32>} : memref<4000xi32, #tpu.memory_space<vmem>>, vector<16xi32>,
        %add3A_115 = arith.constant 0 : i32
        %add3A_116 = arith.addi %mul3A_75, %add3A_115 : i32
        %get3A_117 = arith.index_cast %add3A_116 : i32 to index
        %get3A_118 = tpu.vector_load %arg11[%get3A_117] {strides = array<i32>} : memref<4000xi32, #tpu.memory_space<vmem>>, vector<16xi32>,
        %add3A_119 = arith.constant 16 : i32
        %add3A_120 = arith.addi %mul3A_75, %add3A_119 : i32
        %get3A_121 = arith.index_cast %add3A_120 : i32 to index
        %get3A_122 = tpu.vector_load %arg11[%get3A_121] {strides = array<i32>} : memref<4000xi32, #tpu.memory_space<vmem>>, vector<16xi32>,
        %add3A_123 = arith.constant 32 : i32
        %add3A_124 = arith.addi %mul3A_75, %add3A_123 : i32
        %get3A_125 = arith.index_cast %add3A_124 : i32 to index
        %get3A_126 = tpu.vector_load %arg11[%get3A_125] {strides = array<i32>} : memref<4000xi32, #tpu.memory_space<vmem>>, vector<16xi32>,
        %add3A_127 = arith.constant 48 : i32
        %add3A_128 = arith.addi %mul3A_75, %add3A_127 : i32
        %get3A_129 = arith.index_cast %add3A_128 : i32 to index
        %get3A_130 = tpu.vector_load %arg11[%get3A_129] {strides = array<i32>} : memref<4000xi32, #tpu.memory_space<vmem>>, vector<16xi32>,
        %add3A_131 = arith.constant 64 : i32
        %add3A_132 = arith.addi %mul3A_75, %add3A_131 : i32
        %get3A_133 = arith.index_cast %add3A_132 : i32 to index
        %get3A_134 = tpu.vector_load %arg11[%get3A_133] {strides = array<i32>} : memref<4000xi32, #tpu.memory_space<vmem>>, vector<16xi32>,
        %add3A_135 = arith.constant 80 : i32
        %add3A_136 = arith.addi %mul3A_75, %add3A_135 : i32
        %get3A_137 = arith.index_cast %add3A_136 : i32 to index
        %get3A_138 = tpu.vector_load %arg11[%get3A_137] {strides = array<i32>} : memref<4000xi32, #tpu.memory_space<vmem>>, vector<16xi32>,
        %add3A_139 = arith.constant 96 : i32
        %add3A_140 = arith.addi %mul3A_75, %add3A_139 : i32
        %get3A_141 = arith.index_cast %add3A_140 : i32 to index
        %get3A_142 = tpu.vector_load %arg11[%get3A_141] {strides = array<i32>} : memref<4000xi32, #tpu.memory_space<vmem>>, vector<16xi32>,
        %add3A_143 = arith.constant 112 : i32
        %add3A_144 = arith.addi %mul3A_75, %add3A_143 : i32
        %get3A_145 = arith.index_cast %add3A_144 : i32 to index
        %get3A_146 = tpu.vector_load %arg11[%get3A_145] {strides = array<i32>} : memref<4000xi32, #tpu.memory_space<vmem>>, vector<16xi32>,
        %add3A_147 = arith.constant 128 : i32
        %add3A_148 = arith.addi %mul3A_75, %add3A_147 : i32
        %get3A_149 = arith.index_cast %add3A_148 : i32 to index
        %get3A_150 = tpu.vector_load %arg11[%get3A_149] {strides = array<i32>} : memref<4000xi32, #tpu.memory_space<vmem>>, vector<16xi32>,
        %add3A_151 = arith.constant 144 : i32
        %add3A_152 = arith.addi %mul3A_75, %add3A_151 : i32
        %get3A_153 = arith.index_cast %add3A_152 : i32 to index
        %get3A_154 = tpu.vector_load %arg11[%get3A_153] {strides = array<i32>} : memref<4000xi32, #tpu.memory_space<vmem>>, vector<16xi32>,
        %gather3A = tpu.vector_load_idx %arg6[%get3A_78] : memref<50048xf32, #tpu.memory_space<vmem>>[vector<16xi32>], vector<16xf32>,
        %gather3A_155 = tpu.vector_load_idx %arg6[%get3A_82] : memref<50048xf32, #tpu.memory_space<vmem>>[vector<16xi32>], vector<16xf32>,
        %gather3A_156 = tpu.vector_load_idx %arg6[%get3A_86] : memref<50048xf32, #tpu.memory_space<vmem>>[vector<16xi32>], vector<16xf32>,
        %gather3A_157 = tpu.vector_load_idx %arg6[%get3A_90] : memref<50048xf32, #tpu.memory_space<vmem>>[vector<16xi32>], vector<16xf32>,
        %gather3A_158 = tpu.vector_load_idx %arg6[%get3A_94] : memref<50048xf32, #tpu.memory_space<vmem>>[vector<16xi32>], vector<16xf32>,
        %gather3A_159 = tpu.vector_load_idx %arg6[%get3A_98] : memref<50048xf32, #tpu.memory_space<vmem>>[vector<16xi32>], vector<16xf32>,
        %gather3A_160 = tpu.vector_load_idx %arg6[%get3A_102] : memref<50048xf32, #tpu.memory_space<vmem>>[vector<16xi32>], vector<16xf32>,
        %gather3A_161 = tpu.vector_load_idx %arg6[%get3A_106] : memref<50048xf32, #tpu.memory_space<vmem>>[vector<16xi32>], vector<16xf32>,
        %gather3A_162 = tpu.vector_load_idx %arg6[%get3A_110] : memref<50048xf32, #tpu.memory_space<vmem>>[vector<16xi32>], vector<16xf32>,
        %gather3A_163 = tpu.vector_load_idx %arg6[%get3A_114] : memref<50048xf32, #tpu.memory_space<vmem>>[vector<16xi32>], vector<16xf32>,
        tpu.vector_store_idx %arg7[%get3A_118], %gather3A {add = true} : memref<50048xf32, #tpu.memory_space<vmem>>[vector<16xi32>], vector<16xf32>,
        tpu.vector_store_idx %arg7[%get3A_122], %gather3A_155 {add = true} : memref<50048xf32, #tpu.memory_space<vmem>>[vector<16xi32>], vector<16xf32>,
        tpu.vector_store_idx %arg7[%get3A_126], %gather3A_156 {add = true} : memref<50048xf32, #tpu.memory_space<vmem>>[vector<16xi32>], vector<16xf32>,
        tpu.vector_store_idx %arg7[%get3A_130], %gather3A_157 {add = true} : memref<50048xf32, #tpu.memory_space<vmem>>[vector<16xi32>], vector<16xf32>,
        tpu.vector_store_idx %arg7[%get3A_134], %gather3A_158 {add = true} : memref<50048xf32, #tpu.memory_space<vmem>>[vector<16xi32>], vector<16xf32>,
        tpu.vector_store_idx %arg7[%get3A_138], %gather3A_159 {add = true} : memref<50048xf32, #tpu.memory_space<vmem>>[vector<16xi32>], vector<16xf32>,
        tpu.vector_store_idx %arg7[%get3A_142], %gather3A_160 {add = true} : memref<50048xf32, #tpu.memory_space<vmem>>[vector<16xi32>], vector<16xf32>,
        tpu.vector_store_idx %arg7[%get3A_146], %gather3A_161 {add = true} : memref<50048xf32, #tpu.memory_space<vmem>>[vector<16xi32>], vector<16xf32>,
        tpu.vector_store_idx %arg7[%get3A_150], %gather3A_162 {add = true} : memref<50048xf32, #tpu.memory_space<vmem>>[vector<16xi32>], vector<16xf32>,
        tpu.vector_store_idx %arg7[%get3A_154], %gather3A_163 {add = true} : memref<50048xf32, #tpu.memory_space<vmem>>[vector<16xi32>], vector<16xf32>,
      }
      %scan3A_72 = arith.constant 25 : i32
    }
    %scan3A_14 = arith.constant 100 : i32
    "tpu.region"() ({
      %run_scoped3A = tpu.sem_alloc : memref<!tpu.dma_semaphore, #tpu.memory_space<semaphore_mem>>
      %dma_start3A_31 = arith.constant 0 : i32
      %dma_start3A_32 = tpu.memref_slice %arg5[%add3A_2, %dma_start3A_31] : memref<64x50048xf32, #tpu.memory_space<hbm>> -> memref<1x50048xf32, #tpu.memory_space<hbm>>
      %dma_start3A_33 = tpu.memref_squeeze %dma_start3A_32 : memref<1x50048xf32, #tpu.memory_space<hbm>> -> memref<50048xf32, #tpu.memory_space<hbm>>
      %dma_start3A_34 = arith.constant 0 : i32
      %dma_start3A_35 = tpu.memref_slice %arg5[%add3A_2, %dma_start3A_34] : memref<64x50048xf32, #tpu.memory_space<hbm>> -> memref<1x50048xf32, #tpu.memory_space<hbm>>
      %dma_start3A_36 = tpu.memref_squeeze %dma_start3A_35 : memref<1x50048xf32, #tpu.memory_space<hbm>> -> memref<50048xf32, #tpu.memory_space<hbm>>
      tpu.enqueue_dma source(%arg7 : memref<50048xf32, #tpu.memory_space<vmem>>) target(%dma_start3A_36 : memref<50048xf32, #tpu.memory_space<hbm>>) target_semaphore(%run_scoped3A : memref<!tpu.dma_semaphore, #tpu.memory_space<semaphore_mem>>)
      %dma_wait3A = arith.constant 0 : i32
      %dma_wait3A_37 = tpu.memref_slice %arg5[%add3A_2, %dma_wait3A] : memref<64x50048xf32, #tpu.memory_space<hbm>> -> memref<1x50048xf32, #tpu.memory_space<hbm>>
      %dma_wait3A_38 = tpu.memref_squeeze %dma_wait3A_37 : memref<1x50048xf32, #tpu.memory_space<hbm>> -> memref<50048xf32, #tpu.memory_space<hbm>>
      %dma_wait3A_39 = arith.constant 0 : i32
      %dma_wait3A_40 = tpu.memref_slice %arg5[%add3A_2, %dma_wait3A_39] : memref<64x50048xf32, #tpu.memory_space<hbm>> -> memref<1x50048xf32, #tpu.memory_space<hbm>>
      %dma_wait3A_41 = tpu.memref_squeeze %dma_wait3A_40 : memref<1x50048xf32, #tpu.memory_space<hbm>> -> memref<50048xf32, #tpu.memory_space<hbm>>
      tpu.wait_dma2 semaphore(%run_scoped3A : memref<!tpu.dma_semaphore, #tpu.memory_space<semaphore_mem>>) src(%arg7 : memref<50048xf32, #tpu.memory_space<vmem>>) dst(%dma_wait3A_41 : memref<50048xf32, #tpu.memory_space<hbm>>)
      tpu.yield
    }) : () -> ()
    %add3A_15 = arith.constant 32 : i32
    %add3A_16 = arith.addi %add3A, %add3A_15 : i32
    "tpu.region"() ({
      %run_scoped3A = tpu.sem_alloc : memref<!tpu.dma_semaphore, #tpu.memory_space<semaphore_mem>>
      %dma_start3A_31 = arith.constant 0 : i32
      %dma_start3A_32 = tpu.memref_slice %arg4[%add3A_16, %dma_start3A_31] : memref<64x50048xf32, #tpu.memory_space<hbm>> -> memref<1x50048xf32, #tpu.memory_space<hbm>>
      %dma_start3A_33 = tpu.memref_squeeze %dma_start3A_32 : memref<1x50048xf32, #tpu.memory_space<hbm>> -> memref<50048xf32, #tpu.memory_space<hbm>>
      %dma_start3A_34 = arith.constant 0 : i32
      %dma_start3A_35 = tpu.memref_slice %arg4[%add3A_16, %dma_start3A_34] : memref<64x50048xf32, #tpu.memory_space<hbm>> -> memref<1x50048xf32, #tpu.memory_space<hbm>>
      %dma_start3A_36 = tpu.memref_squeeze %dma_start3A_35 : memref<1x50048xf32, #tpu.memory_space<hbm>> -> memref<50048xf32, #tpu.memory_space<hbm>>
      tpu.enqueue_dma source(%dma_start3A_36 : memref<50048xf32, #tpu.memory_space<hbm>>) target(%arg6 : memref<50048xf32, #tpu.memory_space<vmem>>) target_semaphore(%run_scoped3A : memref<!tpu.dma_semaphore, #tpu.memory_space<semaphore_mem>>)
      %dma_wait3A = arith.constant 0 : i32
      %dma_wait3A_37 = tpu.memref_slice %arg4[%add3A_16, %dma_wait3A] : memref<64x50048xf32, #tpu.memory_space<hbm>> -> memref<1x50048xf32, #tpu.memory_space<hbm>>
      %dma_wait3A_38 = tpu.memref_squeeze %dma_wait3A_37 : memref<1x50048xf32, #tpu.memory_space<hbm>> -> memref<50048xf32, #tpu.memory_space<hbm>>
      %dma_wait3A_39 = arith.constant 0 : i32
      %dma_wait3A_40 = tpu.memref_slice %arg4[%add3A_16, %dma_wait3A_39] : memref<64x50048xf32, #tpu.memory_space<hbm>> -> memref<1x50048xf32, #tpu.memory_space<hbm>>
      %dma_wait3A_41 = tpu.memref_squeeze %dma_wait3A_40 : memref<1x50048xf32, #tpu.memory_space<hbm>> -> memref<50048xf32, #tpu.memory_space<hbm>>
      tpu.wait_dma2 semaphore(%run_scoped3A : memref<!tpu.dma_semaphore, #tpu.memory_space<semaphore_mem>>) src(%dma_wait3A_41 : memref<50048xf32, #tpu.memory_space<hbm>>) dst(%arg6 : memref<50048xf32, #tpu.memory_space<vmem>>)
      tpu.yield
    }) : () -> ()
    "tpu.region"() ({
      %run_scoped3A = tpu.sem_alloc : memref<!tpu.dma_semaphore, #tpu.memory_space<semaphore_mem>>
      %dma_start3A_31 = arith.constant 0 : i32
      %dma_start3A_32 = tpu.memref_slice %arg4[%add3A_16, %dma_start3A_31] : memref<64x50048xf32, #tpu.memory_space<hbm>> -> memref<1x50048xf32, #tpu.memory_space<hbm>>
      %dma_start3A_33 = tpu.memref_squeeze %dma_start3A_32 : memref<1x50048xf32, #tpu.memory_space<hbm>> -> memref<50048xf32, #tpu.memory_space<hbm>>
      %dma_start3A_34 = arith.constant 0 : i32
      %dma_start3A_35 = tpu.memref_slice %arg4[%add3A_16, %dma_start3A_34] : memref<64x50048xf32, #tpu.memory_space<hbm>> -> memref<1x50048xf32, #tpu.memory_space<hbm>>
      %dma_start3A_36 = tpu.memref_squeeze %dma_start3A_35 : memref<1x50048xf32, #tpu.memory_space<hbm>> -> memref<50048xf32, #tpu.memory_space<hbm>>
      tpu.enqueue_dma source(%dma_start3A_36 : memref<50048xf32, #tpu.memory_space<hbm>>) target(%arg7 : memref<50048xf32, #tpu.memory_space<vmem>>) target_semaphore(%run_scoped3A : memref<!tpu.dma_semaphore, #tpu.memory_space<semaphore_mem>>)
      %dma_wait3A = arith.constant 0 : i32
      %dma_wait3A_37 = tpu.memref_slice %arg4[%add3A_16, %dma_wait3A] : memref<64x50048xf32, #tpu.memory_space<hbm>> -> memref<1x50048xf32, #tpu.memory_space<hbm>>
      %dma_wait3A_38 = tpu.memref_squeeze %dma_wait3A_37 : memref<1x50048xf32, #tpu.memory_space<hbm>> -> memref<50048xf32, #tpu.memory_space<hbm>>
      %dma_wait3A_39 = arith.constant 0 : i32
      %dma_wait3A_40 = tpu.memref_slice %arg4[%add3A_16, %dma_wait3A_39] : memref<64x50048xf32, #tpu.memory_space<hbm>> -> memref<1x50048xf32, #tpu.memory_space<hbm>>
      %dma_wait3A_41 = tpu.memref_squeeze %dma_wait3A_40 : memref<1x50048xf32, #tpu.memory_space<hbm>> -> memref<50048xf32, #tpu.memory_space<hbm>>
      tpu.wait_dma2 semaphore(%run_scoped3A : memref<!tpu.dma_semaphore, #tpu.memory_space<semaphore_mem>>) src(%dma_wait3A_41 : memref<50048xf32, #tpu.memory_space<hbm>>) dst(%arg7 : memref<50048xf32, #tpu.memory_space<vmem>>)
      tpu.yield
    }) : () -> ()
    %dma_start3A_17 = arith.constant 0 : i32
    %dma_start3A_18 = tpu.memref_slice %arg2[%dma_start3A_17] : memref<800000xi32, #tpu.memory_space<hbm>> -> memref<4000xi32, #tpu.memory_space<hbm>>
    %dma_start3A_19 = arith.constant 0 : i32
    %dma_start3A_20 = tpu.memref_slice %arg2[%dma_start3A_19] : memref<800000xi32, #tpu.memory_space<hbm>> -> memref<4000xi32, #tpu.memory_space<hbm>>
    tpu.enqueue_dma source(%dma_start3A_20 : memref<4000xi32, #tpu.memory_space<hbm>>) target(%arg8 : memref<4000xi32, #tpu.memory_space<vmem>>) target_semaphore(%arg12 : memref<!tpu.dma_semaphore, #tpu.memory_space<semaphore_mem>>)
    %dma_start3A_21 = arith.constant 0 : i32
    %dma_start3A_22 = tpu.memref_slice %arg3[%dma_start3A_21] : memref<800000xi32, #tpu.memory_space<hbm>> -> memref<4000xi32, #tpu.memory_space<hbm>>
    %dma_start3A_23 = arith.constant 0 : i32
    %dma_start3A_24 = tpu.memref_slice %arg3[%dma_start3A_23] : memref<800000xi32, #tpu.memory_space<hbm>> -> memref<4000xi32, #tpu.memory_space<hbm>>
    tpu.enqueue_dma source(%dma_start3A_24 : memref<4000xi32, #tpu.memory_space<hbm>>) target(%arg9 : memref<4000xi32, #tpu.memory_space<vmem>>) target_semaphore(%arg12 : memref<!tpu.dma_semaphore, #tpu.memory_space<semaphore_mem>>)
    %scan3A_25 = arith.constant 0 : i32
    %scan3A_26 = arith.constant 0 : i32
    %scan3A_27 = arith.constant 100 : i32
    %scan3A_28 = arith.addi %scan3A_26, %scan3A_27 : i32
    %scan3A_29 = arith.constant 1 : i32
    scf.for %scan3A_31 = %scan3A_26 to %scan3A_28 step %scan3A_29  : i32 {
      %mul3A_32 = arith.constant 2 : i32
      %mul3A_33 = arith.muli %mul3A_32, %scan3A_31 : i32
      %add3A_34 = arith.constant 1 : i32
      %add3A_35 = arith.addi %mul3A_33, %add3A_34 : i32
      %mul3A_36 = arith.constant 4000 : i32
      %mul3A_37 = arith.muli %add3A_35, %mul3A_36 : i32
      %add3A_38 = arith.constant 0 : i32
      %add3A_39 = arith.addi %add3A_38, %mul3A_37 : i32
      %dma_start3A_40 = tpu.memref_slice %arg2[%add3A_39] : memref<800000xi32, #tpu.memory_space<hbm>> -> memref<4000xi32, #tpu.memory_space<hbm>>
      %dma_start3A_41 = tpu.memref_slice %arg2[%add3A_39] : memref<800000xi32, #tpu.memory_space<hbm>> -> memref<4000xi32, #tpu.memory_space<hbm>>
      tpu.enqueue_dma source(%dma_start3A_41 : memref<4000xi32, #tpu.memory_space<hbm>>) target(%arg10 : memref<4000xi32, #tpu.memory_space<vmem>>) target_semaphore(%arg13 : memref<!tpu.dma_semaphore, #tpu.memory_space<semaphore_mem>>)
      %dma_start3A_42 = tpu.memref_slice %arg3[%add3A_39] : memref<800000xi32, #tpu.memory_space<hbm>> -> memref<4000xi32, #tpu.memory_space<hbm>>
      %dma_start3A_43 = tpu.memref_slice %arg3[%add3A_39] : memref<800000xi32, #tpu.memory_space<hbm>> -> memref<4000xi32, #tpu.memory_space<hbm>>
      tpu.enqueue_dma source(%dma_start3A_43 : memref<4000xi32, #tpu.memory_space<hbm>>) target(%arg11 : memref<4000xi32, #tpu.memory_space<vmem>>) target_semaphore(%arg13 : memref<!tpu.dma_semaphore, #tpu.memory_space<semaphore_mem>>)
      %dma_wait3A = arith.constant 0 : i32
      %dma_wait3A_44 = tpu.memref_slice %arg2[%dma_wait3A] : memref<800000xi32, #tpu.memory_space<hbm>> -> memref<4000xi32, #tpu.memory_space<hbm>>
      %dma_wait3A_45 = arith.constant 0 : i32
      %dma_wait3A_46 = tpu.memref_slice %arg2[%dma_wait3A_45] : memref<800000xi32, #tpu.memory_space<hbm>> -> memref<4000xi32, #tpu.memory_space<hbm>>
      tpu.wait_dma2 semaphore(%arg12 : memref<!tpu.dma_semaphore, #tpu.memory_space<semaphore_mem>>) src(%dma_wait3A_46 : memref<4000xi32, #tpu.memory_space<hbm>>) dst(%arg8 : memref<4000xi32, #tpu.memory_space<vmem>>)
      %dma_wait3A_47 = arith.constant 0 : i32
      %dma_wait3A_48 = tpu.memref_slice %arg3[%dma_wait3A_47] : memref<800000xi32, #tpu.memory_space<hbm>> -> memref<4000xi32, #tpu.memory_space<hbm>>
      %dma_wait3A_49 = arith.constant 0 : i32
      %dma_wait3A_50 = tpu.memref_slice %arg3[%dma_wait3A_49] : memref<800000xi32, #tpu.memory_space<hbm>> -> memref<4000xi32, #tpu.memory_space<hbm>>
      tpu.wait_dma2 semaphore(%arg12 : memref<!tpu.dma_semaphore, #tpu.memory_space<semaphore_mem>>) src(%dma_wait3A_50 : memref<4000xi32, #tpu.memory_space<hbm>>) dst(%arg9 : memref<4000xi32, #tpu.memory_space<vmem>>)
      %scan3A_51 = arith.constant 0 : i32
      %scan3A_52 = arith.constant 0 : i32
      %scan3A_53 = arith.constant 25 : i32
      %scan3A_54 = arith.addi %scan3A_52, %scan3A_53 : i32
      %scan3A_55 = arith.constant 1 : i32
      scf.for %scan3A_73 = %scan3A_52 to %scan3A_54 step %scan3A_55  : i32 {
        %mul3A_74 = arith.constant 160 : i32
        %mul3A_75 = arith.muli %scan3A_73, %mul3A_74 : i32
        %add3A_76 = arith.constant 0 : i32
        %add3A_77 = arith.addi %mul3A_75, %add3A_76 : i32
        %get3A = arith.index_cast %add3A_77 : i32 to index
        %get3A_78 = tpu.vector_load %arg8[%get3A] {strides = array<i32>} : memref<4000xi32, #tpu.memory_space<vmem>>, vector<16xi32>,
        %add3A_79 = arith.constant 16 : i32
        %add3A_80 = arith.addi %mul3A_75, %add3A_79 : i32
        %get3A_81 = arith.index_cast %add3A_80 : i32 to index
        %get3A_82 = tpu.vector_load %arg8[%get3A_81] {strides = array<i32>} : memref<4000xi32, #tpu.memory_space<vmem>>, vector<16xi32>,
        %add3A_83 = arith.constant 32 : i32
        %add3A_84 = arith.addi %mul3A_75, %add3A_83 : i32
        %get3A_85 = arith.index_cast %add3A_84 : i32 to index
        %get3A_86 = tpu.vector_load %arg8[%get3A_85] {strides = array<i32>} : memref<4000xi32, #tpu.memory_space<vmem>>, vector<16xi32>,
        %add3A_87 = arith.constant 48 : i32
        %add3A_88 = arith.addi %mul3A_75, %add3A_87 : i32
        %get3A_89 = arith.index_cast %add3A_88 : i32 to index
        %get3A_90 = tpu.vector_load %arg8[%get3A_89] {strides = array<i32>} : memref<4000xi32, #tpu.memory_space<vmem>>, vector<16xi32>,
        %add3A_91 = arith.constant 64 : i32
        %add3A_92 = arith.addi %mul3A_75, %add3A_91 : i32
        %get3A_93 = arith.index_cast %add3A_92 : i32 to index
        %get3A_94 = tpu.vector_load %arg8[%get3A_93] {strides = array<i32>} : memref<4000xi32, #tpu.memory_space<vmem>>, vector<16xi32>,
        %add3A_95 = arith.constant 80 : i32
        %add3A_96 = arith.addi %mul3A_75, %add3A_95 : i32
        %get3A_97 = arith.index_cast %add3A_96 : i32 to index
        %get3A_98 = tpu.vector_load %arg8[%get3A_97] {strides = array<i32>} : memref<4000xi32, #tpu.memory_space<vmem>>, vector<16xi32>,
        %add3A_99 = arith.constant 96 : i32
        %add3A_100 = arith.addi %mul3A_75, %add3A_99 : i32
        %get3A_101 = arith.index_cast %add3A_100 : i32 to index
        %get3A_102 = tpu.vector_load %arg8[%get3A_101] {strides = array<i32>} : memref<4000xi32, #tpu.memory_space<vmem>>, vector<16xi32>,
        %add3A_103 = arith.constant 112 : i32
        %add3A_104 = arith.addi %mul3A_75, %add3A_103 : i32
        %get3A_105 = arith.index_cast %add3A_104 : i32 to index
        %get3A_106 = tpu.vector_load %arg8[%get3A_105] {strides = array<i32>} : memref<4000xi32, #tpu.memory_space<vmem>>, vector<16xi32>,
        %add3A_107 = arith.constant 128 : i32
        %add3A_108 = arith.addi %mul3A_75, %add3A_107 : i32
        %get3A_109 = arith.index_cast %add3A_108 : i32 to index
        %get3A_110 = tpu.vector_load %arg8[%get3A_109] {strides = array<i32>} : memref<4000xi32, #tpu.memory_space<vmem>>, vector<16xi32>,
        %add3A_111 = arith.constant 144 : i32
        %add3A_112 = arith.addi %mul3A_75, %add3A_111 : i32
        %get3A_113 = arith.index_cast %add3A_112 : i32 to index
        %get3A_114 = tpu.vector_load %arg8[%get3A_113] {strides = array<i32>} : memref<4000xi32, #tpu.memory_space<vmem>>, vector<16xi32>,
        %add3A_115 = arith.constant 0 : i32
        %add3A_116 = arith.addi %mul3A_75, %add3A_115 : i32
        %get3A_117 = arith.index_cast %add3A_116 : i32 to index
        %get3A_118 = tpu.vector_load %arg9[%get3A_117] {strides = array<i32>} : memref<4000xi32, #tpu.memory_space<vmem>>, vector<16xi32>,
        %add3A_119 = arith.constant 16 : i32
        %add3A_120 = arith.addi %mul3A_75, %add3A_119 : i32
        %get3A_121 = arith.index_cast %add3A_120 : i32 to index
        %get3A_122 = tpu.vector_load %arg9[%get3A_121] {strides = array<i32>} : memref<4000xi32, #tpu.memory_space<vmem>>, vector<16xi32>,
        %add3A_123 = arith.constant 32 : i32
        %add3A_124 = arith.addi %mul3A_75, %add3A_123 : i32
        %get3A_125 = arith.index_cast %add3A_124 : i32 to index
        %get3A_126 = tpu.vector_load %arg9[%get3A_125] {strides = array<i32>} : memref<4000xi32, #tpu.memory_space<vmem>>, vector<16xi32>,
        %add3A_127 = arith.constant 48 : i32
        %add3A_128 = arith.addi %mul3A_75, %add3A_127 : i32
        %get3A_129 = arith.index_cast %add3A_128 : i32 to index
        %get3A_130 = tpu.vector_load %arg9[%get3A_129] {strides = array<i32>} : memref<4000xi32, #tpu.memory_space<vmem>>, vector<16xi32>,
        %add3A_131 = arith.constant 64 : i32
        %add3A_132 = arith.addi %mul3A_75, %add3A_131 : i32
        %get3A_133 = arith.index_cast %add3A_132 : i32 to index
        %get3A_134 = tpu.vector_load %arg9[%get3A_133] {strides = array<i32>} : memref<4000xi32, #tpu.memory_space<vmem>>, vector<16xi32>,
        %add3A_135 = arith.constant 80 : i32
        %add3A_136 = arith.addi %mul3A_75, %add3A_135 : i32
        %get3A_137 = arith.index_cast %add3A_136 : i32 to index
        %get3A_138 = tpu.vector_load %arg9[%get3A_137] {strides = array<i32>} : memref<4000xi32, #tpu.memory_space<vmem>>, vector<16xi32>,
        %add3A_139 = arith.constant 96 : i32
        %add3A_140 = arith.addi %mul3A_75, %add3A_139 : i32
        %get3A_141 = arith.index_cast %add3A_140 : i32 to index
        %get3A_142 = tpu.vector_load %arg9[%get3A_141] {strides = array<i32>} : memref<4000xi32, #tpu.memory_space<vmem>>, vector<16xi32>,
        %add3A_143 = arith.constant 112 : i32
        %add3A_144 = arith.addi %mul3A_75, %add3A_143 : i32
        %get3A_145 = arith.index_cast %add3A_144 : i32 to index
        %get3A_146 = tpu.vector_load %arg9[%get3A_145] {strides = array<i32>} : memref<4000xi32, #tpu.memory_space<vmem>>, vector<16xi32>,
        %add3A_147 = arith.constant 128 : i32
        %add3A_148 = arith.addi %mul3A_75, %add3A_147 : i32
        %get3A_149 = arith.index_cast %add3A_148 : i32 to index
        %get3A_150 = tpu.vector_load %arg9[%get3A_149] {strides = array<i32>} : memref<4000xi32, #tpu.memory_space<vmem>>, vector<16xi32>,
        %add3A_151 = arith.constant 144 : i32
        %add3A_152 = arith.addi %mul3A_75, %add3A_151 : i32
        %get3A_153 = arith.index_cast %add3A_152 : i32 to index
        %get3A_154 = tpu.vector_load %arg9[%get3A_153] {strides = array<i32>} : memref<4000xi32, #tpu.memory_space<vmem>>, vector<16xi32>,
        %gather3A = tpu.vector_load_idx %arg6[%get3A_78] : memref<50048xf32, #tpu.memory_space<vmem>>[vector<16xi32>], vector<16xf32>,
        %gather3A_155 = tpu.vector_load_idx %arg6[%get3A_82] : memref<50048xf32, #tpu.memory_space<vmem>>[vector<16xi32>], vector<16xf32>,
        %gather3A_156 = tpu.vector_load_idx %arg6[%get3A_86] : memref<50048xf32, #tpu.memory_space<vmem>>[vector<16xi32>], vector<16xf32>,
        %gather3A_157 = tpu.vector_load_idx %arg6[%get3A_90] : memref<50048xf32, #tpu.memory_space<vmem>>[vector<16xi32>], vector<16xf32>,
        %gather3A_158 = tpu.vector_load_idx %arg6[%get3A_94] : memref<50048xf32, #tpu.memory_space<vmem>>[vector<16xi32>], vector<16xf32>,
        %gather3A_159 = tpu.vector_load_idx %arg6[%get3A_98] : memref<50048xf32, #tpu.memory_space<vmem>>[vector<16xi32>], vector<16xf32>,
        %gather3A_160 = tpu.vector_load_idx %arg6[%get3A_102] : memref<50048xf32, #tpu.memory_space<vmem>>[vector<16xi32>], vector<16xf32>,
        %gather3A_161 = tpu.vector_load_idx %arg6[%get3A_106] : memref<50048xf32, #tpu.memory_space<vmem>>[vector<16xi32>], vector<16xf32>,
        %gather3A_162 = tpu.vector_load_idx %arg6[%get3A_110] : memref<50048xf32, #tpu.memory_space<vmem>>[vector<16xi32>], vector<16xf32>,
        %gather3A_163 = tpu.vector_load_idx %arg6[%get3A_114] : memref<50048xf32, #tpu.memory_space<vmem>>[vector<16xi32>], vector<16xf32>,
        tpu.vector_store_idx %arg7[%get3A_118], %gather3A {add = true} : memref<50048xf32, #tpu.memory_space<vmem>>[vector<16xi32>], vector<16xf32>,
        tpu.vector_store_idx %arg7[%get3A_122], %gather3A_155 {add = true} : memref<50048xf32, #tpu.memory_space<vmem>>[vector<16xi32>], vector<16xf32>,
        tpu.vector_store_idx %arg7[%get3A_126], %gather3A_156 {add = true} : memref<50048xf32, #tpu.memory_space<vmem>>[vector<16xi32>], vector<16xf32>,
        tpu.vector_store_idx %arg7[%get3A_130], %gather3A_157 {add = true} : memref<50048xf32, #tpu.memory_space<vmem>>[vector<16xi32>], vector<16xf32>,
        tpu.vector_store_idx %arg7[%get3A_134], %gather3A_158 {add = true} : memref<50048xf32, #tpu.memory_space<vmem>>[vector<16xi32>], vector<16xf32>,
        tpu.vector_store_idx %arg7[%get3A_138], %gather3A_159 {add = true} : memref<50048xf32, #tpu.memory_space<vmem>>[vector<16xi32>], vector<16xf32>,
        tpu.vector_store_idx %arg7[%get3A_142], %gather3A_160 {add = true} : memref<50048xf32, #tpu.memory_space<vmem>>[vector<16xi32>], vector<16xf32>,
        tpu.vector_store_idx %arg7[%get3A_146], %gather3A_161 {add = true} : memref<50048xf32, #tpu.memory_space<vmem>>[vector<16xi32>], vector<16xf32>,
        tpu.vector_store_idx %arg7[%get3A_150], %gather3A_162 {add = true} : memref<50048xf32, #tpu.memory_space<vmem>>[vector<16xi32>], vector<16xf32>,
        tpu.vector_store_idx %arg7[%get3A_154], %gather3A_163 {add = true} : memref<50048xf32, #tpu.memory_space<vmem>>[vector<16xi32>], vector<16xf32>,
      }
      %scan3A_56 = arith.constant 25 : i32
      %lt3A = arith.constant 99 : i32
      %lt3A_57 = arith.cmpi slt, %scan3A_31, %lt3A : i32
      %convert_element_type3A = arith.extui %lt3A_57 : i1 to i32
      %cond3A = arith.constant 0 : i32
      %cond3A_58 = arith.cmpi ne, %convert_element_type3A, %cond3A : i32
      scf.if %cond3A_58 {
        %add3A_73 = arith.constant 2 : i32
        %add3A_74 = arith.addi %mul3A_33, %add3A_73 : i32
        %mul3A_75 = arith.constant 4000 : i32
        %mul3A_76 = arith.muli %add3A_74, %mul3A_75 : i32
        %add3A_77 = arith.constant 0 : i32
        %add3A_78 = arith.addi %add3A_77, %mul3A_76 : i32
        %dma_start3A_79 = tpu.memref_slice %arg2[%add3A_78] : memref<800000xi32, #tpu.memory_space<hbm>> -> memref<4000xi32, #tpu.memory_space<hbm>>
        %dma_start3A_80 = tpu.memref_slice %arg2[%add3A_78] : memref<800000xi32, #tpu.memory_space<hbm>> -> memref<4000xi32, #tpu.memory_space<hbm>>
        tpu.enqueue_dma source(%dma_start3A_80 : memref<4000xi32, #tpu.memory_space<hbm>>) target(%arg8 : memref<4000xi32, #tpu.memory_space<vmem>>) target_semaphore(%arg12 : memref<!tpu.dma_semaphore, #tpu.memory_space<semaphore_mem>>)
        %dma_start3A_81 = tpu.memref_slice %arg3[%add3A_78] : memref<800000xi32, #tpu.memory_space<hbm>> -> memref<4000xi32, #tpu.memory_space<hbm>>
        %dma_start3A_82 = tpu.memref_slice %arg3[%add3A_78] : memref<800000xi32, #tpu.memory_space<hbm>> -> memref<4000xi32, #tpu.memory_space<hbm>>
        tpu.enqueue_dma source(%dma_start3A_82 : memref<4000xi32, #tpu.memory_space<hbm>>) target(%arg9 : memref<4000xi32, #tpu.memory_space<vmem>>) target_semaphore(%arg12 : memref<!tpu.dma_semaphore, #tpu.memory_space<semaphore_mem>>)
      } else {
      }
      %dma_wait3A_59 = arith.constant 0 : i32
      %dma_wait3A_60 = tpu.memref_slice %arg2[%dma_wait3A_59] : memref<800000xi32, #tpu.memory_space<hbm>> -> memref<4000xi32, #tpu.memory_space<hbm>>
      %dma_wait3A_61 = arith.constant 0 : i32
      %dma_wait3A_62 = tpu.memref_slice %arg2[%dma_wait3A_61] : memref<800000xi32, #tpu.memory_space<hbm>> -> memref<4000xi32, #tpu.memory_space<hbm>>
      tpu.wait_dma2 semaphore(%arg13 : memref<!tpu.dma_semaphore, #tpu.memory_space<semaphore_mem>>) src(%dma_wait3A_62 : memref<4000xi32, #tpu.memory_space<hbm>>) dst(%arg10 : memref<4000xi32, #tpu.memory_space<vmem>>)
      %dma_wait3A_63 = arith.constant 0 : i32
      %dma_wait3A_64 = tpu.memref_slice %arg3[%dma_wait3A_63] : memref<800000xi32, #tpu.memory_space<hbm>> -> memref<4000xi32, #tpu.memory_space<hbm>>
      %dma_wait3A_65 = arith.constant 0 : i32
      %dma_wait3A_66 = tpu.memref_slice %arg3[%dma_wait3A_65] : memref<800000xi32, #tpu.memory_space<hbm>> -> memref<4000xi32, #tpu.memory_space<hbm>>
      tpu.wait_dma2 semaphore(%arg13 : memref<!tpu.dma_semaphore, #tpu.memory_space<semaphore_mem>>) src(%dma_wait3A_66 : memref<4000xi32, #tpu.memory_space<hbm>>) dst(%arg11 : memref<4000xi32, #tpu.memory_space<vmem>>)
      %scan3A_67 = arith.constant 0 : i32
      %scan3A_68 = arith.constant 0 : i32
      %scan3A_69 = arith.constant 25 : i32
      %scan3A_70 = arith.addi %scan3A_68, %scan3A_69 : i32
      %scan3A_71 = arith.constant 1 : i32
      scf.for %scan3A_73 = %scan3A_68 to %scan3A_70 step %scan3A_71  : i32 {
        %mul3A_74 = arith.constant 160 : i32
        %mul3A_75 = arith.muli %scan3A_73, %mul3A_74 : i32
        %add3A_76 = arith.constant 0 : i32
        %add3A_77 = arith.addi %mul3A_75, %add3A_76 : i32
        %get3A = arith.index_cast %add3A_77 : i32 to index
        %get3A_78 = tpu.vector_load %arg10[%get3A] {strides = array<i32>} : memref<4000xi32, #tpu.memory_space<vmem>>, vector<16xi32>,
        %add3A_79 = arith.constant 16 : i32
        %add3A_80 = arith.addi %mul3A_75, %add3A_79 : i32
        %get3A_81 = arith.index_cast %add3A_80 : i32 to index
        %get3A_82 = tpu.vector_load %arg10[%get3A_81] {strides = array<i32>} : memref<4000xi32, #tpu.memory_space<vmem>>, vector<16xi32>,
        %add3A_83 = arith.constant 32 : i32
        %add3A_84 = arith.addi %mul3A_75, %add3A_83 : i32
        %get3A_85 = arith.index_cast %add3A_84 : i32 to index
        %get3A_86 = tpu.vector_load %arg10[%get3A_85] {strides = array<i32>} : memref<4000xi32, #tpu.memory_space<vmem>>, vector<16xi32>,
        %add3A_87 = arith.constant 48 : i32
        %add3A_88 = arith.addi %mul3A_75, %add3A_87 : i32
        %get3A_89 = arith.index_cast %add3A_88 : i32 to index
        %get3A_90 = tpu.vector_load %arg10[%get3A_89] {strides = array<i32>} : memref<4000xi32, #tpu.memory_space<vmem>>, vector<16xi32>,
        %add3A_91 = arith.constant 64 : i32
        %add3A_92 = arith.addi %mul3A_75, %add3A_91 : i32
        %get3A_93 = arith.index_cast %add3A_92 : i32 to index
        %get3A_94 = tpu.vector_load %arg10[%get3A_93] {strides = array<i32>} : memref<4000xi32, #tpu.memory_space<vmem>>, vector<16xi32>,
        %add3A_95 = arith.constant 80 : i32
        %add3A_96 = arith.addi %mul3A_75, %add3A_95 : i32
        %get3A_97 = arith.index_cast %add3A_96 : i32 to index
        %get3A_98 = tpu.vector_load %arg10[%get3A_97] {strides = array<i32>} : memref<4000xi32, #tpu.memory_space<vmem>>, vector<16xi32>,
        %add3A_99 = arith.constant 96 : i32
        %add3A_100 = arith.addi %mul3A_75, %add3A_99 : i32
        %get3A_101 = arith.index_cast %add3A_100 : i32 to index
        %get3A_102 = tpu.vector_load %arg10[%get3A_101] {strides = array<i32>} : memref<4000xi32, #tpu.memory_space<vmem>>, vector<16xi32>,
        %add3A_103 = arith.constant 112 : i32
        %add3A_104 = arith.addi %mul3A_75, %add3A_103 : i32
        %get3A_105 = arith.index_cast %add3A_104 : i32 to index
        %get3A_106 = tpu.vector_load %arg10[%get3A_105] {strides = array<i32>} : memref<4000xi32, #tpu.memory_space<vmem>>, vector<16xi32>,
        %add3A_107 = arith.constant 128 : i32
        %add3A_108 = arith.addi %mul3A_75, %add3A_107 : i32
        %get3A_109 = arith.index_cast %add3A_108 : i32 to index
        %get3A_110 = tpu.vector_load %arg10[%get3A_109] {strides = array<i32>} : memref<4000xi32, #tpu.memory_space<vmem>>, vector<16xi32>,
        %add3A_111 = arith.constant 144 : i32
        %add3A_112 = arith.addi %mul3A_75, %add3A_111 : i32
        %get3A_113 = arith.index_cast %add3A_112 : i32 to index
        %get3A_114 = tpu.vector_load %arg10[%get3A_113] {strides = array<i32>} : memref<4000xi32, #tpu.memory_space<vmem>>, vector<16xi32>,
        %add3A_115 = arith.constant 0 : i32
        %add3A_116 = arith.addi %mul3A_75, %add3A_115 : i32
        %get3A_117 = arith.index_cast %add3A_116 : i32 to index
        %get3A_118 = tpu.vector_load %arg11[%get3A_117] {strides = array<i32>} : memref<4000xi32, #tpu.memory_space<vmem>>, vector<16xi32>,
        %add3A_119 = arith.constant 16 : i32
        %add3A_120 = arith.addi %mul3A_75, %add3A_119 : i32
        %get3A_121 = arith.index_cast %add3A_120 : i32 to index
        %get3A_122 = tpu.vector_load %arg11[%get3A_121] {strides = array<i32>} : memref<4000xi32, #tpu.memory_space<vmem>>, vector<16xi32>,
        %add3A_123 = arith.constant 32 : i32
        %add3A_124 = arith.addi %mul3A_75, %add3A_123 : i32
        %get3A_125 = arith.index_cast %add3A_124 : i32 to index
        %get3A_126 = tpu.vector_load %arg11[%get3A_125] {strides = array<i32>} : memref<4000xi32, #tpu.memory_space<vmem>>, vector<16xi32>,
        %add3A_127 = arith.constant 48 : i32
        %add3A_128 = arith.addi %mul3A_75, %add3A_127 : i32
        %get3A_129 = arith.index_cast %add3A_128 : i32 to index
        %get3A_130 = tpu.vector_load %arg11[%get3A_129] {strides = array<i32>} : memref<4000xi32, #tpu.memory_space<vmem>>, vector<16xi32>,
        %add3A_131 = arith.constant 64 : i32
        %add3A_132 = arith.addi %mul3A_75, %add3A_131 : i32
        %get3A_133 = arith.index_cast %add3A_132 : i32 to index
        %get3A_134 = tpu.vector_load %arg11[%get3A_133] {strides = array<i32>} : memref<4000xi32, #tpu.memory_space<vmem>>, vector<16xi32>,
        %add3A_135 = arith.constant 80 : i32
        %add3A_136 = arith.addi %mul3A_75, %add3A_135 : i32
        %get3A_137 = arith.index_cast %add3A_136 : i32 to index
        %get3A_138 = tpu.vector_load %arg11[%get3A_137] {strides = array<i32>} : memref<4000xi32, #tpu.memory_space<vmem>>, vector<16xi32>,
        %add3A_139 = arith.constant 96 : i32
        %add3A_140 = arith.addi %mul3A_75, %add3A_139 : i32
        %get3A_141 = arith.index_cast %add3A_140 : i32 to index
        %get3A_142 = tpu.vector_load %arg11[%get3A_141] {strides = array<i32>} : memref<4000xi32, #tpu.memory_space<vmem>>, vector<16xi32>,
        %add3A_143 = arith.constant 112 : i32
        %add3A_144 = arith.addi %mul3A_75, %add3A_143 : i32
        %get3A_145 = arith.index_cast %add3A_144 : i32 to index
        %get3A_146 = tpu.vector_load %arg11[%get3A_145] {strides = array<i32>} : memref<4000xi32, #tpu.memory_space<vmem>>, vector<16xi32>,
        %add3A_147 = arith.constant 128 : i32
        %add3A_148 = arith.addi %mul3A_75, %add3A_147 : i32
        %get3A_149 = arith.index_cast %add3A_148 : i32 to index
        %get3A_150 = tpu.vector_load %arg11[%get3A_149] {strides = array<i32>} : memref<4000xi32, #tpu.memory_space<vmem>>, vector<16xi32>,
        %add3A_151 = arith.constant 144 : i32
        %add3A_152 = arith.addi %mul3A_75, %add3A_151 : i32
        %get3A_153 = arith.index_cast %add3A_152 : i32 to index
        %get3A_154 = tpu.vector_load %arg11[%get3A_153] {strides = array<i32>} : memref<4000xi32, #tpu.memory_space<vmem>>, vector<16xi32>,
        %gather3A = tpu.vector_load_idx %arg6[%get3A_78] : memref<50048xf32, #tpu.memory_space<vmem>>[vector<16xi32>], vector<16xf32>,
        %gather3A_155 = tpu.vector_load_idx %arg6[%get3A_82] : memref<50048xf32, #tpu.memory_space<vmem>>[vector<16xi32>], vector<16xf32>,
        %gather3A_156 = tpu.vector_load_idx %arg6[%get3A_86] : memref<50048xf32, #tpu.memory_space<vmem>>[vector<16xi32>], vector<16xf32>,
        %gather3A_157 = tpu.vector_load_idx %arg6[%get3A_90] : memref<50048xf32, #tpu.memory_space<vmem>>[vector<16xi32>], vector<16xf32>,
        %gather3A_158 = tpu.vector_load_idx %arg6[%get3A_94] : memref<50048xf32, #tpu.memory_space<vmem>>[vector<16xi32>], vector<16xf32>,
        %gather3A_159 = tpu.vector_load_idx %arg6[%get3A_98] : memref<50048xf32, #tpu.memory_space<vmem>>[vector<16xi32>], vector<16xf32>,
        %gather3A_160 = tpu.vector_load_idx %arg6[%get3A_102] : memref<50048xf32, #tpu.memory_space<vmem>>[vector<16xi32>], vector<16xf32>,
        %gather3A_161 = tpu.vector_load_idx %arg6[%get3A_106] : memref<50048xf32, #tpu.memory_space<vmem>>[vector<16xi32>], vector<16xf32>,
        %gather3A_162 = tpu.vector_load_idx %arg6[%get3A_110] : memref<50048xf32, #tpu.memory_space<vmem>>[vector<16xi32>], vector<16xf32>,
        %gather3A_163 = tpu.vector_load_idx %arg6[%get3A_114] : memref<50048xf32, #tpu.memory_space<vmem>>[vector<16xi32>], vector<16xf32>,
        tpu.vector_store_idx %arg7[%get3A_118], %gather3A {add = true} : memref<50048xf32, #tpu.memory_space<vmem>>[vector<16xi32>], vector<16xf32>,
        tpu.vector_store_idx %arg7[%get3A_122], %gather3A_155 {add = true} : memref<50048xf32, #tpu.memory_space<vmem>>[vector<16xi32>], vector<16xf32>,
        tpu.vector_store_idx %arg7[%get3A_126], %gather3A_156 {add = true} : memref<50048xf32, #tpu.memory_space<vmem>>[vector<16xi32>], vector<16xf32>,
        tpu.vector_store_idx %arg7[%get3A_130], %gather3A_157 {add = true} : memref<50048xf32, #tpu.memory_space<vmem>>[vector<16xi32>], vector<16xf32>,
        tpu.vector_store_idx %arg7[%get3A_134], %gather3A_158 {add = true} : memref<50048xf32, #tpu.memory_space<vmem>>[vector<16xi32>], vector<16xf32>,
        tpu.vector_store_idx %arg7[%get3A_138], %gather3A_159 {add = true} : memref<50048xf32, #tpu.memory_space<vmem>>[vector<16xi32>], vector<16xf32>,
        tpu.vector_store_idx %arg7[%get3A_142], %gather3A_160 {add = true} : memref<50048xf32, #tpu.memory_space<vmem>>[vector<16xi32>], vector<16xf32>,
        tpu.vector_store_idx %arg7[%get3A_146], %gather3A_161 {add = true} : memref<50048xf32, #tpu.memory_space<vmem>>[vector<16xi32>], vector<16xf32>,
        tpu.vector_store_idx %arg7[%get3A_150], %gather3A_162 {add = true} : memref<50048xf32, #tpu.memory_space<vmem>>[vector<16xi32>], vector<16xf32>,
        tpu.vector_store_idx %arg7[%get3A_154], %gather3A_163 {add = true} : memref<50048xf32, #tpu.memory_space<vmem>>[vector<16xi32>], vector<16xf32>,
      }
      %scan3A_72 = arith.constant 25 : i32
    }
    %scan3A_30 = arith.constant 100 : i32
    "tpu.region"() ({
      %run_scoped3A = tpu.sem_alloc : memref<!tpu.dma_semaphore, #tpu.memory_space<semaphore_mem>>
      %dma_start3A_31 = arith.constant 0 : i32
      %dma_start3A_32 = tpu.memref_slice %arg5[%add3A_16, %dma_start3A_31] : memref<64x50048xf32, #tpu.memory_space<hbm>> -> memref<1x50048xf32, #tpu.memory_space<hbm>>
      %dma_start3A_33 = tpu.memref_squeeze %dma_start3A_32 : memref<1x50048xf32, #tpu.memory_space<hbm>> -> memref<50048xf32, #tpu.memory_space<hbm>>
      %dma_start3A_34 = arith.constant 0 : i32
      %dma_start3A_35 = tpu.memref_slice %arg5[%add3A_16, %dma_start3A_34] : memref<64x50048xf32, #tpu.memory_space<hbm>> -> memref<1x50048xf32, #tpu.memory_space<hbm>>
      %dma_start3A_36 = tpu.memref_squeeze %dma_start3A_35 : memref<1x50048xf32, #tpu.memory_space<hbm>> -> memref<50048xf32, #tpu.memory_space<hbm>>
      tpu.enqueue_dma source(%arg7 : memref<50048xf32, #tpu.memory_space<vmem>>) target(%dma_start3A_36 : memref<50048xf32, #tpu.memory_space<hbm>>) target_semaphore(%run_scoped3A : memref<!tpu.dma_semaphore, #tpu.memory_space<semaphore_mem>>)
      %dma_wait3A = arith.constant 0 : i32
      %dma_wait3A_37 = tpu.memref_slice %arg5[%add3A_16, %dma_wait3A] : memref<64x50048xf32, #tpu.memory_space<hbm>> -> memref<1x50048xf32, #tpu.memory_space<hbm>>
      %dma_wait3A_38 = tpu.memref_squeeze %dma_wait3A_37 : memref<1x50048xf32, #tpu.memory_space<hbm>> -> memref<50048xf32, #tpu.memory_space<hbm>>
      %dma_wait3A_39 = arith.constant 0 : i32
      %dma_wait3A_40 = tpu.memref_slice %arg5[%add3A_16, %dma_wait3A_39] : memref<64x50048xf32, #tpu.memory_space<hbm>> -> memref<1x50048xf32, #tpu.memory_space<hbm>>
      %dma_wait3A_41 = tpu.memref_squeeze %dma_wait3A_40 : memref<1x50048xf32, #tpu.memory_space<hbm>> -> memref<50048xf32, #tpu.memory_space<hbm>>
      tpu.wait_dma2 semaphore(%run_scoped3A : memref<!tpu.dma_semaphore, #tpu.memory_space<semaphore_mem>>) src(%arg7 : memref<50048xf32, #tpu.memory_space<vmem>>) dst(%dma_wait3A_41 : memref<50048xf32, #tpu.memory_space<hbm>>)
      tpu.yield
    }) : () -> ()
    return
  }
}

#map = affine_map<(d0, d1) -> (0)>
#map1 = affine_map<(d0, d1) -> (0, 0)>
module attributes {stable_mosaic.version = 14 : i64} {
  func.func @_sc_l2(%arg0: i32, %arg1: i32, %arg2: memref<800000xi32, #tpu.memory_space<hbm>>, %arg3: memref<800000xi32, #tpu.memory_space<hbm>>, %arg4: memref<16x50048xf32, #tpu.memory_space<hbm>>, %arg5: memref<50048xf32, #tpu.memory_space<hbm>>, %arg6: memref<32x50048xf32, #tpu.memory_space<hbm>>, %arg7: memref<50048xf32, #tpu.memory_space<vmem>>, %arg8: memref<50048xf32, #tpu.memory_space<vmem>>, %arg9: memref<4000xi32, #tpu.memory_space<vmem>>, %arg10: memref<4000xi32, #tpu.memory_space<vmem>>, %arg11: memref<4000xi32, #tpu.memory_space<vmem>>, %arg12: memref<4000xi32, #tpu.memory_space<vmem>>, %arg13: memref<!tpu.dma_semaphore, #tpu.memory_space<semaphore_mem>>, %arg14: memref<!tpu.dma_semaphore, #tpu.memory_space<semaphore_mem>>) attributes {dimension_semantics = [#tpu.dimension_semantics<core_parallel>, #tpu.dimension_semantics<subcore_parallel>], iteration_bounds = array<i64: 2, 16>, scalar_prefetch = 0 : i64, scratch_operands = 8 : i64, tpu.core_type = #tpu.core_type<sc_vector_subcore>, window_params = [{transform_indices = #map}, {transform_indices = #map}, {transform_indices = #map1}, {transform_indices = #map}, {transform_indices = #map1}]} {
    %mul3A = arith.constant 2 : i32
    %mul3A_0 = arith.muli %arg1, %mul3A : i32
    %add3A = arith.addi %mul3A_0, %arg0 : i32
    %rem3A = arith.constant 8 : i32
    %rem3A_1 = arith.remsi %add3A, %rem3A : i32
    %div3A = arith.constant 8 : i32
    %div3A_2 = arith.divsi %add3A, %div3A : i32
    "tpu.region"() ({
      %run_scoped3A = tpu.sem_alloc : memref<!tpu.dma_semaphore, #tpu.memory_space<semaphore_mem>>
      %dma_start3A_21 = arith.constant 0 : i32
      %dma_start3A_22 = tpu.memref_slice %arg4[%rem3A_1, %dma_start3A_21] : memref<16x50048xf32, #tpu.memory_space<hbm>> -> memref<1x50048xf32, #tpu.memory_space<hbm>>
      %dma_start3A_23 = tpu.memref_squeeze %dma_start3A_22 : memref<1x50048xf32, #tpu.memory_space<hbm>> -> memref<50048xf32, #tpu.memory_space<hbm>>
      %dma_start3A_24 = arith.constant 0 : i32
      %dma_start3A_25 = tpu.memref_slice %arg4[%rem3A_1, %dma_start3A_24] : memref<16x50048xf32, #tpu.memory_space<hbm>> -> memref<1x50048xf32, #tpu.memory_space<hbm>>
      %dma_start3A_26 = tpu.memref_squeeze %dma_start3A_25 : memref<1x50048xf32, #tpu.memory_space<hbm>> -> memref<50048xf32, #tpu.memory_space<hbm>>
      tpu.enqueue_dma source(%dma_start3A_26 : memref<50048xf32, #tpu.memory_space<hbm>>) target(%arg7 : memref<50048xf32, #tpu.memory_space<vmem>>) target_semaphore(%run_scoped3A : memref<!tpu.dma_semaphore, #tpu.memory_space<semaphore_mem>>)
      %dma_wait3A = arith.constant 0 : i32
      %dma_wait3A_27 = tpu.memref_slice %arg4[%rem3A_1, %dma_wait3A] : memref<16x50048xf32, #tpu.memory_space<hbm>> -> memref<1x50048xf32, #tpu.memory_space<hbm>>
      %dma_wait3A_28 = tpu.memref_squeeze %dma_wait3A_27 : memref<1x50048xf32, #tpu.memory_space<hbm>> -> memref<50048xf32, #tpu.memory_space<hbm>>
      %dma_wait3A_29 = arith.constant 0 : i32
      %dma_wait3A_30 = tpu.memref_slice %arg4[%rem3A_1, %dma_wait3A_29] : memref<16x50048xf32, #tpu.memory_space<hbm>> -> memref<1x50048xf32, #tpu.memory_space<hbm>>
      %dma_wait3A_31 = tpu.memref_squeeze %dma_wait3A_30 : memref<1x50048xf32, #tpu.memory_space<hbm>> -> memref<50048xf32, #tpu.memory_space<hbm>>
      tpu.wait_dma2 semaphore(%run_scoped3A : memref<!tpu.dma_semaphore, #tpu.memory_space<semaphore_mem>>) src(%dma_wait3A_31 : memref<50048xf32, #tpu.memory_space<hbm>>) dst(%arg7 : memref<50048xf32, #tpu.memory_space<vmem>>)
      tpu.yield
    }) : () -> ()
    %eq3A = arith.constant 0 : i32
    %eq3A_3 = arith.cmpi eq, %div3A_2, %eq3A : i32
    %convert_element_type3A = arith.extui %eq3A_3 : i1 to i32
    %cond3A = arith.constant 0 : i32
    %cond3A_4 = arith.cmpi ne, %convert_element_type3A, %cond3A : i32
    scf.if %cond3A_4 {
      "tpu.region"() ({
        %run_scoped3A = tpu.sem_alloc : memref<!tpu.dma_semaphore, #tpu.memory_space<semaphore_mem>>
        %dma_start3A_21 = arith.constant 0 : i32
        %dma_start3A_22 = tpu.memref_slice %arg4[%rem3A_1, %dma_start3A_21] : memref<16x50048xf32, #tpu.memory_space<hbm>> -> memref<1x50048xf32, #tpu.memory_space<hbm>>
        %dma_start3A_23 = tpu.memref_squeeze %dma_start3A_22 : memref<1x50048xf32, #tpu.memory_space<hbm>> -> memref<50048xf32, #tpu.memory_space<hbm>>
        %dma_start3A_24 = arith.constant 0 : i32
        %dma_start3A_25 = tpu.memref_slice %arg4[%rem3A_1, %dma_start3A_24] : memref<16x50048xf32, #tpu.memory_space<hbm>> -> memref<1x50048xf32, #tpu.memory_space<hbm>>
        %dma_start3A_26 = tpu.memref_squeeze %dma_start3A_25 : memref<1x50048xf32, #tpu.memory_space<hbm>> -> memref<50048xf32, #tpu.memory_space<hbm>>
        tpu.enqueue_dma source(%dma_start3A_26 : memref<50048xf32, #tpu.memory_space<hbm>>) target(%arg8 : memref<50048xf32, #tpu.memory_space<vmem>>) target_semaphore(%run_scoped3A : memref<!tpu.dma_semaphore, #tpu.memory_space<semaphore_mem>>)
        %dma_wait3A = arith.constant 0 : i32
        %dma_wait3A_27 = tpu.memref_slice %arg4[%rem3A_1, %dma_wait3A] : memref<16x50048xf32, #tpu.memory_space<hbm>> -> memref<1x50048xf32, #tpu.memory_space<hbm>>
        %dma_wait3A_28 = tpu.memref_squeeze %dma_wait3A_27 : memref<1x50048xf32, #tpu.memory_space<hbm>> -> memref<50048xf32, #tpu.memory_space<hbm>>
        %dma_wait3A_29 = arith.constant 0 : i32
        %dma_wait3A_30 = tpu.memref_slice %arg4[%rem3A_1, %dma_wait3A_29] : memref<16x50048xf32, #tpu.memory_space<hbm>> -> memref<1x50048xf32, #tpu.memory_space<hbm>>
        %dma_wait3A_31 = tpu.memref_squeeze %dma_wait3A_30 : memref<1x50048xf32, #tpu.memory_space<hbm>> -> memref<50048xf32, #tpu.memory_space<hbm>>
        tpu.wait_dma2 semaphore(%run_scoped3A : memref<!tpu.dma_semaphore, #tpu.memory_space<semaphore_mem>>) src(%dma_wait3A_31 : memref<50048xf32, #tpu.memory_space<hbm>>) dst(%arg8 : memref<50048xf32, #tpu.memory_space<vmem>>)
        tpu.yield
      }) : () -> ()
    } else {
    }
    %gt3A = arith.constant 0 : i32
    %gt3A_5 = arith.cmpi sgt, %div3A_2, %gt3A : i32
    %convert_element_type3A_6 = arith.extui %gt3A_5 : i1 to i32
    %cond3A_7 = arith.constant 0 : i32
    %cond3A_8 = arith.cmpi ne, %convert_element_type3A_6, %cond3A_7 : i32
    scf.if %cond3A_8 {
      "tpu.region"() ({
        %run_scoped3A = tpu.sem_alloc : memref<!tpu.dma_semaphore, #tpu.memory_space<semaphore_mem>>
        tpu.enqueue_dma source(%arg5 : memref<50048xf32, #tpu.memory_space<hbm>>) target(%arg8 : memref<50048xf32, #tpu.memory_space<vmem>>) target_semaphore(%run_scoped3A : memref<!tpu.dma_semaphore, #tpu.memory_space<semaphore_mem>>)
        tpu.wait_dma2 semaphore(%run_scoped3A : memref<!tpu.dma_semaphore, #tpu.memory_space<semaphore_mem>>) src(%arg5 : memref<50048xf32, #tpu.memory_space<hbm>>) dst(%arg8 : memref<50048xf32, #tpu.memory_space<vmem>>)
        tpu.yield
      }) : () -> ()
    } else {
    }
    %mul3A_9 = arith.constant 200000 : i32
    %mul3A_10 = arith.muli %div3A_2, %mul3A_9 : i32
    %add3A_11 = arith.constant 0 : i32
    %add3A_12 = arith.addi %mul3A_10, %add3A_11 : i32
    %dma_start3A = tpu.memref_slice %arg2[%add3A_12] : memref<800000xi32, #tpu.memory_space<hbm>> -> memref<4000xi32, #tpu.memory_space<hbm>>
    %dma_start3A_13 = tpu.memref_slice %arg2[%add3A_12] : memref<800000xi32, #tpu.memory_space<hbm>> -> memref<4000xi32, #tpu.memory_space<hbm>>
    tpu.enqueue_dma source(%dma_start3A_13 : memref<4000xi32, #tpu.memory_space<hbm>>) target(%arg9 : memref<4000xi32, #tpu.memory_space<vmem>>) target_semaphore(%arg13 : memref<!tpu.dma_semaphore, #tpu.memory_space<semaphore_mem>>)
    %dma_start3A_14 = tpu.memref_slice %arg3[%add3A_12] : memref<800000xi32, #tpu.memory_space<hbm>> -> memref<4000xi32, #tpu.memory_space<hbm>>
    %dma_start3A_15 = tpu.memref_slice %arg3[%add3A_12] : memref<800000xi32, #tpu.memory_space<hbm>> -> memref<4000xi32, #tpu.memory_space<hbm>>
    tpu.enqueue_dma source(%dma_start3A_15 : memref<4000xi32, #tpu.memory_space<hbm>>) target(%arg10 : memref<4000xi32, #tpu.memory_space<vmem>>) target_semaphore(%arg13 : memref<!tpu.dma_semaphore, #tpu.memory_space<semaphore_mem>>)
    %scan3A = arith.constant 0 : i32
    %scan3A_16 = arith.constant 0 : i32
    %scan3A_17 = arith.constant 25 : i32
    %scan3A_18 = arith.addi %scan3A_16, %scan3A_17 : i32
    %scan3A_19 = arith.constant 1 : i32
    scf.for %scan3A_21 = %scan3A_16 to %scan3A_18 step %scan3A_19  : i32 {
      %mul3A_22 = arith.constant 2 : i32
      %mul3A_23 = arith.muli %mul3A_22, %scan3A_21 : i32
      %add3A_24 = arith.constant 1 : i32
      %add3A_25 = arith.addi %mul3A_23, %add3A_24 : i32
      %mul3A_26 = arith.constant 4000 : i32
      %mul3A_27 = arith.muli %add3A_25, %mul3A_26 : i32
      %add3A_28 = arith.addi %mul3A_10, %mul3A_27 : i32
      %dma_start3A_29 = tpu.memref_slice %arg2[%add3A_28] : memref<800000xi32, #tpu.memory_space<hbm>> -> memref<4000xi32, #tpu.memory_space<hbm>>
      %dma_start3A_30 = tpu.memref_slice %arg2[%add3A_28] : memref<800000xi32, #tpu.memory_space<hbm>> -> memref<4000xi32, #tpu.memory_space<hbm>>
      tpu.enqueue_dma source(%dma_start3A_30 : memref<4000xi32, #tpu.memory_space<hbm>>) target(%arg11 : memref<4000xi32, #tpu.memory_space<vmem>>) target_semaphore(%arg14 : memref<!tpu.dma_semaphore, #tpu.memory_space<semaphore_mem>>)
      %dma_start3A_31 = tpu.memref_slice %arg3[%add3A_28] : memref<800000xi32, #tpu.memory_space<hbm>> -> memref<4000xi32, #tpu.memory_space<hbm>>
      %dma_start3A_32 = tpu.memref_slice %arg3[%add3A_28] : memref<800000xi32, #tpu.memory_space<hbm>> -> memref<4000xi32, #tpu.memory_space<hbm>>
      tpu.enqueue_dma source(%dma_start3A_32 : memref<4000xi32, #tpu.memory_space<hbm>>) target(%arg12 : memref<4000xi32, #tpu.memory_space<vmem>>) target_semaphore(%arg14 : memref<!tpu.dma_semaphore, #tpu.memory_space<semaphore_mem>>)
      %dma_wait3A = arith.constant 0 : i32
      %dma_wait3A_33 = tpu.memref_slice %arg2[%dma_wait3A] : memref<800000xi32, #tpu.memory_space<hbm>> -> memref<4000xi32, #tpu.memory_space<hbm>>
      %dma_wait3A_34 = arith.constant 0 : i32
      %dma_wait3A_35 = tpu.memref_slice %arg2[%dma_wait3A_34] : memref<800000xi32, #tpu.memory_space<hbm>> -> memref<4000xi32, #tpu.memory_space<hbm>>
      tpu.wait_dma2 semaphore(%arg13 : memref<!tpu.dma_semaphore, #tpu.memory_space<semaphore_mem>>) src(%dma_wait3A_35 : memref<4000xi32, #tpu.memory_space<hbm>>) dst(%arg9 : memref<4000xi32, #tpu.memory_space<vmem>>)
      %dma_wait3A_36 = arith.constant 0 : i32
      %dma_wait3A_37 = tpu.memref_slice %arg3[%dma_wait3A_36] : memref<800000xi32, #tpu.memory_space<hbm>> -> memref<4000xi32, #tpu.memory_space<hbm>>
      %dma_wait3A_38 = arith.constant 0 : i32
      %dma_wait3A_39 = tpu.memref_slice %arg3[%dma_wait3A_38] : memref<800000xi32, #tpu.memory_space<hbm>> -> memref<4000xi32, #tpu.memory_space<hbm>>
      tpu.wait_dma2 semaphore(%arg13 : memref<!tpu.dma_semaphore, #tpu.memory_space<semaphore_mem>>) src(%dma_wait3A_39 : memref<4000xi32, #tpu.memory_space<hbm>>) dst(%arg10 : memref<4000xi32, #tpu.memory_space<vmem>>)
      %scan3A_40 = arith.constant 0 : i32
      %scan3A_41 = arith.constant 0 : i32
      %scan3A_42 = arith.constant 25 : i32
      %scan3A_43 = arith.addi %scan3A_41, %scan3A_42 : i32
      %scan3A_44 = arith.constant 1 : i32
      scf.for %scan3A_64 = %scan3A_41 to %scan3A_43 step %scan3A_44  : i32 {
        %mul3A_65 = arith.constant 160 : i32
        %mul3A_66 = arith.muli %scan3A_64, %mul3A_65 : i32
        %add3A_67 = arith.constant 0 : i32
        %add3A_68 = arith.addi %mul3A_66, %add3A_67 : i32
        %get3A = arith.index_cast %add3A_68 : i32 to index
        %get3A_69 = tpu.vector_load %arg9[%get3A] {strides = array<i32>} : memref<4000xi32, #tpu.memory_space<vmem>>, vector<16xi32>,
        %add3A_70 = arith.constant 16 : i32
        %add3A_71 = arith.addi %mul3A_66, %add3A_70 : i32
        %get3A_72 = arith.index_cast %add3A_71 : i32 to index
        %get3A_73 = tpu.vector_load %arg9[%get3A_72] {strides = array<i32>} : memref<4000xi32, #tpu.memory_space<vmem>>, vector<16xi32>,
        %add3A_74 = arith.constant 32 : i32
        %add3A_75 = arith.addi %mul3A_66, %add3A_74 : i32
        %get3A_76 = arith.index_cast %add3A_75 : i32 to index
        %get3A_77 = tpu.vector_load %arg9[%get3A_76] {strides = array<i32>} : memref<4000xi32, #tpu.memory_space<vmem>>, vector<16xi32>,
        %add3A_78 = arith.constant 48 : i32
        %add3A_79 = arith.addi %mul3A_66, %add3A_78 : i32
        %get3A_80 = arith.index_cast %add3A_79 : i32 to index
        %get3A_81 = tpu.vector_load %arg9[%get3A_80] {strides = array<i32>} : memref<4000xi32, #tpu.memory_space<vmem>>, vector<16xi32>,
        %add3A_82 = arith.constant 64 : i32
        %add3A_83 = arith.addi %mul3A_66, %add3A_82 : i32
        %get3A_84 = arith.index_cast %add3A_83 : i32 to index
        %get3A_85 = tpu.vector_load %arg9[%get3A_84] {strides = array<i32>} : memref<4000xi32, #tpu.memory_space<vmem>>, vector<16xi32>,
        %add3A_86 = arith.constant 80 : i32
        %add3A_87 = arith.addi %mul3A_66, %add3A_86 : i32
        %get3A_88 = arith.index_cast %add3A_87 : i32 to index
        %get3A_89 = tpu.vector_load %arg9[%get3A_88] {strides = array<i32>} : memref<4000xi32, #tpu.memory_space<vmem>>, vector<16xi32>,
        %add3A_90 = arith.constant 96 : i32
        %add3A_91 = arith.addi %mul3A_66, %add3A_90 : i32
        %get3A_92 = arith.index_cast %add3A_91 : i32 to index
        %get3A_93 = tpu.vector_load %arg9[%get3A_92] {strides = array<i32>} : memref<4000xi32, #tpu.memory_space<vmem>>, vector<16xi32>,
        %add3A_94 = arith.constant 112 : i32
        %add3A_95 = arith.addi %mul3A_66, %add3A_94 : i32
        %get3A_96 = arith.index_cast %add3A_95 : i32 to index
        %get3A_97 = tpu.vector_load %arg9[%get3A_96] {strides = array<i32>} : memref<4000xi32, #tpu.memory_space<vmem>>, vector<16xi32>,
        %add3A_98 = arith.constant 128 : i32
        %add3A_99 = arith.addi %mul3A_66, %add3A_98 : i32
        %get3A_100 = arith.index_cast %add3A_99 : i32 to index
        %get3A_101 = tpu.vector_load %arg9[%get3A_100] {strides = array<i32>} : memref<4000xi32, #tpu.memory_space<vmem>>, vector<16xi32>,
        %add3A_102 = arith.constant 144 : i32
        %add3A_103 = arith.addi %mul3A_66, %add3A_102 : i32
        %get3A_104 = arith.index_cast %add3A_103 : i32 to index
        %get3A_105 = tpu.vector_load %arg9[%get3A_104] {strides = array<i32>} : memref<4000xi32, #tpu.memory_space<vmem>>, vector<16xi32>,
        %add3A_106 = arith.constant 0 : i32
        %add3A_107 = arith.addi %mul3A_66, %add3A_106 : i32
        %get3A_108 = arith.index_cast %add3A_107 : i32 to index
        %get3A_109 = tpu.vector_load %arg10[%get3A_108] {strides = array<i32>} : memref<4000xi32, #tpu.memory_space<vmem>>, vector<16xi32>,
        %add3A_110 = arith.constant 16 : i32
        %add3A_111 = arith.addi %mul3A_66, %add3A_110 : i32
        %get3A_112 = arith.index_cast %add3A_111 : i32 to index
        %get3A_113 = tpu.vector_load %arg10[%get3A_112] {strides = array<i32>} : memref<4000xi32, #tpu.memory_space<vmem>>, vector<16xi32>,
        %add3A_114 = arith.constant 32 : i32
        %add3A_115 = arith.addi %mul3A_66, %add3A_114 : i32
        %get3A_116 = arith.index_cast %add3A_115 : i32 to index
        %get3A_117 = tpu.vector_load %arg10[%get3A_116] {strides = array<i32>} : memref<4000xi32, #tpu.memory_space<vmem>>, vector<16xi32>,
        %add3A_118 = arith.constant 48 : i32
        %add3A_119 = arith.addi %mul3A_66, %add3A_118 : i32
        %get3A_120 = arith.index_cast %add3A_119 : i32 to index
        %get3A_121 = tpu.vector_load %arg10[%get3A_120] {strides = array<i32>} : memref<4000xi32, #tpu.memory_space<vmem>>, vector<16xi32>,
        %add3A_122 = arith.constant 64 : i32
        %add3A_123 = arith.addi %mul3A_66, %add3A_122 : i32
        %get3A_124 = arith.index_cast %add3A_123 : i32 to index
        %get3A_125 = tpu.vector_load %arg10[%get3A_124] {strides = array<i32>} : memref<4000xi32, #tpu.memory_space<vmem>>, vector<16xi32>,
        %add3A_126 = arith.constant 80 : i32
        %add3A_127 = arith.addi %mul3A_66, %add3A_126 : i32
        %get3A_128 = arith.index_cast %add3A_127 : i32 to index
        %get3A_129 = tpu.vector_load %arg10[%get3A_128] {strides = array<i32>} : memref<4000xi32, #tpu.memory_space<vmem>>, vector<16xi32>,
        %add3A_130 = arith.constant 96 : i32
        %add3A_131 = arith.addi %mul3A_66, %add3A_130 : i32
        %get3A_132 = arith.index_cast %add3A_131 : i32 to index
        %get3A_133 = tpu.vector_load %arg10[%get3A_132] {strides = array<i32>} : memref<4000xi32, #tpu.memory_space<vmem>>, vector<16xi32>,
        %add3A_134 = arith.constant 112 : i32
        %add3A_135 = arith.addi %mul3A_66, %add3A_134 : i32
        %get3A_136 = arith.index_cast %add3A_135 : i32 to index
        %get3A_137 = tpu.vector_load %arg10[%get3A_136] {strides = array<i32>} : memref<4000xi32, #tpu.memory_space<vmem>>, vector<16xi32>,
        %add3A_138 = arith.constant 128 : i32
        %add3A_139 = arith.addi %mul3A_66, %add3A_138 : i32
        %get3A_140 = arith.index_cast %add3A_139 : i32 to index
        %get3A_141 = tpu.vector_load %arg10[%get3A_140] {strides = array<i32>} : memref<4000xi32, #tpu.memory_space<vmem>>, vector<16xi32>,
        %add3A_142 = arith.constant 144 : i32
        %add3A_143 = arith.addi %mul3A_66, %add3A_142 : i32
        %get3A_144 = arith.index_cast %add3A_143 : i32 to index
        %get3A_145 = tpu.vector_load %arg10[%get3A_144] {strides = array<i32>} : memref<4000xi32, #tpu.memory_space<vmem>>, vector<16xi32>,
        %gather3A = tpu.vector_load_idx %arg7[%get3A_69] : memref<50048xf32, #tpu.memory_space<vmem>>[vector<16xi32>], vector<16xf32>,
        %gather3A_146 = tpu.vector_load_idx %arg7[%get3A_73] : memref<50048xf32, #tpu.memory_space<vmem>>[vector<16xi32>], vector<16xf32>,
        %gather3A_147 = tpu.vector_load_idx %arg7[%get3A_77] : memref<50048xf32, #tpu.memory_space<vmem>>[vector<16xi32>], vector<16xf32>,
        %gather3A_148 = tpu.vector_load_idx %arg7[%get3A_81] : memref<50048xf32, #tpu.memory_space<vmem>>[vector<16xi32>], vector<16xf32>,
        %gather3A_149 = tpu.vector_load_idx %arg7[%get3A_85] : memref<50048xf32, #tpu.memory_space<vmem>>[vector<16xi32>], vector<16xf32>,
        %gather3A_150 = tpu.vector_load_idx %arg7[%get3A_89] : memref<50048xf32, #tpu.memory_space<vmem>>[vector<16xi32>], vector<16xf32>,
        %gather3A_151 = tpu.vector_load_idx %arg7[%get3A_93] : memref<50048xf32, #tpu.memory_space<vmem>>[vector<16xi32>], vector<16xf32>,
        %gather3A_152 = tpu.vector_load_idx %arg7[%get3A_97] : memref<50048xf32, #tpu.memory_space<vmem>>[vector<16xi32>], vector<16xf32>,
        %gather3A_153 = tpu.vector_load_idx %arg7[%get3A_101] : memref<50048xf32, #tpu.memory_space<vmem>>[vector<16xi32>], vector<16xf32>,
        %gather3A_154 = tpu.vector_load_idx %arg7[%get3A_105] : memref<50048xf32, #tpu.memory_space<vmem>>[vector<16xi32>], vector<16xf32>,
        tpu.vector_store_idx %arg8[%get3A_109], %gather3A {add = true} : memref<50048xf32, #tpu.memory_space<vmem>>[vector<16xi32>], vector<16xf32>,
        tpu.vector_store_idx %arg8[%get3A_113], %gather3A_146 {add = true} : memref<50048xf32, #tpu.memory_space<vmem>>[vector<16xi32>], vector<16xf32>,
        tpu.vector_store_idx %arg8[%get3A_117], %gather3A_147 {add = true} : memref<50048xf32, #tpu.memory_space<vmem>>[vector<16xi32>], vector<16xf32>,
        tpu.vector_store_idx %arg8[%get3A_121], %gather3A_148 {add = true} : memref<50048xf32, #tpu.memory_space<vmem>>[vector<16xi32>], vector<16xf32>,
        tpu.vector_store_idx %arg8[%get3A_125], %gather3A_149 {add = true} : memref<50048xf32, #tpu.memory_space<vmem>>[vector<16xi32>], vector<16xf32>,
        tpu.vector_store_idx %arg8[%get3A_129], %gather3A_150 {add = true} : memref<50048xf32, #tpu.memory_space<vmem>>[vector<16xi32>], vector<16xf32>,
        tpu.vector_store_idx %arg8[%get3A_133], %gather3A_151 {add = true} : memref<50048xf32, #tpu.memory_space<vmem>>[vector<16xi32>], vector<16xf32>,
        tpu.vector_store_idx %arg8[%get3A_137], %gather3A_152 {add = true} : memref<50048xf32, #tpu.memory_space<vmem>>[vector<16xi32>], vector<16xf32>,
        tpu.vector_store_idx %arg8[%get3A_141], %gather3A_153 {add = true} : memref<50048xf32, #tpu.memory_space<vmem>>[vector<16xi32>], vector<16xf32>,
        tpu.vector_store_idx %arg8[%get3A_145], %gather3A_154 {add = true} : memref<50048xf32, #tpu.memory_space<vmem>>[vector<16xi32>], vector<16xf32>,
      }
      %scan3A_45 = arith.constant 25 : i32
      %lt3A = arith.constant 24 : i32
      %lt3A_46 = arith.cmpi slt, %scan3A_21, %lt3A : i32
      %convert_element_type3A_47 = arith.extui %lt3A_46 : i1 to i32
      %cond3A_48 = arith.constant 0 : i32
      %cond3A_49 = arith.cmpi ne, %convert_element_type3A_47, %cond3A_48 : i32
      scf.if %cond3A_49 {
        %add3A_64 = arith.constant 2 : i32
        %add3A_65 = arith.addi %mul3A_23, %add3A_64 : i32
        %mul3A_66 = arith.constant 4000 : i32
        %mul3A_67 = arith.muli %add3A_65, %mul3A_66 : i32
        %add3A_68 = arith.addi %mul3A_10, %mul3A_67 : i32
        %dma_start3A_69 = tpu.memref_slice %arg2[%add3A_68] : memref<800000xi32, #tpu.memory_space<hbm>> -> memref<4000xi32, #tpu.memory_space<hbm>>
        %dma_start3A_70 = tpu.memref_slice %arg2[%add3A_68] : memref<800000xi32, #tpu.memory_space<hbm>> -> memref<4000xi32, #tpu.memory_space<hbm>>
        tpu.enqueue_dma source(%dma_start3A_70 : memref<4000xi32, #tpu.memory_space<hbm>>) target(%arg9 : memref<4000xi32, #tpu.memory_space<vmem>>) target_semaphore(%arg13 : memref<!tpu.dma_semaphore, #tpu.memory_space<semaphore_mem>>)
        %dma_start3A_71 = tpu.memref_slice %arg3[%add3A_68] : memref<800000xi32, #tpu.memory_space<hbm>> -> memref<4000xi32, #tpu.memory_space<hbm>>
        %dma_start3A_72 = tpu.memref_slice %arg3[%add3A_68] : memref<800000xi32, #tpu.memory_space<hbm>> -> memref<4000xi32, #tpu.memory_space<hbm>>
        tpu.enqueue_dma source(%dma_start3A_72 : memref<4000xi32, #tpu.memory_space<hbm>>) target(%arg10 : memref<4000xi32, #tpu.memory_space<vmem>>) target_semaphore(%arg13 : memref<!tpu.dma_semaphore, #tpu.memory_space<semaphore_mem>>)
      } else {
      }
      %dma_wait3A_50 = arith.constant 0 : i32
      %dma_wait3A_51 = tpu.memref_slice %arg2[%dma_wait3A_50] : memref<800000xi32, #tpu.memory_space<hbm>> -> memref<4000xi32, #tpu.memory_space<hbm>>
      %dma_wait3A_52 = arith.constant 0 : i32
      %dma_wait3A_53 = tpu.memref_slice %arg2[%dma_wait3A_52] : memref<800000xi32, #tpu.memory_space<hbm>> -> memref<4000xi32, #tpu.memory_space<hbm>>
      tpu.wait_dma2 semaphore(%arg14 : memref<!tpu.dma_semaphore, #tpu.memory_space<semaphore_mem>>) src(%dma_wait3A_53 : memref<4000xi32, #tpu.memory_space<hbm>>) dst(%arg11 : memref<4000xi32, #tpu.memory_space<vmem>>)
      %dma_wait3A_54 = arith.constant 0 : i32
      %dma_wait3A_55 = tpu.memref_slice %arg3[%dma_wait3A_54] : memref<800000xi32, #tpu.memory_space<hbm>> -> memref<4000xi32, #tpu.memory_space<hbm>>
      %dma_wait3A_56 = arith.constant 0 : i32
      %dma_wait3A_57 = tpu.memref_slice %arg3[%dma_wait3A_56] : memref<800000xi32, #tpu.memory_space<hbm>> -> memref<4000xi32, #tpu.memory_space<hbm>>
      tpu.wait_dma2 semaphore(%arg14 : memref<!tpu.dma_semaphore, #tpu.memory_space<semaphore_mem>>) src(%dma_wait3A_57 : memref<4000xi32, #tpu.memory_space<hbm>>) dst(%arg12 : memref<4000xi32, #tpu.memory_space<vmem>>)
      %scan3A_58 = arith.constant 0 : i32
      %scan3A_59 = arith.constant 0 : i32
      %scan3A_60 = arith.constant 25 : i32
      %scan3A_61 = arith.addi %scan3A_59, %scan3A_60 : i32
      %scan3A_62 = arith.constant 1 : i32
      scf.for %scan3A_64 = %scan3A_59 to %scan3A_61 step %scan3A_62  : i32 {
        %mul3A_65 = arith.constant 160 : i32
        %mul3A_66 = arith.muli %scan3A_64, %mul3A_65 : i32
        %add3A_67 = arith.constant 0 : i32
        %add3A_68 = arith.addi %mul3A_66, %add3A_67 : i32
        %get3A = arith.index_cast %add3A_68 : i32 to index
        %get3A_69 = tpu.vector_load %arg11[%get3A] {strides = array<i32>} : memref<4000xi32, #tpu.memory_space<vmem>>, vector<16xi32>,
        %add3A_70 = arith.constant 16 : i32
        %add3A_71 = arith.addi %mul3A_66, %add3A_70 : i32
        %get3A_72 = arith.index_cast %add3A_71 : i32 to index
        %get3A_73 = tpu.vector_load %arg11[%get3A_72] {strides = array<i32>} : memref<4000xi32, #tpu.memory_space<vmem>>, vector<16xi32>,
        %add3A_74 = arith.constant 32 : i32
        %add3A_75 = arith.addi %mul3A_66, %add3A_74 : i32
        %get3A_76 = arith.index_cast %add3A_75 : i32 to index
        %get3A_77 = tpu.vector_load %arg11[%get3A_76] {strides = array<i32>} : memref<4000xi32, #tpu.memory_space<vmem>>, vector<16xi32>,
        %add3A_78 = arith.constant 48 : i32
        %add3A_79 = arith.addi %mul3A_66, %add3A_78 : i32
        %get3A_80 = arith.index_cast %add3A_79 : i32 to index
        %get3A_81 = tpu.vector_load %arg11[%get3A_80] {strides = array<i32>} : memref<4000xi32, #tpu.memory_space<vmem>>, vector<16xi32>,
        %add3A_82 = arith.constant 64 : i32
        %add3A_83 = arith.addi %mul3A_66, %add3A_82 : i32
        %get3A_84 = arith.index_cast %add3A_83 : i32 to index
        %get3A_85 = tpu.vector_load %arg11[%get3A_84] {strides = array<i32>} : memref<4000xi32, #tpu.memory_space<vmem>>, vector<16xi32>,
        %add3A_86 = arith.constant 80 : i32
        %add3A_87 = arith.addi %mul3A_66, %add3A_86 : i32
        %get3A_88 = arith.index_cast %add3A_87 : i32 to index
        %get3A_89 = tpu.vector_load %arg11[%get3A_88] {strides = array<i32>} : memref<4000xi32, #tpu.memory_space<vmem>>, vector<16xi32>,
        %add3A_90 = arith.constant 96 : i32
        %add3A_91 = arith.addi %mul3A_66, %add3A_90 : i32
        %get3A_92 = arith.index_cast %add3A_91 : i32 to index
        %get3A_93 = tpu.vector_load %arg11[%get3A_92] {strides = array<i32>} : memref<4000xi32, #tpu.memory_space<vmem>>, vector<16xi32>,
        %add3A_94 = arith.constant 112 : i32
        %add3A_95 = arith.addi %mul3A_66, %add3A_94 : i32
        %get3A_96 = arith.index_cast %add3A_95 : i32 to index
        %get3A_97 = tpu.vector_load %arg11[%get3A_96] {strides = array<i32>} : memref<4000xi32, #tpu.memory_space<vmem>>, vector<16xi32>,
        %add3A_98 = arith.constant 128 : i32
        %add3A_99 = arith.addi %mul3A_66, %add3A_98 : i32
        %get3A_100 = arith.index_cast %add3A_99 : i32 to index
        %get3A_101 = tpu.vector_load %arg11[%get3A_100] {strides = array<i32>} : memref<4000xi32, #tpu.memory_space<vmem>>, vector<16xi32>,
        %add3A_102 = arith.constant 144 : i32
        %add3A_103 = arith.addi %mul3A_66, %add3A_102 : i32
        %get3A_104 = arith.index_cast %add3A_103 : i32 to index
        %get3A_105 = tpu.vector_load %arg11[%get3A_104] {strides = array<i32>} : memref<4000xi32, #tpu.memory_space<vmem>>, vector<16xi32>,
        %add3A_106 = arith.constant 0 : i32
        %add3A_107 = arith.addi %mul3A_66, %add3A_106 : i32
        %get3A_108 = arith.index_cast %add3A_107 : i32 to index
        %get3A_109 = tpu.vector_load %arg12[%get3A_108] {strides = array<i32>} : memref<4000xi32, #tpu.memory_space<vmem>>, vector<16xi32>,
        %add3A_110 = arith.constant 16 : i32
        %add3A_111 = arith.addi %mul3A_66, %add3A_110 : i32
        %get3A_112 = arith.index_cast %add3A_111 : i32 to index
        %get3A_113 = tpu.vector_load %arg12[%get3A_112] {strides = array<i32>} : memref<4000xi32, #tpu.memory_space<vmem>>, vector<16xi32>,
        %add3A_114 = arith.constant 32 : i32
        %add3A_115 = arith.addi %mul3A_66, %add3A_114 : i32
        %get3A_116 = arith.index_cast %add3A_115 : i32 to index
        %get3A_117 = tpu.vector_load %arg12[%get3A_116] {strides = array<i32>} : memref<4000xi32, #tpu.memory_space<vmem>>, vector<16xi32>,
        %add3A_118 = arith.constant 48 : i32
        %add3A_119 = arith.addi %mul3A_66, %add3A_118 : i32
        %get3A_120 = arith.index_cast %add3A_119 : i32 to index
        %get3A_121 = tpu.vector_load %arg12[%get3A_120] {strides = array<i32>} : memref<4000xi32, #tpu.memory_space<vmem>>, vector<16xi32>,
        %add3A_122 = arith.constant 64 : i32
        %add3A_123 = arith.addi %mul3A_66, %add3A_122 : i32
        %get3A_124 = arith.index_cast %add3A_123 : i32 to index
        %get3A_125 = tpu.vector_load %arg12[%get3A_124] {strides = array<i32>} : memref<4000xi32, #tpu.memory_space<vmem>>, vector<16xi32>,
        %add3A_126 = arith.constant 80 : i32
        %add3A_127 = arith.addi %mul3A_66, %add3A_126 : i32
        %get3A_128 = arith.index_cast %add3A_127 : i32 to index
        %get3A_129 = tpu.vector_load %arg12[%get3A_128] {strides = array<i32>} : memref<4000xi32, #tpu.memory_space<vmem>>, vector<16xi32>,
        %add3A_130 = arith.constant 96 : i32
        %add3A_131 = arith.addi %mul3A_66, %add3A_130 : i32
        %get3A_132 = arith.index_cast %add3A_131 : i32 to index
        %get3A_133 = tpu.vector_load %arg12[%get3A_132] {strides = array<i32>} : memref<4000xi32, #tpu.memory_space<vmem>>, vector<16xi32>,
        %add3A_134 = arith.constant 112 : i32
        %add3A_135 = arith.addi %mul3A_66, %add3A_134 : i32
        %get3A_136 = arith.index_cast %add3A_135 : i32 to index
        %get3A_137 = tpu.vector_load %arg12[%get3A_136] {strides = array<i32>} : memref<4000xi32, #tpu.memory_space<vmem>>, vector<16xi32>,
        %add3A_138 = arith.constant 128 : i32
        %add3A_139 = arith.addi %mul3A_66, %add3A_138 : i32
        %get3A_140 = arith.index_cast %add3A_139 : i32 to index
        %get3A_141 = tpu.vector_load %arg12[%get3A_140] {strides = array<i32>} : memref<4000xi32, #tpu.memory_space<vmem>>, vector<16xi32>,
        %add3A_142 = arith.constant 144 : i32
        %add3A_143 = arith.addi %mul3A_66, %add3A_142 : i32
        %get3A_144 = arith.index_cast %add3A_143 : i32 to index
        %get3A_145 = tpu.vector_load %arg12[%get3A_144] {strides = array<i32>} : memref<4000xi32, #tpu.memory_space<vmem>>, vector<16xi32>,
        %gather3A = tpu.vector_load_idx %arg7[%get3A_69] : memref<50048xf32, #tpu.memory_space<vmem>>[vector<16xi32>], vector<16xf32>,
        %gather3A_146 = tpu.vector_load_idx %arg7[%get3A_73] : memref<50048xf32, #tpu.memory_space<vmem>>[vector<16xi32>], vector<16xf32>,
        %gather3A_147 = tpu.vector_load_idx %arg7[%get3A_77] : memref<50048xf32, #tpu.memory_space<vmem>>[vector<16xi32>], vector<16xf32>,
        %gather3A_148 = tpu.vector_load_idx %arg7[%get3A_81] : memref<50048xf32, #tpu.memory_space<vmem>>[vector<16xi32>], vector<16xf32>,
        %gather3A_149 = tpu.vector_load_idx %arg7[%get3A_85] : memref<50048xf32, #tpu.memory_space<vmem>>[vector<16xi32>], vector<16xf32>,
        %gather3A_150 = tpu.vector_load_idx %arg7[%get3A_89] : memref<50048xf32, #tpu.memory_space<vmem>>[vector<16xi32>], vector<16xf32>,
        %gather3A_151 = tpu.vector_load_idx %arg7[%get3A_93] : memref<50048xf32, #tpu.memory_space<vmem>>[vector<16xi32>], vector<16xf32>,
        %gather3A_152 = tpu.vector_load_idx %arg7[%get3A_97] : memref<50048xf32, #tpu.memory_space<vmem>>[vector<16xi32>], vector<16xf32>,
        %gather3A_153 = tpu.vector_load_idx %arg7[%get3A_101] : memref<50048xf32, #tpu.memory_space<vmem>>[vector<16xi32>], vector<16xf32>,
        %gather3A_154 = tpu.vector_load_idx %arg7[%get3A_105] : memref<50048xf32, #tpu.memory_space<vmem>>[vector<16xi32>], vector<16xf32>,
        tpu.vector_store_idx %arg8[%get3A_109], %gather3A {add = true} : memref<50048xf32, #tpu.memory_space<vmem>>[vector<16xi32>], vector<16xf32>,
        tpu.vector_store_idx %arg8[%get3A_113], %gather3A_146 {add = true} : memref<50048xf32, #tpu.memory_space<vmem>>[vector<16xi32>], vector<16xf32>,
        tpu.vector_store_idx %arg8[%get3A_117], %gather3A_147 {add = true} : memref<50048xf32, #tpu.memory_space<vmem>>[vector<16xi32>], vector<16xf32>,
        tpu.vector_store_idx %arg8[%get3A_121], %gather3A_148 {add = true} : memref<50048xf32, #tpu.memory_space<vmem>>[vector<16xi32>], vector<16xf32>,
        tpu.vector_store_idx %arg8[%get3A_125], %gather3A_149 {add = true} : memref<50048xf32, #tpu.memory_space<vmem>>[vector<16xi32>], vector<16xf32>,
        tpu.vector_store_idx %arg8[%get3A_129], %gather3A_150 {add = true} : memref<50048xf32, #tpu.memory_space<vmem>>[vector<16xi32>], vector<16xf32>,
        tpu.vector_store_idx %arg8[%get3A_133], %gather3A_151 {add = true} : memref<50048xf32, #tpu.memory_space<vmem>>[vector<16xi32>], vector<16xf32>,
        tpu.vector_store_idx %arg8[%get3A_137], %gather3A_152 {add = true} : memref<50048xf32, #tpu.memory_space<vmem>>[vector<16xi32>], vector<16xf32>,
        tpu.vector_store_idx %arg8[%get3A_141], %gather3A_153 {add = true} : memref<50048xf32, #tpu.memory_space<vmem>>[vector<16xi32>], vector<16xf32>,
        tpu.vector_store_idx %arg8[%get3A_145], %gather3A_154 {add = true} : memref<50048xf32, #tpu.memory_space<vmem>>[vector<16xi32>], vector<16xf32>,
      }
      %scan3A_63 = arith.constant 25 : i32
    }
    %scan3A_20 = arith.constant 25 : i32
    "tpu.region"() ({
      %run_scoped3A = tpu.sem_alloc : memref<!tpu.dma_semaphore, #tpu.memory_space<semaphore_mem>>
      %dma_start3A_21 = arith.constant 0 : i32
      %dma_start3A_22 = tpu.memref_slice %arg6[%add3A, %dma_start3A_21] : memref<32x50048xf32, #tpu.memory_space<hbm>> -> memref<1x50048xf32, #tpu.memory_space<hbm>>
      %dma_start3A_23 = tpu.memref_squeeze %dma_start3A_22 : memref<1x50048xf32, #tpu.memory_space<hbm>> -> memref<50048xf32, #tpu.memory_space<hbm>>
      %dma_start3A_24 = arith.constant 0 : i32
      %dma_start3A_25 = tpu.memref_slice %arg6[%add3A, %dma_start3A_24] : memref<32x50048xf32, #tpu.memory_space<hbm>> -> memref<1x50048xf32, #tpu.memory_space<hbm>>
      %dma_start3A_26 = tpu.memref_squeeze %dma_start3A_25 : memref<1x50048xf32, #tpu.memory_space<hbm>> -> memref<50048xf32, #tpu.memory_space<hbm>>
      tpu.enqueue_dma source(%arg8 : memref<50048xf32, #tpu.memory_space<vmem>>) target(%dma_start3A_26 : memref<50048xf32, #tpu.memory_space<hbm>>) target_semaphore(%run_scoped3A : memref<!tpu.dma_semaphore, #tpu.memory_space<semaphore_mem>>)
      %dma_wait3A = arith.constant 0 : i32
      %dma_wait3A_27 = tpu.memref_slice %arg6[%add3A, %dma_wait3A] : memref<32x50048xf32, #tpu.memory_space<hbm>> -> memref<1x50048xf32, #tpu.memory_space<hbm>>
      %dma_wait3A_28 = tpu.memref_squeeze %dma_wait3A_27 : memref<1x50048xf32, #tpu.memory_space<hbm>> -> memref<50048xf32, #tpu.memory_space<hbm>>
      %dma_wait3A_29 = arith.constant 0 : i32
      %dma_wait3A_30 = tpu.memref_slice %arg6[%add3A, %dma_wait3A_29] : memref<32x50048xf32, #tpu.memory_space<hbm>> -> memref<1x50048xf32, #tpu.memory_space<hbm>>
      %dma_wait3A_31 = tpu.memref_squeeze %dma_wait3A_30 : memref<1x50048xf32, #tpu.memory_space<hbm>> -> memref<50048xf32, #tpu.memory_space<hbm>>
      tpu.wait_dma2 semaphore(%run_scoped3A : memref<!tpu.dma_semaphore, #tpu.memory_space<semaphore_mem>>) src(%arg8 : memref<50048xf32, #tpu.memory_space<vmem>>) dst(%dma_wait3A_31 : memref<50048xf32, #tpu.memory_space<hbm>>)
      tpu.yield
    }) : () -> ()
    return
  }
}

module attributes {stable_mosaic.version = 14 : i64} {
  func.func @_m0_body(%arg0: i32, %arg1: memref<32x2176xf32, #tpu.memory_space<vmem>>, %arg2: memref<1x2176xf32, #tpu.memory_space<vmem>>) attributes {dimension_semantics = [#tpu.dimension_semantics<arbitrary>], iteration_bounds = array<i64: 23>, scalar_prefetch = 0 : i64, scratch_operands = 0 : i64, tpu.core_type = #tpu.core_type<tc>, window_params = [{transform_indices = @transform_0, window_bounds = array<i64: 32, 2176>}, {transform_indices = @transform_1, window_bounds = array<i64: 1, 2176>}]} {
    %get3A = arith.constant 0 : index
    %get3A_0 = arith.constant 0 : index
    %get3A_1 = vector.load %arg1[%get3A, %get3A_0] : memref<32x2176xf32, #tpu.memory_space<vmem>>, vector<32x2176xf32>
    %reduce_sum3A = arith.constant dense<0.000000e+00> : vector<2176xf32>
    %reduce_sum3A_2 = vector.multi_reduction <add>, %get3A_1, %reduce_sum3A [0] : vector<32x2176xf32> to vector<2176xf32>
    %broadcast_in_dim3A = vector.shape_cast %reduce_sum3A_2 : vector<2176xf32> to vector<1x2176xf32>
    %add3A = arith.constant 1.000000e+00 : f32
    %add3A_3 = vector.broadcast %add3A : f32 to vector<1x2176xf32>
    %add3A_4 = arith.addf %add3A_3, %broadcast_in_dim3A : vector<1x2176xf32>
    %swap3A = arith.constant 0 : index
    %swap3A_5 = arith.constant 0 : index
    %swap3A_6 = vector.load %arg2[%swap3A, %swap3A_5] : memref<1x2176xf32, #tpu.memory_space<vmem>>, vector<1x2176xf32>
    tpu.vector_store %arg2[%swap3A, %swap3A_5], %add3A_4 {strides = array<i32>} : memref<1x2176xf32, #tpu.memory_space<vmem>>, vector<1x2176xf32>,
    return
  }
  func.func @transform_0(%arg0: i32) -> (i32, i32) {
    %c0_i32 = arith.constant 0 : i32
    %c0_i32_0 = arith.constant 0 : i32
    return %c0_i32, %arg0 : i32, i32
  }
  func.func @transform_1(%arg0: i32) -> (i32, i32) {
    %c0_i32 = arith.constant 0 : i32
    %c0_i32_0 = arith.constant 0 : i32
    return %c0_i32, %arg0 : i32, i32
  }
}

module attributes {stable_mosaic.version = 14 : i64} {
  func.func @_m1_body(%arg0: i32, %arg1: memref<2176x1433xf32, #tpu.memory_space<vmem>>, %arg2: memref<1433x64xf32, #tpu.memory_space<vmem>>, %arg3: memref<1x2176xf32, #tpu.memory_space<vmem>>, %arg4: memref<64x2176xf32, #tpu.memory_space<vmem>>) attributes {dimension_semantics = [#tpu.dimension_semantics<arbitrary>], iteration_bounds = array<i64: 23>, scalar_prefetch = 0 : i64, scratch_operands = 0 : i64, tpu.core_type = #tpu.core_type<tc>, window_params = [{transform_indices = @transform_0, window_bounds = array<i64: 2176, 1433>}, {pipeline_mode = #tpu.pipeline_mode<synchronous>, transform_indices = @transform_1, window_bounds = array<i64: 1433, 64>}, {transform_indices = @transform_2, window_bounds = array<i64: 1, 2176>}, {transform_indices = @transform_3, window_bounds = array<i64: 64, 2176>}]} {
    %get3A = arith.constant 0 : index
    %get3A_0 = arith.constant 0 : index
    %get3A_1 = vector.load %arg3[%get3A, %get3A_0] : memref<1x2176xf32, #tpu.memory_space<vmem>>, vector<1x2176xf32>
    %rsqrt3A = math.rsqrt %get3A_1 : vector<1x2176xf32>
    %get3A_2 = arith.constant 0 : index
    %get3A_3 = arith.constant 0 : index
    %get3A_4 = vector.load %arg2[%get3A_2, %get3A_3] : memref<1433x64xf32, #tpu.memory_space<vmem>>, vector<1433x64xf32>
    %get3A_5 = arith.constant 0 : index
    %get3A_6 = arith.constant 0 : index
    %get3A_7 = vector.load %arg1[%get3A_5, %get3A_6] : memref<2176x1433xf32, #tpu.memory_space<vmem>>, vector<2176x1433xf32>
    %dot_general3A = arith.constant dense<0.000000e+00> : vector<64x2176xf32>
    %dot_general3A_8 = tpu.matmul %get3A_4, %get3A_7, %dot_general3A {dimension_numbers = #tpu.dot_dimension_numbers<[0], [1], [1], [0], [0, 1, 1, 0], [], []>, transpose_lhs_hint = false} : vector<1433x64xf32>, vector<2176x1433xf32>, vector<64x2176xf32> -> vector<64x2176xf32>
    %mul3A = vector.broadcast %rsqrt3A : vector<1x2176xf32> to vector<64x2176xf32>
    %mul3A_9 = arith.mulf %mul3A, %dot_general3A_8 : vector<64x2176xf32>
    %swap3A = arith.constant 0 : index
    %swap3A_10 = arith.constant 0 : index
    %swap3A_11 = vector.load %arg4[%swap3A, %swap3A_10] : memref<64x2176xf32, #tpu.memory_space<vmem>>, vector<64x2176xf32>
    tpu.vector_store %arg4[%swap3A, %swap3A_10], %mul3A_9 {strides = array<i32>} : memref<64x2176xf32, #tpu.memory_space<vmem>>, vector<64x2176xf32>,
    return
  }
  func.func @transform_0(%arg0: i32) -> (i32, i32) {
    %c0_i32 = arith.constant 0 : i32
    %c0_i32_0 = arith.constant 0 : i32
    return %arg0, %c0_i32 : i32, i32
  }
  func.func @transform_1(%arg0: i32) -> (i32, i32) {
    %c0_i32 = arith.constant 0 : i32
    %c0_i32_0 = arith.constant 0 : i32
    %c0_i32_1 = arith.constant 0 : i32
    return %c0_i32, %c0_i32_0 : i32, i32
  }
  func.func @transform_2(%arg0: i32) -> (i32, i32) {
    %c0_i32 = arith.constant 0 : i32
    %c0_i32_0 = arith.constant 0 : i32
    return %c0_i32, %arg0 : i32, i32
  }
  func.func @transform_3(%arg0: i32) -> (i32, i32) {
    %c0_i32 = arith.constant 0 : i32
    %c0_i32_0 = arith.constant 0 : i32
    return %c0_i32, %arg0 : i32, i32
  }
}

module attributes {stable_mosaic.version = 14 : i64} {
  func.func @_m2_body(%arg0: i32, %arg1: memref<64x2176xf32, #tpu.memory_space<vmem>>, %arg2: memref<1x2176xf32, #tpu.memory_space<vmem>>, %arg3: memref<16x64xf32, #tpu.memory_space<vmem>>, %arg4: memref<64x1xf32, #tpu.memory_space<vmem>>, %arg5: memref<16x2176xf32, #tpu.memory_space<vmem>>) attributes {dimension_semantics = [#tpu.dimension_semantics<arbitrary>], iteration_bounds = array<i64: 23>, scalar_prefetch = 0 : i64, scratch_operands = 0 : i64, tpu.core_type = #tpu.core_type<tc>, window_params = [{transform_indices = @transform_0, window_bounds = array<i64: 64, 2176>}, {transform_indices = @transform_1, window_bounds = array<i64: 1, 2176>}, {pipeline_mode = #tpu.pipeline_mode<synchronous>, transform_indices = @transform_2, window_bounds = array<i64: 16, 64>}, {pipeline_mode = #tpu.pipeline_mode<synchronous>, transform_indices = @transform_3, window_bounds = array<i64: 64, 1>}, {transform_indices = @transform_4, window_bounds = array<i64: 16, 2176>}]} {
    %get3A = arith.constant 0 : index
    %get3A_0 = arith.constant 0 : index
    %get3A_1 = vector.load %arg2[%get3A, %get3A_0] : memref<1x2176xf32, #tpu.memory_space<vmem>>, vector<1x2176xf32>
    %rsqrt3A = math.rsqrt %get3A_1 : vector<1x2176xf32>
    %get3A_2 = arith.constant 0 : index
    %get3A_3 = arith.constant 0 : index
    %get3A_4 = vector.load %arg1[%get3A_2, %get3A_3] : memref<64x2176xf32, #tpu.memory_space<vmem>>, vector<64x2176xf32>
    %mul3A = vector.broadcast %rsqrt3A : vector<1x2176xf32> to vector<64x2176xf32>
    %mul3A_5 = arith.mulf %mul3A, %get3A_4 : vector<64x2176xf32>
    %get3A_6 = arith.constant 0 : index
    %get3A_7 = arith.constant 0 : index
    %get3A_8 = vector.load %arg4[%get3A_6, %get3A_7] : memref<64x1xf32, #tpu.memory_space<vmem>>, vector<64x1xf32>
    %add3A = vector.broadcast %get3A_8 : vector<64x1xf32> to vector<64x2176xf32>
    %add3A_9 = arith.addf %mul3A_5, %add3A : vector<64x2176xf32>
    %max3A = arith.constant 0.000000e+00 : f32
    %max3A_10 = vector.broadcast %max3A : f32 to vector<64x2176xf32>
    %max3A_11 = arith.maximumf %add3A_9, %max3A_10 : vector<64x2176xf32>
    %get3A_12 = arith.constant 0 : index
    %get3A_13 = arith.constant 0 : index
    %get3A_14 = vector.load %arg3[%get3A_12, %get3A_13] : memref<16x64xf32, #tpu.memory_space<vmem>>, vector<16x64xf32>
    %dot_general3A = arith.constant dense<0.000000e+00> : vector<16x2176xf32>
    %dot_general3A_15 = tpu.matmul %get3A_14, %max3A_11, %dot_general3A {dimension_numbers = #tpu.dot_dimension_numbers<[1], [0], [0], [1], [0, 0, 1, 1], [], []>, transpose_lhs_hint = false} : vector<16x64xf32>, vector<64x2176xf32>, vector<16x2176xf32> -> vector<16x2176xf32>
    %mul3A_16 = vector.broadcast %rsqrt3A : vector<1x2176xf32> to vector<16x2176xf32>
    %mul3A_17 = arith.mulf %mul3A_16, %dot_general3A_15 : vector<16x2176xf32>
    %swap3A = arith.constant 0 : index
    %swap3A_18 = arith.constant 0 : index
    %swap3A_19 = vector.load %arg5[%swap3A, %swap3A_18] : memref<16x2176xf32, #tpu.memory_space<vmem>>, vector<16x2176xf32>
    tpu.vector_store %arg5[%swap3A, %swap3A_18], %mul3A_17 {strides = array<i32>} : memref<16x2176xf32, #tpu.memory_space<vmem>>, vector<16x2176xf32>,
    return
  }
  func.func @transform_0(%arg0: i32) -> (i32, i32) {
    %c0_i32 = arith.constant 0 : i32
    %c0_i32_0 = arith.constant 0 : i32
    return %c0_i32, %arg0 : i32, i32
  }
  func.func @transform_1(%arg0: i32) -> (i32, i32) {
    %c0_i32 = arith.constant 0 : i32
    %c0_i32_0 = arith.constant 0 : i32
    return %c0_i32, %arg0 : i32, i32
  }
  func.func @transform_2(%arg0: i32) -> (i32, i32) {
    %c0_i32 = arith.constant 0 : i32
    %c0_i32_0 = arith.constant 0 : i32
    %c0_i32_1 = arith.constant 0 : i32
    return %c0_i32, %c0_i32_0 : i32, i32
  }
  func.func @transform_3(%arg0: i32) -> (i32, i32) {
    %c0_i32 = arith.constant 0 : i32
    %c0_i32_0 = arith.constant 0 : i32
    %c0_i32_1 = arith.constant 0 : i32
    return %c0_i32, %c0_i32_0 : i32, i32
  }
  func.func @transform_4(%arg0: i32) -> (i32, i32) {
    %c0_i32 = arith.constant 0 : i32
    %c0_i32_0 = arith.constant 0 : i32
    return %c0_i32, %arg0 : i32, i32
  }
}

module attributes {stable_mosaic.version = 14 : i64} {
  func.func @_m3_body(%arg0: i32, %arg1: memref<32x2176xf32, #tpu.memory_space<vmem>>, %arg2: memref<1x2176xf32, #tpu.memory_space<vmem>>, %arg3: memref<8x1xf32, #tpu.memory_space<vmem>>, %arg4: memref<8x2176xf32, #tpu.memory_space<vmem>>) attributes {dimension_semantics = [#tpu.dimension_semantics<arbitrary>], iteration_bounds = array<i64: 23>, scalar_prefetch = 0 : i64, scratch_operands = 0 : i64, tpu.core_type = #tpu.core_type<tc>, window_params = [{transform_indices = @transform_0, window_bounds = array<i64: 32, 2176>}, {transform_indices = @transform_1, window_bounds = array<i64: 1, 2176>}, {pipeline_mode = #tpu.pipeline_mode<synchronous>, transform_indices = @transform_2, window_bounds = array<i64: 8, 1>}, {transform_indices = @transform_3, window_bounds = array<i64: 8, 2176>}]} {
    %get3A = arith.constant 0 : index
    %get3A_0 = arith.constant 0 : index
    %get3A_1 = vector.load %arg2[%get3A, %get3A_0] : memref<1x2176xf32, #tpu.memory_space<vmem>>, vector<1x2176xf32>
    %rsqrt3A = math.rsqrt %get3A_1 : vector<1x2176xf32>
    %get3A_2 = arith.constant 0 : index
    %get3A_3 = arith.constant 0 : index
    %get3A_4 = vector.load %arg1[%get3A_2, %get3A_3] : memref<32x2176xf32, #tpu.memory_space<vmem>>, vector<32x2176xf32>
    %slice3A = vector.extract_strided_slice %get3A_4 {offsets = [0, 0], sizes = [8, 2176], strides = [1, 1]} : vector<32x2176xf32> to vector<8x2176xf32>
    %slice3A_5 = vector.extract_strided_slice %get3A_4 {offsets = [8, 0], sizes = [8, 2176], strides = [1, 1]} : vector<32x2176xf32> to vector<8x2176xf32>
    %add3A = arith.addf %slice3A, %slice3A_5 : vector<8x2176xf32>
    %slice3A_6 = vector.extract_strided_slice %get3A_4 {offsets = [16, 0], sizes = [8, 2176], strides = [1, 1]} : vector<32x2176xf32> to vector<8x2176xf32>
    %add3A_7 = arith.addf %add3A, %slice3A_6 : vector<8x2176xf32>
    %slice3A_8 = vector.extract_strided_slice %get3A_4 {offsets = [24, 0], sizes = [8, 2176], strides = [1, 1]} : vector<32x2176xf32> to vector<8x2176xf32>
    %add3A_9 = arith.addf %add3A_7, %slice3A_8 : vector<8x2176xf32>
    %mul3A = vector.broadcast %rsqrt3A : vector<1x2176xf32> to vector<8x2176xf32>
    %mul3A_10 = arith.mulf %mul3A, %add3A_9 : vector<8x2176xf32>
    %get3A_11 = arith.constant 0 : index
    %get3A_12 = arith.constant 0 : index
    %get3A_13 = vector.load %arg3[%get3A_11, %get3A_12] : memref<8x1xf32, #tpu.memory_space<vmem>>, vector<8x1xf32>
    %add3A_14 = vector.broadcast %get3A_13 : vector<8x1xf32> to vector<8x2176xf32>
    %add3A_15 = arith.addf %mul3A_10, %add3A_14 : vector<8x2176xf32>
    %swap3A = arith.constant 0 : index
    %swap3A_16 = arith.constant 0 : index
    %swap3A_17 = vector.load %arg4[%swap3A, %swap3A_16] : memref<8x2176xf32, #tpu.memory_space<vmem>>, vector<8x2176xf32>
    tpu.vector_store %arg4[%swap3A, %swap3A_16], %add3A_15 {strides = array<i32>} : memref<8x2176xf32, #tpu.memory_space<vmem>>, vector<8x2176xf32>,
    return
  }
  func.func @transform_0(%arg0: i32) -> (i32, i32) {
    %c0_i32 = arith.constant 0 : i32
    %c0_i32_0 = arith.constant 0 : i32
    return %c0_i32, %arg0 : i32, i32
  }
  func.func @transform_1(%arg0: i32) -> (i32, i32) {
    %c0_i32 = arith.constant 0 : i32
    %c0_i32_0 = arith.constant 0 : i32
    return %c0_i32, %arg0 : i32, i32
  }
  func.func @transform_2(%arg0: i32) -> (i32, i32) {
    %c0_i32 = arith.constant 0 : i32
    %c0_i32_0 = arith.constant 0 : i32
    %c0_i32_1 = arith.constant 0 : i32
    return %c0_i32, %c0_i32_0 : i32, i32
  }
  func.func @transform_3(%arg0: i32) -> (i32, i32) {
    %c0_i32 = arith.constant 0 : i32
    %c0_i32_0 = arith.constant 0 : i32
    return %c0_i32, %arg0 : i32, i32
  }
}

</mosaic_0001>

<sc_bundles>
// kernel: kernel.12.cloned.1.call-start
scs
__scs_entry_jumppad:
0x0: {  	(pc) =	sbr.rel $0x88, $3  }
0x1: {  	(tag) =	ssettag $0x0;
	lr =	simm.s32 $0x1  }
0x2: {  	[smem:$0x3F9B] =	sst lr;
	_ =	strace $0xD0000000  }
0x3: {  	_ = 	snop  }
0x4: {  	_ = 	snop  }
0x5: {  	_ = 	snop  }
0x6: {  	_ = 	snop  }
0x7: {  	_ = 	snop  }
__scs_overlays_trampoline_lowered:
0x8: {  	[smem:$0x3FAA] =	sst s0  }
0x9: {  	[smem:$0x3FAB] =	sst s1  }
0xa: {  	[smem:$0x3FAC] =	sst s2  }
0xb: {  	[smem:$0x3FAD] =	sst s3  }
0xc: {  	[smem:$0x3FAE] =	sst s4  }
0xd: {  	[smem:$0x3FAF] =	sst s5  }
0xe: {  	[smem:$0x3FB0] =	sst s6  }
0xf: {  	[smem:$0x3FB1] =	sst s7  }
0x10: {  	[smem:$0x3FB2] =	sst s8  }
0x11: {  	[smem:$0x3FB3] =	sst s9;
	s0 =	simm.s32 @!p0 $0x0  }
0x12: {  	s1 =	sld [smem:$0x3F99];
	s0 =	simm.s32 @p0 $0x1  }
0x13: {  	[smem:$0x3FB4] =	sst s0;
	s0 =	simm.s32 @!p1 $0x0  }
0x14: {  	s2 =	sld [smem:$0x3F98];
	s0 =	simm.s32 @p1 $0x1  }
0x15: {  	[smem:$0x3FB5] =	sst s0;
	s0 =	simm.s32 @!p2 $0x0  }
0x16: {  	s3 =	sld [smem:$0x3FDB];
	s0 =	simm.s32 @p2 $0x1  }
0x17: {  	s4 =	simm.s32 $0x1BF5;
	[smem:$0x3FB7] =	sst s0  }
0x18: {  	s0 =	sld [smem:$0x3F9A];
	_ =	swait.ge [sflag:s4], $0x0  }
0x19: {  	s7 =	sld [smem:$0x3F9B]  }
0x1a: {  	s8 =	sadd.s32 $0xFFFFE003, lr  }
0x1b: {  	s9 =	sadd.s32 $0xFFFFFEF7, lr;
	s5 =	simm.s32 $0xFFFFFFFF;
	p2 =	slt.u32 s8, $0xFFFFF086  }
0x1c: {  	p1 =	slt.u32 s9, $0xF7A;
	s5 =	simm.s32 @!p2 $0x0  }
0x1d: {  	s5 =	simm.s32 @p1 $0x1;
	p0 =	seq.s32 s7, s2  }
0x1e: {  	s7 =	smul.u32 @!p0 $0xF7A, s2;
	p2 =	seq.s32 @!p0 s5, $0x0  }
0x1f: {  	s9 =	smul.u32 $0xF7A, s1;
	s8 =	simm.s32 @!p0 $0x1BF5;
	p2 =	por !p2, p0  }
0x20: {  	[sflag:s8] =	ssyncset.s32 @!p0 $0xFFFFF086;
	s6 =	sadd.s32 @!p0 s3, s7;
	s7 =	simm.s32 @!p0 $0x108  }
0x21: {  	s3 =	sadd.s32 s3, s9;
	s6 =	sadd.s32 @!p0 $0x88, s6;
	s7 =	simm.s32 @p2 $0x1082  }
0x22: {  	[simem:s7], [sflag:s8] =	dma.local @!p0 [hbm:s6], $0xF7A  }
0x23: {  	s9 =	sor.u32 $0xD0000000, s2;
	s6 =	simm.s32 $0x108;
	_ =	swait.ge @!p0 [sflag:s8], $0x0  }
0x24: {  	s3 =	sadd.s32 $0x88, s3;
	s6 =	simm.s32 @!p1 $0x1082;
	[sflag:s4] =	ssyncset.s32 $0xFFFFF086  }
0x25: {  	[simem:s6], [sflag:s4] =	dma.local [hbm:s3], $0xF7A  }
0x26: {  	[smem:$0x3F9B] =	sst s1;
	(tag) =	ssettag s2;
	_ =	strace s9  }
0x27: {  	s1 =	sld [smem:$0x3FAB]  }
0x28: {  	s2 =	sld [smem:$0x3FAC]  }
0x29: {  	s4 =	sld [smem:$0x3FAE]  }
0x2a: {  	p0 =	seq.s32 s5, $0x0;
	s5 =	sld [smem:$0x3FAF]  }
0x2b: {  	s6 =	sld [smem:$0x3FB0]  }
0x2c: {  	s7 =	sld [smem:$0x3FB1]  }
0x2d: {  	s3 =	simm.s32 $0x108;
	s8 =	sld [smem:$0x3FB2]  }
0x2e: {  	s3 =	simm.s32 @!p0 $0x1082;
	s9 =	sld [smem:$0x3FB3]  }
0x2f: {  	lr =	sadd.s32 s0, s3;
	s0 =	sld [smem:$0x3FAA]  }
0x30: {  	s3 =	sld [smem:$0x3FAD]  }
0x31: {  	[smem:$0x3FB6] =	sst s10  }
0x32: {  	s10 =	sld [smem:$0x3FB4];
	_ =	sdelay $0x3  }
0x33: {  	p0 =	seq.s32 s10, $0x1;
	s10 =	sld [smem:$0x3FB6];
	_ =	sdelay $0x3  }
0x34: {  	[smem:$0x3FB6] =	sst s10  }
0x35: {  	s10 =	sld [smem:$0x3FB5];
	_ =	sdelay $0x3  }
0x36: {  	p1 =	seq.s32 s10, $0x1;
	s10 =	sld [smem:$0x3FB6];
	_ =	sdelay $0x3  }
0x37: {  	[smem:$0x3FB6] =	sst s10  }
0x38: {  	s10 =	sld [smem:$0x3FB7]  }
0x39: {  	_ = 	snop;
	(pc) =	sbr.ind lr, $3  }
0x3a: {  	_ = 	snop  }
0x3b: {  	_ = 	snop  }
0x3c: {  	p2 =	seq.s32 s10, $0x1;
	s10 =	sld [smem:$0x3FB6]  }
0x3d: {  	_ =	shalt  }
0x3e: {  	_ =	shalt  }
0x3f: {  	_ =	shalt  }
0x40: {  	_ =	shalt  }
0x41: {  	_ =	shalt  }
0x42: {  	_ =	shalt  }
0x43: {  	_ =	shalt  }
0x44: {  	_ =	shalt  }
0x45: {  	_ =	shalt  }
0x46: {  	_ =	shalt  }
0x47: {  	_ =	shalt  }
0x48: {  	_ =	shalt  }
0x49: {  	_ =	shalt  }
0x4a: {  	_ =	shalt  }
0x4b: {  	_ =	shalt  }
0x4c: {  	_ =	shalt  }
0x4d: {  	_ =	shalt  }
0x4e: {  	_ =	shalt  }
0x4f: {  	_ =	shalt  }
0x50: {  	_ =	shalt  }
0x51: {  	_ =	shalt  }
0x52: {  	_ =	shalt  }
0x53: {  	_ =	shalt  }
0x54: {  	_ =	shalt  }
0x55: {  	_ =	shalt  }
0x56: {  	_ =	shalt  }
0x57: {  	_ =	shalt  }
0x58: {  	_ =	shalt  }
0x59: {  	_ =	shalt  }
0x5a: {  	_ =	shalt  }
0x5b: {  	_ =	shalt  }
0x5c: {  	_ =	shalt  }
0x5d: {  	_ =	shalt  }
0x5e: {  	_ =	shalt  }
0x5f: {  	_ =	shalt  }
0x60: {  	_ =	shalt  }
0x61: {  	_ =	shalt  }
0x62: {  	_ =	shalt  }
0x63: {  	_ =	shalt  }
0x64: {  	_ =	shalt  }
0x65: {  	_ =	shalt  }
0x66: {  	_ =	shalt  }
0x67: {  	_ =	shalt  }
0x68: {  	_ =	shalt  }
0x69: {  	_ =	shalt  }
0x6a: {  	_ =	shalt  }
0x6b: {  	_ =	shalt  }
0x6c: {  	_ =	shalt  }
0x6d: {  	_ =	shalt  }
0x6e: {  	_ =	shalt  }
0x6f: {  	_ =	shalt  }
0x70: {  	_ =	shalt  }
0x71: {  	_ =	shalt  }
0x72: {  	_ =	shalt  }
0x73: {  	_ =	shalt  }
0x74: {  	_ =	shalt  }
0x75: {  	_ =	shalt  }
0x76: {  	_ =	shalt  }
0x77: {  	_ =	shalt  }
0x78: {  	_ =	shalt  }
0x79: {  	_ =	shalt  }
0x7a: {  	_ =	shalt  }
0x7b: {  	_ =	shalt  }
0x7c: {  	_ =	shalt  }
0x7d: {  	_ =	shalt  }
0x7e: {  	_ =	shalt  }
0x7f: {  	_ =	shalt  }
0x80: {  	_ =	shalt  }
0x81: {  	_ =	shalt  }
0x82: {  	_ =	shalt  }
0x83: {  	_ =	shalt  }
0x84: {  	_ =	shalt  }
0x85: {  	_ =	shalt  }
0x86: {  	_ =	shalt  }
0x87: {  	_ =	shalt  }
.Lfunc_end0:
.L_simem_size_0:
called_computation.1_lowered:
.L_overlay_start_0:
0x88: {  	s2 =	sld [smem:$0x3FD9]  }
0x89: {  	s3 =	sld [smem:$0x3FFE];
	_ =	sdelay $0x1  }
0x8a: {  	s1 =	srdreg.scid  }
0x8b: {  	s0 =	sand.u32 $0x1, s1  }
0x8c: {  	s16 =	sshll.u32 s0, $0xA;
	s2 =	sadd.s32 s3, s2  }
0x8d: {  	s2 =	sadd.s32 s2, s16  }
0x8e: {  	[smem:$0x3FC2] =	sst s2  }
0x8f: {  	_ = 	snop  }
0x90: {  	(tm) =	ssettm $0x1  }
0x91: {  	s17 =	sld [smem:$0x3FFB];
	_ =	sdelay $0x3  }
0x92: {  	_ =	strace s17  }
0x93: {  	s2 =	sld [smem:$0x3FFC];
	_ =	sdelay $0x3  }
0x94: {  	_ =	strace s2  }
0x95: {  	s2 =	sld [smem:$0x3FFD];
	_ =	sdelay $0x3  }
0x96: {  	_ =	strace s2  }
0x97: {  	_ =	strace $0x8FFFFFFF  }
0x98: {  	s18 =	sld [smem:$0x3FDB];
	_ =	sdelay $0x1  }
0x99: {  	s19 =	simm.s32 $_scs_section_size  }
0x9a: {  	s4 =	simm.s32 $_size__tile_overlayer_lowered;
	s5 =	simm.s32 $_tile_overlayer_lowered  }
0x9b: {  	s22 =	simm.s32 $0x1BFF;
	s21 =	sshll.u32 s5, $0x1;
	s2 =	sadd.s32 s19, s18  }
0x9c: {  	s6 =	simm.s32 $0x0;
	s20 =	sshll.u32 s4, $0x1;
	s4 =	sadd.s32 s21, s2  }
0x9d: {  	[timem:s6], [sflag:s22] =	dma.local [hbm:s4], s20  }
0x9e: {  	_ =	swait.ge [sflag:s22], s20  }
0x9f: {  	s3 =	ssub.s32 $0x0, s20;
	[sflag:s22] =	ssyncset.done $0x0  }
0xa0: {  	[sflag:s22] =	ssyncadd.s32 s3;
	_ =	sdelay $0x1  }
0xa1: {  	s23 =	simm.s32 $0x1B8B  }
0xa2: {  	_ =	swait.ge [sflag:s23], $0x1  }
0xa3: {  	[sflag:s23] =	ssyncset.done $0x0  }
0xa4: {  	s25 =	simm.s32 $0x1B8E;
	s24 =	sld [smem:$0x3FFE];
	[sflag:s23] =	ssyncadd.s32 $0xFFFFFFFF  }
0xa5: {  	s26 =	simm.s32 $execute0_lowered;
	[smem:$0x3FD2] =	sst s25  }
0xa6: {  	s4 =	sshll.u32 s26, $0x1;
	_ =	strace $0x80000049;
	[dreg:$0x1] =	wrdreg $0xFFFFFFFF  }
0xa7: {  	s28 =	simm.s32 $_size_execute0_lowered;
	s2 =	sadd.s32 s2, s4;
	[dreg:$0x0] =	wrdreg $0x0  }
0xa8: {  	s4 =	sshll.u32 s28, $0x1;
	[dreg:$0x2] =	wrdreg s2  }
0xa9: {  	[dreg:$0x3] =	wrdreg s4  }
0xaa: {  	[dreg:$0x4] =	wrdreg $0xC0  }
0xab: {  	_ =	task [dreg:s6], $0x5FFFF  }
0xac: {  	[dreg:$0x1] =	wrdreg $0xFFFFFFFF  }
0xad: {  	[dreg:$0x0] =	wrdreg $0x60  }
0xae: {  	[dreg:$0x2] =	wrdreg s24  }
0xaf: {  	[dreg:$0x3] =	wrdreg $0x9  }
0xb0: {  	_ =	task.clear_ibuf [dreg:s6], $0x4FFFF;
	_ =	strace $0x90000049  }
0xb1: {  	s29 =	simm.s32 $0x9;
	_ =	strace $0x8000004B  }
0xb2: {  	_ =	swait.ge [sflag:s29], $0x1  }
0xb3: {  	[sflag:s29] =	ssyncadd.s32 $0xFFFFFFFF  }
0xb4: {  	_ =	strace $0x9000004B  }
0xb5: {  	_ =	sfence  }
0xb6: {  	s30 =	sld [smem:$0x0];
	_ =	sdelay $0x2  }
0xb7: {  	s31 =	sshll.u32 s1, $0xD;
	s1 =	sshrl.u32 s1, $0x2  }
0xb8: {  	s3 =	sand.u32 $0x4000, s31;
	s1 =	sadd.s32 s1, s30  }
0xb9: {  	s0 =	sor.u32 s3, s0;
	s1 =	sshll.u32 s1, $0x11  }
0xba: {  	s0 =	sor.u32 s1, s0  }
0xbb: {  	s0 =	sadd.s32 $0x8F2B, s0  }
0xbc: {  	[sflag:s0] =	ssyncadd.remote.s32 $0x1  }
0xbd: {  	_ =	sfence.sel $0xFFFF  }
0xbe: {  	[dreg:$0x0] =	wrdreg $0xFFFFFFFF;
	(pc) =	sbr.abs _section_cstart, $3  }
0xbf: {  	[dreg:$0x1] =	wrdreg $0xFFFFFFFF  }
0xc0: {  	_ =	task.clear_ibuf [dreg:s6], $0x2FFFF;
	_ =	strace $0x9FFFFFFF  }
0xc1: {  	(tm) =	ssettm $0x7FFFFFFF  }
tec
execute0_lowered:
.L_overlay_start_1:
0x0: {  	(tag) =	ssettag $0x1  }
0x1: {  	s5 =	rddreg [dreg:$0x0]  }
0x2: {  	s0 =	rddreg [dreg:$0x1]  }
0x3: {  	s2 =	simm.s32 $0x0;
	s3 =	srdreg.scid;
	s1 =	stileid.u32  }
0x4: {  	s12 =	simm.s32 $0x18700;
	s13 =	simm.s32 $0x196A0;
	s14 =	simm.s32 $0x1A640  }
0x5: {  	s15 =	simm.s32 $0x1B5E0;
	s16 =	simm.s32 $0x1;
	s17 =	simm.s32 $0x2  }
0x6: {  	s18 =	simm.s32 $0x0;
	s6 =	sand.u32 $0x1, s3;
	s4 =	sshll.u32 s1, $0x1  }
0x7: {  	[smem:$0x7FF] =	sst s2;
	s3 =	sadd.s32 $0x18E00, s5;
	s7 =	sor.u32 s6, s4  }
0x8: {  	s9 =	sadd.s32 $0x31600, s5;
	s11 =	sadd.s32 $0x93200, s5;
	s8 =	smul.u32 $0xC380, s7  }
0x9: {  	_ =	strace $0x8000004A;
	s6 =	ssub.s32 $0x2, s6;
	s7 =	smul.u32 $0x1870, s7  }
0xa: {  	s4 =	sadd.s32 $0x600, s5;
	s10 =	sshrl.u32 s6, $0x1;
	s8 =	sshrl.u32 s8, $0x3  }
0xb: {  	s10 =	ssub.s32 s6, s10;
	s5 =	sadd.s32 s9, s7;
	s8 =	sadd.s32 $0x30E00, s8  }
0xc: {  	s6 =	sadd.s32 s11, s7;
	s7 =	sadd.s32 s9, s8;
	s8 =	sadd.s32 s11, s8  }
0xd: {  	s9 =	smax.u32 s10, $0x1;
	s10 =	simm.s32 $0x3;
	s11 =	simm.s32 $0xC380  }
.LBB2_1:
0xe: {  	[tilespmem:s2], [sflag:$0x3] =	stream.linear.gather [hbm4b:s5+s2], $0xC380, $0x38;
	[tilespmem:$0x1C580] =	vst v63  }
0xf: {  	_ =	swait.ge [sflag:s10], $0xC380  }
0x10: {  	[sflag:s10] =	ssyncset.done $0x0  }
0x11: {  	[sflag:s10] =	ssyncadd.s32 $0xFFFF3C80  }
0x12: {  	[tilespmem:s11], [sflag:$0x3] =	stream.linear.gather [hbm4b:s5+s2], $0xC380, $0x38;
	[tilespmem:$0x1C580] =	vst v63  }
0x13: {  	_ =	swait.ge [sflag:s10], $0xC380  }
0x14: {  	[sflag:s10] =	ssyncset.done $0x0  }
0x15: {  	[sflag:s10] =	ssyncadd.s32 $0xFFFF3C80  }
0x16: {  	[tilespmem:s12], [sflag:$0x1] =	stream.linear.gather [hbm4b:s3+s2], $0xFA0, $0x38;
	[tilespmem:$0x1C580] =	vst v63  }
0x17: {  	s19 =	simm.s32 $0x0  }
0x18: {  	[tilespmem:s13], [sflag:$0x1] =	stream.linear.gather [hbm4b:s4+s2], $0xFA0, $0x38;
	[tilespmem:$0x1C580] =	vst v63  }
.LBB2_2:
0x19: {  	s20 =	smul.u32 $0x1F40, s19;
	_ =	sdelay $0x1  }
0x1a: {  	s21 =	sshrl.u32 s20, $0x3  }
0x1b: {  	s21 =	sadd.s32 $0x1F4, s21  }
0x1c: {  	s23 =	simm.s32 $0x0;
	s22 =	sadd.s32 s3, s21  }
0x1d: {  	[tilespmem:s14], [sflag:$0x2] =	stream.linear.gather [hbm4b:s22+s23], $0xFA0, $0x38;
	[tilespmem:$0x1C580] =	vst v63  }
0x1e: {  	s21 =	sadd.s32 s4, s21  }
0x1f: {  	[tilespmem:s15], [sflag:$0x2] =	stream.linear.gather [hbm4b:s21+s23], $0xFA0, $0x38;
	[tilespmem:$0x1C580] =	vst v63  }
0x20: {  	_ =	swait.ge [sflag:s16], $0xFA0  }
0x21: {  	[sflag:s16] =	ssyncset.done $0x0  }
0x22: {  	[sflag:s16] =	ssyncadd.s32 $0xFFFFF060  }
0x23: {  	_ =	swait.ge [sflag:s16], $0xFA0  }
0x24: {  	[sflag:s16] =	ssyncset.done $0x0  }
0x25: {  	s31 =	simm.s32 $0x0;
	[sflag:s16] =	ssyncadd.s32 $0xFFFFF060  }
0x26: {  	v0 =	vld [tilespmem:s31+$0x19720]  }
0x27: {  	v4 =	vld [tilespmem:s31+$0x196D0]  }
0x28: {  	v5 =	vld [tilespmem:s31+$0x196B0]  }
0x29: {  	v6 =	vld [tilespmem:s31+$0x196C0]  }
0x2a: {  	v7 =	vld [tilespmem:s31+$0x196E0]  }
0x2b: {  	v8 =	vld [tilespmem:s31+$0x19700]  }
0x2c: {  	v1 =	vld [tilespmem:s31+$0x18780]  }
0x2d: {  	v9 =	vld [tilespmem:s31+$0x196F0]  }
0x2e: {  	v3 =	vld [tilespmem:s31+$0x18790]  }
0x2f: {  	v2 =	vld [tilespmem:s31+$0x18730]  }
0x30: {  	v10 =	vld [tilespmem:s31+$0x18750]  }
0x31: {  	v11 =	vld [tilespmem:s31+$0x18740]  }
0x32: {  	v12 =	vld [tilespmem:s31+$0x18720]  }
0x33: {  	v13 =	vld [tilespmem:s31+$0x18770]  }
0x34: {  	v14 =	vld [tilespmem:s31+$0x18760]  }
0x35: {  	v15 =	vld [tilespmem:s31+$0x18710]  }
0x36: {  	v16 =	vld [tilespmem:s31+$0x18700]  }
0x37: {  	v17 =	vld [tilespmem:s31+$0x196A0]  }
0x38: {  	v19 =	vld [tilespmem:s31+$0x19710]  }
0x39: {  	v1 =	vld.idx.msk [tilespmem:v1+s2+$0x0], $0xffff  }
0x3a: {  	v18 =	vld.idx.msk [tilespmem:v2+s2+$0x0], $0xffff  }
0x3b: {  	v12 =	vld.idx.msk [tilespmem:v12+s2+$0x0], $0xffff  }
0x3c: {  	v11 =	vld.idx.msk [tilespmem:v11+s2+$0x0], $0xffff  }
0x3d: {  	v2 =	vld [tilespmem:s31+$0x19730]  }
0x3e: {  	v15 =	vld.idx.msk [tilespmem:v15+s2+$0x0], $0xffff  }
0x3f: {  	v16 =	vld.idx.msk [tilespmem:v16+s2+$0x0], $0xffff  }
0x40: {  	v13 =	vld.idx.msk [tilespmem:v13+s2+$0x0], $0xffff  }
0x41: {  	v14 =	vld.idx.msk [tilespmem:v14+s2+$0x0], $0xffff  }
0x42: {  	v3 =	vld.idx.msk [tilespmem:v3+s2+$0x0], $0xffff  }
0x43: {  	v10 =	vld.idx.msk [tilespmem:v10+s2+$0x0], $0xffff  }
0x44: {  	[tilespmem:v17+s11+$0x0] =	vst.idx.add.f32.msk $0xffff, v16  }
0x45: {  	[tilespmem:v5+s11+$0x0] =	vst.idx.add.f32.msk $0xffff, v15  }
0x46: {  	[tilespmem:v6+s11+$0x0] =	vst.idx.add.f32.msk $0xffff, v12  }
0x47: {  	[tilespmem:v4+s11+$0x0] =	vst.idx.add.f32.msk $0xffff, v18  }
0x48: {  	[tilespmem:v7+s11+$0x0] =	vst.idx.add.f32.msk $0xffff, v11  }
0x49: {  	[tilespmem:v9+s11+$0x0] =	vst.idx.add.f32.msk $0xffff, v10  }
0x4a: {  	[tilespmem:v8+s11+$0x0] =	vst.idx.add.f32.msk $0xffff, v14  }
0x4b: {  	s21 =	simm.s32 $0x280;
	[tilespmem:v19+s11+$0x0] =	vst.idx.add.f32.msk $0xffff, v13  }
.LBB2_3:
0x4c: {  	s22 =	sshra.s32 s21, $0x2;
	p0 =	sne.s32 s21, $0x3C00;
	s21 =	sadd.s32 $0x280, s21;
	[tilespmem:v0+s11+$0x0] =	vst.idx.add.f32.msk $0xffff, v1  }
0x4d: {  	[tilespmem:v2+s11+$0x0] =	vst.idx.add.f32.msk $0xffff, v3  }
0x4e: {  	v0 =	vld [tilespmem:s22+$0x19720]  }
0x4f: {  	v4 =	vld [tilespmem:s22+$0x196D0]  }
0x50: {  	v5 =	vld [tilespmem:s22+$0x196B0]  }
0x51: {  	v6 =	vld [tilespmem:s22+$0x196C0]  }
0x52: {  	v7 =	vld [tilespmem:s22+$0x196E0]  }
0x53: {  	v8 =	vld [tilespmem:s22+$0x19700]  }
0x54: {  	v1 =	vld [tilespmem:s22+$0x18780]  }
0x55: {  	v9 =	vld [tilespmem:s22+$0x196F0]  }
0x56: {  	v3 =	vld [tilespmem:s22+$0x18790]  }
0x57: {  	v2 =	vld [tilespmem:s22+$0x18730]  }
0x58: {  	v10 =	vld [tilespmem:s22+$0x18750]  }
0x59: {  	v11 =	vld [tilespmem:s22+$0x18740]  }
0x5a: {  	v12 =	vld [tilespmem:s22+$0x18720]  }
0x5b: {  	v13 =	vld [tilespmem:s22+$0x18770]  }
0x5c: {  	v14 =	vld [tilespmem:s22+$0x18760]  }
0x5d: {  	v15 =	vld [tilespmem:s22+$0x18710]  }
0x5e: {  	v16 =	vld [tilespmem:s22+$0x18700]  }
0x5f: {  	v17 =	vld [tilespmem:s22+$0x196A0]  }
0x60: {  	v1 =	vld.idx.msk [tilespmem:v1+s2+$0x0], $0xffff  }
0x61: {  	v18 =	vld.idx.msk [tilespmem:v2+s2+$0x0], $0xffff  }
0x62: {  	v12 =	vld.idx.msk [tilespmem:v12+s2+$0x0], $0xffff  }
0x63: {  	v11 =	vld.idx.msk [tilespmem:v11+s2+$0x0], $0xffff  }
0x64: {  	v2 =	vld [tilespmem:s22+$0x19730]  }
0x65: {  	v15 =	vld.idx.msk [tilespmem:v15+s2+$0x0], $0xffff  }
0x66: {  	v16 =	vld.idx.msk [tilespmem:v16+s2+$0x0], $0xffff  }
0x67: {  	v13 =	vld.idx.msk [tilespmem:v13+s2+$0x0], $0xffff  }
0x68: {  	v19 =	vld [tilespmem:s22+$0x19710]  }
0x69: {  	v14 =	vld.idx.msk [tilespmem:v14+s2+$0x0], $0xffff  }
0x6a: {  	v3 =	vld.idx.msk [tilespmem:v3+s2+$0x0], $0xffff  }
0x6b: {  	v10 =	vld.idx.msk [tilespmem:v10+s2+$0x0], $0xffff  }
0x6c: {  	[tilespmem:v17+s11+$0x0] =	vst.idx.add.f32.msk $0xffff, v16  }
0x6d: {  	[tilespmem:v5+s11+$0x0] =	vst.idx.add.f32.msk $0xffff, v15  }
0x6e: {  	[tilespmem:v6+s11+$0x0] =	vst.idx.add.f32.msk $0xffff, v12  }
.Ltmp0:
0x6f: {  	[tilespmem:v4+s11+$0x0] =	vst.idx.add.f32.msk $0xffff, v18;
	(pc) =	sbr.rel @p0 .LBB2_3-.Ltmp0, $4  }
0x70: {  	[tilespmem:v7+s11+$0x0] =	vst.idx.add.f32.msk $0xffff, v11  }
0x71: {  	[tilespmem:v9+s11+$0x0] =	vst.idx.add.f32.msk $0xffff, v10  }
0x72: {  	[tilespmem:v8+s11+$0x0] =	vst.idx.add.f32.msk $0xffff, v14  }
0x73: {  	[tilespmem:v19+s11+$0x0] =	vst.idx.add.f32.msk $0xffff, v13  }
0x74: {  	_ =	sdelay $0x1  }
0x75: {  	p0 =	seq.s32 s19, $0x63  }
0x76: {  	s20 =	sshrl.u32 @!p0 s20, $0x3  }
0x77: {  	[tilespmem:v0+s11+$0x0] =	vst.idx.add.f32.msk $0xffff, v1;
	s20 =	sadd.s32 @!p0 $0x3E8, s20  }
0x78: {  	[tilespmem:v2+s11+$0x0] =	vst.idx.add.f32.msk $0xffff, v3;
	s22 =	simm.s32 @!p0 $0x0;
	s23 =	simm.s32 @!p0 $0x18700;
	s21 =	sadd.s32 @!p0 s3, s20  }
0x79: {  	[tilespmem:s23], [sflag:$0x1] =	stream.linear.gather @!p0 [hbm4b:s21+s22], $0xFA0, $0x38;
	[tilespmem:$0x1C580] =	vst v63  }
0x7a: {  	s20 =	sadd.s32 @!p0 s4, s20;
	s21 =	simm.s32 @!p0 $0x196A0  }
0x7b: {  	[tilespmem:s21], [sflag:$0x1] =	stream.linear.gather @!p0 [hbm4b:s20+s22], $0xFA0, $0x38;
	[tilespmem:$0x1C580] =	vst v63  }
0x7c: {  	_ =	swait.ge [sflag:s17], $0xFA0  }
0x7d: {  	[sflag:s17] =	ssyncset.done $0x0  }
0x7e: {  	[sflag:s17] =	ssyncadd.s32 $0xFFFFF060  }
0x7f: {  	_ =	swait.ge [sflag:s17], $0xFA0  }
0x80: {  	[sflag:s17] =	ssyncset.done $0x0  }
0x81: {  	s31 =	simm.s32 $0x0;
	[sflag:s17] =	ssyncadd.s32 $0xFFFFF060  }
0x82: {  	v0 =	vld [tilespmem:s31+$0x1B660]  }
0x83: {  	v4 =	vld [tilespmem:s31+$0x1B610]  }
0x84: {  	v5 =	vld [tilespmem:s31+$0x1B5F0]  }
0x85: {  	v6 =	vld [tilespmem:s31+$0x1B600]  }
0x86: {  	v7 =	vld [tilespmem:s31+$0x1B620]  }
0x87: {  	v8 =	vld [tilespmem:s31+$0x1B640]  }
0x88: {  	v1 =	vld [tilespmem:s31+$0x1A6C0]  }
0x89: {  	v9 =	vld [tilespmem:s31+$0x1B630]  }
0x8a: {  	v3 =	vld [tilespmem:s31+$0x1A6D0]  }
0x8b: {  	v2 =	vld [tilespmem:s31+$0x1A670]  }
0x8c: {  	v10 =	vld [tilespmem:s31+$0x1A690]  }
0x8d: {  	v11 =	vld [tilespmem:s31+$0x1A680]  }
0x8e: {  	v12 =	vld [tilespmem:s31+$0x1A660]  }
0x8f: {  	v13 =	vld [tilespmem:s31+$0x1A6B0]  }
0x90: {  	v14 =	vld [tilespmem:s31+$0x1A6A0]  }
0x91: {  	v15 =	vld [tilespmem:s31+$0x1A650]  }
0x92: {  	v16 =	vld [tilespmem:s31+$0x1A640]  }
0x93: {  	v17 =	vld [tilespmem:s31+$0x1B5E0]  }
0x94: {  	v19 =	vld [tilespmem:s31+$0x1B650]  }
0x95: {  	v1 =	vld.idx.msk [tilespmem:v1+s2+$0x0], $0xffff  }
0x96: {  	v18 =	vld.idx.msk [tilespmem:v2+s2+$0x0], $0xffff  }
0x97: {  	v12 =	vld.idx.msk [tilespmem:v12+s2+$0x0], $0xffff  }
0x98: {  	v11 =	vld.idx.msk [tilespmem:v11+s2+$0x0], $0xffff  }
0x99: {  	v2 =	vld [tilespmem:s31+$0x1B670]  }
0x9a: {  	v15 =	vld.idx.msk [tilespmem:v15+s2+$0x0], $0xffff  }
0x9b: {  	v16 =	vld.idx.msk [tilespmem:v16+s2+$0x0], $0xffff  }
0x9c: {  	v13 =	vld.idx.msk [tilespmem:v13+s2+$0x0], $0xffff  }
0x9d: {  	v14 =	vld.idx.msk [tilespmem:v14+s2+$0x0], $0xffff  }
0x9e: {  	v3 =	vld.idx.msk [tilespmem:v3+s2+$0x0], $0xffff  }
0x9f: {  	v10 =	vld.idx.msk [tilespmem:v10+s2+$0x0], $0xffff  }
0xa0: {  	[tilespmem:v17+s11+$0x0] =	vst.idx.add.f32.msk $0xffff, v16  }
0xa1: {  	[tilespmem:v5+s11+$0x0] =	vst.idx.add.f32.msk $0xffff, v15  }
0xa2: {  	[tilespmem:v6+s11+$0x0] =	vst.idx.add.f32.msk $0xffff, v12  }
0xa3: {  	[tilespmem:v4+s11+$0x0] =	vst.idx.add.f32.msk $0xffff, v18  }
0xa4: {  	[tilespmem:v7+s11+$0x0] =	vst.idx.add.f32.msk $0xffff, v11  }
0xa5: {  	[tilespmem:v9+s11+$0x0] =	vst.idx.add.f32.msk $0xffff, v10  }
0xa6: {  	[tilespmem:v8+s11+$0x0] =	vst.idx.add.f32.msk $0xffff, v14  }
0xa7: {  	s20 =	simm.s32 $0x280;
	[tilespmem:v19+s11+$0x0] =	vst.idx.add.f32.msk $0xffff, v13  }
.LBB2_5:
0xa8: {  	s21 =	sshra.s32 s20, $0x2;
	p0 =	sne.s32 s20, $0x3C00;
	s20 =	sadd.s32 $0x280, s20;
	[tilespmem:v0+s11+$0x0] =	vst.idx.add.f32.msk $0xffff, v1  }
0xa9: {  	[tilespmem:v2+s11+$0x0] =	vst.idx.add.f32.msk $0xffff, v3  }
0xaa: {  	v0 =	vld [tilespmem:s21+$0x1B660]  }
0xab: {  	v4 =	vld [tilespmem:s21+$0x1B610]  }
0xac: {  	v5 =	vld [tilespmem:s21+$0x1B5F0]  }
0xad: {  	v6 =	vld [tilespmem:s21+$0x1B600]  }
0xae: {  	v7 =	vld [tilespmem:s21+$0x1B620]  }
0xaf: {  	v8 =	vld [tilespmem:s21+$0x1B640]  }
0xb0: {  	v1 =	vld [tilespmem:s21+$0x1A6C0]  }
0xb1: {  	v9 =	vld [tilespmem:s21+$0x1B630]  }
0xb2: {  	v3 =	vld [tilespmem:s21+$0x1A6D0]  }
0xb3: {  	v2 =	vld [tilespmem:s21+$0x1A670]  }
0xb4: {  	v10 =	vld [tilespmem:s21+$0x1A690]  }
0xb5: {  	v11 =	vld [tilespmem:s21+$0x1A680]  }
0xb6: {  	v12 =	vld [tilespmem:s21+$0x1A660]  }
0xb7: {  	v13 =	vld [tilespmem:s21+$0x1A6B0]  }
0xb8: {  	v14 =	vld [tilespmem:s21+$0x1A6A0]  }
0xb9: {  	v15 =	vld [tilespmem:s21+$0x1A650]  }
0xba: {  	v16 =	vld [tilespmem:s21+$0x1A640]  }
0xbb: {  	v17 =	vld [tilespmem:s21+$0x1B5E0]  }
0xbc: {  	v1 =	vld.idx.msk [tilespmem:v1+s2+$0x0], $0xffff  }
0xbd: {  	v18 =	vld.idx.msk [tilespmem:v2+s2+$0x0], $0xffff  }
0xbe: {  	v12 =	vld.idx.msk [tilespmem:v12+s2+$0x0], $0xffff  }
0xbf: {  	v11 =	vld.idx.msk [tilespmem:v11+s2+$0x0], $0xffff  }
0xc0: {  	v2 =	vld [tilespmem:s21+$0x1B670]  }
0xc1: {  	v15 =	vld.idx.msk [tilespmem:v15+s2+$0x0], $0xffff  }
0xc2: {  	v16 =	vld.idx.msk [tilespmem:v16+s2+$0x0], $0xffff  }
0xc3: {  	v13 =	vld.idx.msk [tilespmem:v13+s2+$0x0], $0xffff  }
0xc4: {  	v19 =	vld [tilespmem:s21+$0x1B650]  }
0xc5: {  	v14 =	vld.idx.msk [tilespmem:v14+s2+$0x0], $0xffff  }
0xc6: {  	v3 =	vld.idx.msk [tilespmem:v3+s2+$0x0], $0xffff  }
0xc7: {  	v10 =	vld.idx.msk [tilespmem:v10+s2+$0x0], $0xffff  }
0xc8: {  	[tilespmem:v17+s11+$0x0] =	vst.idx.add.f32.msk $0xffff, v16  }
0xc9: {  	[tilespmem:v5+s11+$0x0] =	vst.idx.add.f32.msk $0xffff, v15  }
0xca: {  	[tilespmem:v6+s11+$0x0] =	vst.idx.add.f32.msk $0xffff, v12  }
.Ltmp1:
0xcb: {  	[tilespmem:v4+s11+$0x0] =	vst.idx.add.f32.msk $0xffff, v18;
	(pc) =	sbr.rel @p0 .LBB2_5-.Ltmp1, $4  }
0xcc: {  	[tilespmem:v7+s11+$0x0] =	vst.idx.add.f32.msk $0xffff, v11  }
0xcd: {  	[tilespmem:v9+s11+$0x0] =	vst.idx.add.f32.msk $0xffff, v10  }
0xce: {  	[tilespmem:v8+s11+$0x0] =	vst.idx.add.f32.msk $0xffff, v14  }
0xcf: {  	[tilespmem:v19+s11+$0x0] =	vst.idx.add.f32.msk $0xffff, v13  }
0xd0: {  	s19 =	sadd.s32 $0x1, s19  }
0xd1: {  	p0 =	sne.s32 s19, $0x64  }
.Ltmp2:
0xd2: {  	_ = 	snop;
	(pc) =	sbr.rel @p0 .LBB2_2-.Ltmp2, $3  }
0xd3: {  	_ =	sdelay $0x1  }
0xd4: {  	[tilespmem:v0+s11+$0x0] =	vst.idx.add.f32.msk $0xffff, v1  }
0xd5: {  	[tilespmem:v2+s11+$0x0] =	vst.idx.add.f32.msk $0xffff, v3  }
0xd6: {  	s19 =	simm.s32 $0x0  }
0xd7: {  	[hbm4b:s6+s19] =	stream.linear.scatter [tilespmem:s11], [sflag:$0x3], $0xC380, $0x38;
	[tilespmem:$0x1C580] =	vst v63  }
0xd8: {  	_ =	swait.ge [sflag:s10], $0xC380  }
0xd9: {  	[sflag:s10] =	ssyncset.done $0x0  }
0xda: {  	[sflag:s10] =	ssyncadd.s32 $0xFFFF3C80  }
0xdb: {  	[tilespmem:s19], [sflag:$0x3] =	stream.linear.gather [hbm4b:s7+s19], $0xC380, $0x38;
	[tilespmem:$0x1C580] =	vst v63  }
0xdc: {  	_ =	swait.ge [sflag:s10], $0xC380  }
0xdd: {  	[sflag:s10] =	ssyncset.done $0x0  }
0xde: {  	[sflag:s10] =	ssyncadd.s32 $0xFFFF3C80  }
0xdf: {  	[tilespmem:s11], [sflag:$0x3] =	stream.linear.gather [hbm4b:s7+s19], $0xC380, $0x38;
	[tilespmem:$0x1C580] =	vst v63  }
0xe0: {  	_ =	swait.ge [sflag:s10], $0xC380  }
0xe1: {  	[sflag:s10] =	ssyncset.done $0x0  }
0xe2: {  	[sflag:s10] =	ssyncadd.s32 $0xFFFF3C80  }
0xe3: {  	[tilespmem:s12], [sflag:$0x1] =	stream.linear.gather [hbm4b:s3+s19], $0xFA0, $0x38;
	[tilespmem:$0x1C580] =	vst v63  }
0xe4: {  	s20 =	simm.s32 $0x0  }
0xe5: {  	[tilespmem:s13], [sflag:$0x1] =	stream.linear.gather [hbm4b:s4+s19], $0xFA0, $0x38;
	[tilespmem:$0x1C580] =	vst v63  }
.LBB2_8:
0xe6: {  	s21 =	smul.u32 $0x1F40, s20;
	_ =	sdelay $0x1  }
0xe7: {  	s22 =	sshrl.u32 s21, $0x3  }
0xe8: {  	s22 =	sadd.s32 $0x1F4, s22  }
0xe9: {  	s23 =	sadd.s32 s3, s22  }
0xea: {  	[tilespmem:s14], [sflag:$0x2] =	stream.linear.gather [hbm4b:s23+s19], $0xFA0, $0x38;
	[tilespmem:$0x1C580] =	vst v63  }
0xeb: {  	s22 =	sadd.s32 s4, s22  }
0xec: {  	[tilespmem:s15], [sflag:$0x2] =	stream.linear.gather [hbm4b:s22+s19], $0xFA0, $0x38;
	[tilespmem:$0x1C580] =	vst v63  }
0xed: {  	_ =	swait.ge [sflag:s16], $0xFA0  }
0xee: {  	[sflag:s16] =	ssyncset.done $0x0  }
0xef: {  	[sflag:s16] =	ssyncadd.s32 $0xFFFFF060  }
0xf0: {  	_ =	swait.ge [sflag:s16], $0xFA0  }
0xf1: {  	[sflag:s16] =	ssyncset.done $0x0  }
0xf2: {  	s31 =	simm.s32 $0x0;
	[sflag:s16] =	ssyncadd.s32 $0xFFFFF060  }
0xf3: {  	v0 =	vld [tilespmem:s31+$0x19720]  }
0xf4: {  	v4 =	vld [tilespmem:s31+$0x196D0]  }
0xf5: {  	v5 =	vld [tilespmem:s31+$0x196B0]  }
0xf6: {  	v6 =	vld [tilespmem:s31+$0x196C0]  }
0xf7: {  	v7 =	vld [tilespmem:s31+$0x196E0]  }
0xf8: {  	v8 =	vld [tilespmem:s31+$0x19700]  }
0xf9: {  	v1 =	vld [tilespmem:s31+$0x18780]  }
0xfa: {  	v9 =	vld [tilespmem:s31+$0x196F0]  }
0xfb: {  	v3 =	vld [tilespmem:s31+$0x18790]  }
0xfc: {  	v2 =	vld [tilespmem:s31+$0x18730]  }
0xfd: {  	v10 =	vld [tilespmem:s31+$0x18750]  }
0xfe: {  	v11 =	vld [tilespmem:s31+$0x18740]  }
0xff: {  	v12 =	vld [tilespmem:s31+$0x18720]  }
0x100: {  	v13 =	vld [tilespmem:s31+$0x18770]  }
0x101: {  	v14 =	vld [tilespmem:s31+$0x18760]  }
0x102: {  	v15 =	vld [tilespmem:s31+$0x18710]  }
0x103: {  	v16 =	vld [tilespmem:s31+$0x18700]  }
0x104: {  	v17 =	vld [tilespmem:s31+$0x196A0]  }
0x105: {  	v19 =	vld [tilespmem:s31+$0x19710]  }
0x106: {  	v1 =	vld.idx.msk [tilespmem:v1+s2+$0x0], $0xffff  }
0x107: {  	v18 =	vld.idx.msk [tilespmem:v2+s2+$0x0], $0xffff  }
0x108: {  	v12 =	vld.idx.msk [tilespmem:v12+s2+$0x0], $0xffff  }
0x109: {  	v11 =	vld.idx.msk [tilespmem:v11+s2+$0x0], $0xffff  }
0x10a: {  	v2 =	vld [tilespmem:s31+$0x19730]  }
0x10b: {  	v15 =	vld.idx.msk [tilespmem:v15+s2+$0x0], $0xffff  }
0x10c: {  	v16 =	vld.idx.msk [tilespmem:v16+s2+$0x0], $0xffff  }
0x10d: {  	v13 =	vld.idx.msk [tilespmem:v13+s2+$0x0], $0xffff  }
0x10e: {  	v14 =	vld.idx.msk [tilespmem:v14+s2+$0x0], $0xffff  }
0x10f: {  	v3 =	vld.idx.msk [tilespmem:v3+s2+$0x0], $0xffff  }
0x110: {  	v10 =	vld.idx.msk [tilespmem:v10+s2+$0x0], $0xffff  }
0x111: {  	[tilespmem:v17+s11+$0x0] =	vst.idx.add.f32.msk $0xffff, v16  }
0x112: {  	[tilespmem:v5+s11+$0x0] =	vst.idx.add.f32.msk $0xffff, v15  }
0x113: {  	[tilespmem:v6+s11+$0x0] =	vst.idx.add.f32.msk $0xffff, v12  }
0x114: {  	[tilespmem:v4+s11+$0x0] =	vst.idx.add.f32.msk $0xffff, v18  }
0x115: {  	[tilespmem:v7+s11+$0x0] =	vst.idx.add.f32.msk $0xffff, v11  }
0x116: {  	[tilespmem:v9+s11+$0x0] =	vst.idx.add.f32.msk $0xffff, v10  }
0x117: {  	[tilespmem:v8+s11+$0x0] =	vst.idx.add.f32.msk $0xffff, v14  }
0x118: {  	s22 =	simm.s32 $0x280;
	[tilespmem:v19+s11+$0x0] =	vst.idx.add.f32.msk $0xffff, v13  }
.LBB2_9:
0x119: {  	s23 =	sshra.s32 s22, $0x2;
	p0 =	sne.s32 s22, $0x3C00;
	s22 =	sadd.s32 $0x280, s22;
	[tilespmem:v0+s11+$0x0] =	vst.idx.add.f32.msk $0xffff, v1  }
0x11a: {  	[tilespmem:v2+s11+$0x0] =	vst.idx.add.f32.msk $0xffff, v3  }
0x11b: {  	v0 =	vld [tilespmem:s23+$0x19720]  }
0x11c: {  	v4 =	vld [tilespmem:s23+$0x196D0]  }
0x11d: {  	v5 =	vld [tilespmem:s23+$0x196B0]  }
0x11e: {  	v6 =	vld [tilespmem:s23+$0x196C0]  }
0x11f: {  	v7 =	vld [tilespmem:s23+$0x196E0]  }
0x120: {  	v8 =	vld [tilespmem:s23+$0x19700]  }
0x121: {  	v1 =	vld [tilespmem:s23+$0x18780]  }
0x122: {  	v9 =	vld [tilespmem:s23+$0x196F0]  }
0x123: {  	v3 =	vld [tilespmem:s23+$0x18790]  }
0x124: {  	v2 =	vld [tilespmem:s23+$0x18730]  }
0x125: {  	v10 =	vld [tilespmem:s23+$0x18750]  }
0x126: {  	v11 =	vld [tilespmem:s23+$0x18740]  }
0x127: {  	v12 =	vld [tilespmem:s23+$0x18720]  }
0x128: {  	v13 =	vld [tilespmem:s23+$0x18770]  }
0x129: {  	v14 =	vld [tilespmem:s23+$0x18760]  }
0x12a: {  	v15 =	vld [tilespmem:s23+$0x18710]  }
0x12b: {  	v16 =	vld [tilespmem:s23+$0x18700]  }
0x12c: {  	v17 =	vld [tilespmem:s23+$0x196A0]  }
0x12d: {  	v1 =	vld.idx.msk [tilespmem:v1+s2+$0x0], $0xffff  }
0x12e: {  	v18 =	vld.idx.msk [tilespmem:v2+s2+$0x0], $0xffff  }
0x12f: {  	v12 =	vld.idx.msk [tilespmem:v12+s2+$0x0], $0xffff  }
0x130: {  	v11 =	vld.idx.msk [tilespmem:v11+s2+$0x0], $0xffff  }
0x131: {  	v2 =	vld [tilespmem:s23+$0x19730]  }
0x132: {  	v15 =	vld.idx.msk [tilespmem:v15+s2+$0x0], $0xffff  }
0x133: {  	v16 =	vld.idx.msk [tilespmem:v16+s2+$0x0], $0xffff  }
0x134: {  	v13 =	vld.idx.msk [tilespmem:v13+s2+$0x0], $0xffff  }
0x135: {  	v19 =	vld [tilespmem:s23+$0x19710]  }
0x136: {  	v14 =	vld.idx.msk [tilespmem:v14+s2+$0x0], $0xffff  }
0x137: {  	v3 =	vld.idx.msk [tilespmem:v3+s2+$0x0], $0xffff  }
0x138: {  	v10 =	vld.idx.msk [tilespmem:v10+s2+$0x0], $0xffff  }
0x139: {  	[tilespmem:v17+s11+$0x0] =	vst.idx.add.f32.msk $0xffff, v16  }
0x13a: {  	[tilespmem:v5+s11+$0x0] =	vst.idx.add.f32.msk $0xffff, v15  }
0x13b: {  	[tilespmem:v6+s11+$0x0] =	vst.idx.add.f32.msk $0xffff, v12  }
.Ltmp3:
0x13c: {  	[tilespmem:v4+s11+$0x0] =	vst.idx.add.f32.msk $0xffff, v18;
	(pc) =	sbr.rel @p0 .LBB2_9-.Ltmp3, $4  }
0x13d: {  	[tilespmem:v7+s11+$0x0] =	vst.idx.add.f32.msk $0xffff, v11  }
0x13e: {  	[tilespmem:v9+s11+$0x0] =	vst.idx.add.f32.msk $0xffff, v10  }
0x13f: {  	[tilespmem:v8+s11+$0x0] =	vst.idx.add.f32.msk $0xffff, v14  }
0x140: {  	[tilespmem:v19+s11+$0x0] =	vst.idx.add.f32.msk $0xffff, v13  }
0x141: {  	_ =	sdelay $0x1  }
0x142: {  	p0 =	seq.s32 s20, $0x63  }
0x143: {  	s21 =	sshrl.u32 @!p0 s21, $0x3  }
0x144: {  	[tilespmem:v0+s11+$0x0] =	vst.idx.add.f32.msk $0xffff, v1;
	s21 =	sadd.s32 @!p0 $0x3E8, s21  }
0x145: {  	[tilespmem:v2+s11+$0x0] =	vst.idx.add.f32.msk $0xffff, v3;
	s23 =	simm.s32 @!p0 $0x0;
	s24 =	simm.s32 @!p0 $0x18700;
	s22 =	sadd.s32 @!p0 s3, s21  }
0x146: {  	[tilespmem:s24], [sflag:$0x1] =	stream.linear.gather @!p0 [hbm4b:s22+s23], $0xFA0, $0x38;
	[tilespmem:$0x1C580] =	vst v63  }
0x147: {  	s21 =	sadd.s32 @!p0 s4, s21;
	s22 =	simm.s32 @!p0 $0x196A0  }
0x148: {  	[tilespmem:s22], [sflag:$0x1] =	stream.linear.gather @!p0 [hbm4b:s21+s23], $0xFA0, $0x38;
	[tilespmem:$0x1C580] =	vst v63  }
0x149: {  	_ =	swait.ge [sflag:s17], $0xFA0  }
0x14a: {  	[sflag:s17] =	ssyncset.done $0x0  }
0x14b: {  	[sflag:s17] =	ssyncadd.s32 $0xFFFFF060  }
0x14c: {  	_ =	swait.ge [sflag:s17], $0xFA0  }
0x14d: {  	[sflag:s17] =	ssyncset.done $0x0  }
0x14e: {  	s31 =	simm.s32 $0x0;
	[sflag:s17] =	ssyncadd.s32 $0xFFFFF060  }
0x14f: {  	v0 =	vld [tilespmem:s31+$0x1B660]  }
0x150: {  	v4 =	vld [tilespmem:s31+$0x1B610]  }
0x151: {  	v5 =	vld [tilespmem:s31+$0x1B5F0]  }
0x152: {  	v6 =	vld [tilespmem:s31+$0x1B600]  }
0x153: {  	v7 =	vld [tilespmem:s31+$0x1B620]  }
0x154: {  	v8 =	vld [tilespmem:s31+$0x1B640]  }
0x155: {  	v1 =	vld [tilespmem:s31+$0x1A6C0]  }
0x156: {  	v9 =	vld [tilespmem:s31+$0x1B630]  }
0x157: {  	v3 =	vld [tilespmem:s31+$0x1A6D0]  }
0x158: {  	v2 =	vld [tilespmem:s31+$0x1A670]  }
0x159: {  	v10 =	vld [tilespmem:s31+$0x1A690]  }
0x15a: {  	v11 =	vld [tilespmem:s31+$0x1A680]  }
0x15b: {  	v12 =	vld [tilespmem:s31+$0x1A660]  }
0x15c: {  	v13 =	vld [tilespmem:s31+$0x1A6B0]  }
0x15d: {  	v14 =	vld [tilespmem:s31+$0x1A6A0]  }
0x15e: {  	v15 =	vld [tilespmem:s31+$0x1A650]  }
0x15f: {  	v16 =	vld [tilespmem:s31+$0x1A640]  }
0x160: {  	v17 =	vld [tilespmem:s31+$0x1B5E0]  }
0x161: {  	v19 =	vld [tilespmem:s31+$0x1B650]  }
0x162: {  	v1 =	vld.idx.msk [tilespmem:v1+s2+$0x0], $0xffff  }
0x163: {  	v18 =	vld.idx.msk [tilespmem:v2+s2+$0x0], $0xffff  }
0x164: {  	v12 =	vld.idx.msk [tilespmem:v12+s2+$0x0], $0xffff  }
0x165: {  	v11 =	vld.idx.msk [tilespmem:v11+s2+$0x0], $0xffff  }
0x166: {  	v2 =	vld [tilespmem:s31+$0x1B670]  }
0x167: {  	v15 =	vld.idx.msk [tilespmem:v15+s2+$0x0], $0xffff  }
0x168: {  	v16 =	vld.idx.msk [tilespmem:v16+s2+$0x0], $0xffff  }
0x169: {  	v13 =	vld.idx.msk [tilespmem:v13+s2+$0x0], $0xffff  }
0x16a: {  	v14 =	vld.idx.msk [tilespmem:v14+s2+$0x0], $0xffff  }
0x16b: {  	v3 =	vld.idx.msk [tilespmem:v3+s2+$0x0], $0xffff  }
0x16c: {  	v10 =	vld.idx.msk [tilespmem:v10+s2+$0x0], $0xffff  }
0x16d: {  	[tilespmem:v17+s11+$0x0] =	vst.idx.add.f32.msk $0xffff, v16  }
0x16e: {  	[tilespmem:v5+s11+$0x0] =	vst.idx.add.f32.msk $0xffff, v15  }
0x16f: {  	[tilespmem:v6+s11+$0x0] =	vst.idx.add.f32.msk $0xffff, v12  }
0x170: {  	[tilespmem:v4+s11+$0x0] =	vst.idx.add.f32.msk $0xffff, v18  }
0x171: {  	[tilespmem:v7+s11+$0x0] =	vst.idx.add.f32.msk $0xffff, v11  }
0x172: {  	[tilespmem:v9+s11+$0x0] =	vst.idx.add.f32.msk $0xffff, v10  }
0x173: {  	[tilespmem:v8+s11+$0x0] =	vst.idx.add.f32.msk $0xffff, v14  }
0x174: {  	s21 =	simm.s32 $0x280;
	[tilespmem:v19+s11+$0x0] =	vst.idx.add.f32.msk $0xffff, v13  }
.LBB2_11:
0x175: {  	s22 =	sshra.s32 s21, $0x2;
	p0 =	sne.s32 s21, $0x3C00;
	s21 =	sadd.s32 $0x280, s21;
	[tilespmem:v0+s11+$0x0] =	vst.idx.add.f32.msk $0xffff, v1  }
0x176: {  	[tilespmem:v2+s11+$0x0] =	vst.idx.add.f32.msk $0xffff, v3  }
0x177: {  	v0 =	vld [tilespmem:s22+$0x1B660]  }
0x178: {  	v4 =	vld [tilespmem:s22+$0x1B610]  }
0x179: {  	v5 =	vld [tilespmem:s22+$0x1B5F0]  }
0x17a: {  	v6 =	vld [tilespmem:s22+$0x1B600]  }
0x17b: {  	v7 =	vld [tilespmem:s22+$0x1B620]  }
0x17c: {  	v8 =	vld [tilespmem:s22+$0x1B640]  }
0x17d: {  	v1 =	vld [tilespmem:s22+$0x1A6C0]  }
0x17e: {  	v9 =	vld [tilespmem:s22+$0x1B630]  }
0x17f: {  	v3 =	vld [tilespmem:s22+$0x1A6D0]  }
0x180: {  	v2 =	vld [tilespmem:s22+$0x1A670]  }
0x181: {  	v10 =	vld [tilespmem:s22+$0x1A690]  }
0x182: {  	v11 =	vld [tilespmem:s22+$0x1A680]  }
0x183: {  	v12 =	vld [tilespmem:s22+$0x1A660]  }
0x184: {  	v13 =	vld [tilespmem:s22+$0x1A6B0]  }
0x185: {  	v14 =	vld [tilespmem:s22+$0x1A6A0]  }
0x186: {  	v15 =	vld [tilespmem:s22+$0x1A650]  }
0x187: {  	v16 =	vld [tilespmem:s22+$0x1A640]  }
0x188: {  	v17 =	vld [tilespmem:s22+$0x1B5E0]  }
0x189: {  	v1 =	vld.idx.msk [tilespmem:v1+s2+$0x0], $0xffff  }
0x18a: {  	v18 =	vld.idx.msk [tilespmem:v2+s2+$0x0], $0xffff  }
0x18b: {  	v12 =	vld.idx.msk [tilespmem:v12+s2+$0x0], $0xffff  }
0x18c: {  	v11 =	vld.idx.msk [tilespmem:v11+s2+$0x0], $0xffff  }
0x18d: {  	v2 =	vld [tilespmem:s22+$0x1B670]  }
0x18e: {  	v15 =	vld.idx.msk [tilespmem:v15+s2+$0x0], $0xffff  }
0x18f: {  	v16 =	vld.idx.msk [tilespmem:v16+s2+$0x0], $0xffff  }
0x190: {  	v13 =	vld.idx.msk [tilespmem:v13+s2+$0x0], $0xffff  }
0x191: {  	v19 =	vld [tilespmem:s22+$0x1B650]  }
0x192: {  	v14 =	vld.idx.msk [tilespmem:v14+s2+$0x0], $0xffff  }
0x193: {  	v3 =	vld.idx.msk [tilespmem:v3+s2+$0x0], $0xffff  }
0x194: {  	v10 =	vld.idx.msk [tilespmem:v10+s2+$0x0], $0xffff  }
0x195: {  	[tilespmem:v17+s11+$0x0] =	vst.idx.add.f32.msk $0xffff, v16  }
0x196: {  	[tilespmem:v5+s11+$0x0] =	vst.idx.add.f32.msk $0xffff, v15  }
0x197: {  	[tilespmem:v6+s11+$0x0] =	vst.idx.add.f32.msk $0xffff, v12  }
.Ltmp4:
0x198: {  	[tilespmem:v4+s11+$0x0] =	vst.idx.add.f32.msk $0xffff, v18;
	(pc) =	sbr.rel @p0 .LBB2_11-.Ltmp4, $4  }
0x199: {  	[tilespmem:v7+s11+$0x0] =	vst.idx.add.f32.msk $0xffff, v11  }
0x19a: {  	[tilespmem:v9+s11+$0x0] =	vst.idx.add.f32.msk $0xffff, v10  }
0x19b: {  	[tilespmem:v8+s11+$0x0] =	vst.idx.add.f32.msk $0xffff, v14  }
0x19c: {  	[tilespmem:v19+s11+$0x0] =	vst.idx.add.f32.msk $0xffff, v13  }
0x19d: {  	s20 =	sadd.s32 $0x1, s20  }
0x19e: {  	p0 =	sne.s32 s20, $0x64  }
.Ltmp5:
0x19f: {  	_ = 	snop;
	(pc) =	sbr.rel @p0 .LBB2_8-.Ltmp5, $3  }
0x1a0: {  	_ =	sdelay $0x1  }
0x1a1: {  	[tilespmem:v0+s11+$0x0] =	vst.idx.add.f32.msk $0xffff, v1  }
0x1a2: {  	[tilespmem:v2+s11+$0x0] =	vst.idx.add.f32.msk $0xffff, v3  }
0x1a3: {  	s18 =	sadd.s32 $0x1, s18  }
0x1a4: {  	p0 =	sne.s32 s18, s9  }
.Ltmp6:
0x1a5: {  	_ = 	snop;
	(pc) =	sbr.rel @p0 .LBB2_1-.Ltmp6, $4  }
0x1a6: {  	[hbm4b:s8+s2] =	stream.linear.scatter [tilespmem:s11], [sflag:$0x3], $0xC380, $0x38;
	[tilespmem:$0x1C580] =	vst v63  }
0x1a7: {  	_ =	swait.ge [sflag:s10], $0xC380  }
0x1a8: {  	[sflag:s10] =	ssyncset.done $0x0  }
0x1a9: {  	[sflag:s10] =	ssyncadd.s32 $0xFFFF3C80  }
0x1aa: {  	_ =	sfence.sel $0x180000  }
0x1ab: {  	[bflag:$0x0] =	sbarrier.arrive $0xFFFF  }
0x1ac: {  	p0 =	sne.s32 s1, $0x0;
	_ =	strace $0x9000004A  }
0x1ad: {  	s0 =	sadd.s32 @!p0 $0x100000, s0;
	[bflag:$0x2] =	sbarrier.arrive $0xFFFF  }
0x1ae: {  	[sflag:s0] =	ssyncadd.tile.s32 @!p0 $0x1;
	_ =	shalt  }
.Lfunc_end2:
_tile_overlayer_lowered:
.L_overlay_start_2:
0x1af: {  	(tag) =	ssettag $0x2  }
0x1b0: {  	s0 =	rddreg [dreg:$0x0];
	s2 =	stileid.u32  }
0x1b1: {  	s1 =	rddreg [dreg:$0x1];
	p0 =	sne.s32 s2, $0x0  }
0x1b2: {  	s3 =	rddreg [dreg:$0x2];
	[bflag:$0x3] =	sbarrier.arrive $0xFFFF;
	s2 =	simm.s32 @!p0 $0x1C03  }
0x1b3: {  	[timem:s3], [sflag:s2] =	dma.local @!p0 [hbm:s0], s1  }
0x1b4: {  	s0 =	simm.s32 @!p0 $0x3  }
0x1b5: {  	_ =	swait.ge @!p0 [sflag:s0], s1  }
0x1b6: {  	s1 =	ssub.s32 @!p0 $0x0, s1;
	[sflag:s0] =	ssyncset.done @!p0 $0x0  }
0x1b7: {  	[sflag:s0] =	ssyncadd.s32 @!p0 s1  }
0x1b8: {  	[bflag:$0x3] =	sbarrier.arrive $0xFFFF  }
0x1b9: {  	_ =	shalt  }

// kernel: kernel.15.cloned.1.call-start
scs
__scs_entry_jumppad:
0x0: {  	(pc) =	sbr.rel $0x88, $3  }
0x1: {  	(tag) =	ssettag $0x0;
	lr =	simm.s32 $0x1  }
0x2: {  	[smem:$0x3F9B] =	sst lr;
	_ =	strace $0xD0000000  }
0x3: {  	_ = 	snop  }
0x4: {  	_ = 	snop  }
0x5: {  	_ = 	snop  }
0x6: {  	_ = 	snop  }
0x7: {  	_ = 	snop  }
__scs_overlays_trampoline_lowered:
0x8: {  	[smem:$0x3FAA] =	sst s0  }
0x9: {  	[smem:$0x3FAB] =	sst s1  }
0xa: {  	[smem:$0x3FAC] =	sst s2  }
0xb: {  	[smem:$0x3FAD] =	sst s3  }
0xc: {  	[smem:$0x3FAE] =	sst s4  }
0xd: {  	[smem:$0x3FAF] =	sst s5  }
0xe: {  	[smem:$0x3FB0] =	sst s6  }
0xf: {  	[smem:$0x3FB1] =	sst s7  }
0x10: {  	[smem:$0x3FB2] =	sst s8  }
0x11: {  	[smem:$0x3FB3] =	sst s9;
	s0 =	simm.s32 @!p0 $0x0  }
0x12: {  	s1 =	sld [smem:$0x3F99];
	s0 =	simm.s32 @p0 $0x1  }
0x13: {  	[smem:$0x3FB4] =	sst s0;
	s0 =	simm.s32 @!p1 $0x0  }
0x14: {  	s2 =	sld [smem:$0x3F98];
	s0 =	simm.s32 @p1 $0x1  }
0x15: {  	[smem:$0x3FB5] =	sst s0;
	s0 =	simm.s32 @!p2 $0x0  }
0x16: {  	s3 =	sld [smem:$0x3FDB];
	s0 =	simm.s32 @p2 $0x1  }
0x17: {  	s4 =	simm.s32 $0x1BF5;
	[smem:$0x3FB7] =	sst s0  }
0x18: {  	s0 =	sld [smem:$0x3F9A];
	_ =	swait.ge [sflag:s4], $0x0  }
0x19: {  	s7 =	sld [smem:$0x3F9B]  }
0x1a: {  	s8 =	sadd.s32 $0xFFFFE003, lr  }
0x1b: {  	s9 =	sadd.s32 $0xFFFFFEF7, lr;
	s5 =	simm.s32 $0xFFFFFFFF;
	p2 =	slt.u32 s8, $0xFFFFF086  }
0x1c: {  	p1 =	slt.u32 s9, $0xF7A;
	s5 =	simm.s32 @!p2 $0x0  }
0x1d: {  	s5 =	simm.s32 @p1 $0x1;
	p0 =	seq.s32 s7, s2  }
0x1e: {  	s7 =	smul.u32 @!p0 $0xF7A, s2;
	p2 =	seq.s32 @!p0 s5, $0x0  }
0x1f: {  	s9 =	smul.u32 $0xF7A, s1;
	s8 =	simm.s32 @!p0 $0x1BF5;
	p2 =	por !p2, p0  }
0x20: {  	[sflag:s8] =	ssyncset.s32 @!p0 $0xFFFFF086;
	s6 =	sadd.s32 @!p0 s3, s7;
	s7 =	simm.s32 @!p0 $0x108  }
0x21: {  	s3 =	sadd.s32 s3, s9;
	s6 =	sadd.s32 @!p0 $0x88, s6;
	s7 =	simm.s32 @p2 $0x1082  }
0x22: {  	[simem:s7], [sflag:s8] =	dma.local @!p0 [hbm:s6], $0xF7A  }
0x23: {  	s9 =	sor.u32 $0xD0000000, s2;
	s6 =	simm.s32 $0x108;
	_ =	swait.ge @!p0 [sflag:s8], $0x0  }
0x24: {  	s3 =	sadd.s32 $0x88, s3;
	s6 =	simm.s32 @!p1 $0x1082;
	[sflag:s4] =	ssyncset.s32 $0xFFFFF086  }
0x25: {  	[simem:s6], [sflag:s4] =	dma.local [hbm:s3], $0xF7A  }
0x26: {  	[smem:$0x3F9B] =	sst s1;
	(tag) =	ssettag s2;
	_ =	strace s9  }
0x27: {  	s1 =	sld [smem:$0x3FAB]  }
0x28: {  	s2 =	sld [smem:$0x3FAC]  }
0x29: {  	s4 =	sld [smem:$0x3FAE]  }
0x2a: {  	p0 =	seq.s32 s5, $0x0;
	s5 =	sld [smem:$0x3FAF]  }
0x2b: {  	s6 =	sld [smem:$0x3FB0]  }
0x2c: {  	s7 =	sld [smem:$0x3FB1]  }
0x2d: {  	s3 =	simm.s32 $0x108;
	s8 =	sld [smem:$0x3FB2]  }
0x2e: {  	s3 =	simm.s32 @!p0 $0x1082;
	s9 =	sld [smem:$0x3FB3]  }
0x2f: {  	lr =	sadd.s32 s0, s3;
	s0 =	sld [smem:$0x3FAA]  }
0x30: {  	s3 =	sld [smem:$0x3FAD]  }
0x31: {  	[smem:$0x3FB6] =	sst s10  }
0x32: {  	s10 =	sld [smem:$0x3FB4];
	_ =	sdelay $0x3  }
0x33: {  	p0 =	seq.s32 s10, $0x1;
	s10 =	sld [smem:$0x3FB6];
	_ =	sdelay $0x3  }
0x34: {  	[smem:$0x3FB6] =	sst s10  }
0x35: {  	s10 =	sld [smem:$0x3FB5];
	_ =	sdelay $0x3  }
0x36: {  	p1 =	seq.s32 s10, $0x1;
	s10 =	sld [smem:$0x3FB6];
	_ =	sdelay $0x3  }
0x37: {  	[smem:$0x3FB6] =	sst s10  }
0x38: {  	s10 =	sld [smem:$0x3FB7]  }
0x39: {  	_ = 	snop;
	(pc) =	sbr.ind lr, $3  }
0x3a: {  	_ = 	snop  }
0x3b: {  	_ = 	snop  }
0x3c: {  	p2 =	seq.s32 s10, $0x1;
	s10 =	sld [smem:$0x3FB6]  }
0x3d: {  	_ =	shalt  }
0x3e: {  	_ =	shalt  }
0x3f: {  	_ =	shalt  }
0x40: {  	_ =	shalt  }
0x41: {  	_ =	shalt  }
0x42: {  	_ =	shalt  }
0x43: {  	_ =	shalt  }
0x44: {  	_ =	shalt  }
0x45: {  	_ =	shalt  }
0x46: {  	_ =	shalt  }
0x47: {  	_ =	shalt  }
0x48: {  	_ =	shalt  }
0x49: {  	_ =	shalt  }
0x4a: {  	_ =	shalt  }
0x4b: {  	_ =	shalt  }
0x4c: {  	_ =	shalt  }
0x4d: {  	_ =	shalt  }
0x4e: {  	_ =	shalt  }
0x4f: {  	_ =	shalt  }
0x50: {  	_ =	shalt  }
0x51: {  	_ =	shalt  }
0x52: {  	_ =	shalt  }
0x53: {  	_ =	shalt  }
0x54: {  	_ =	shalt  }
0x55: {  	_ =	shalt  }
0x56: {  	_ =	shalt  }
0x57: {  	_ =	shalt  }
0x58: {  	_ =	shalt  }
0x59: {  	_ =	shalt  }
0x5a: {  	_ =	shalt  }
0x5b: {  	_ =	shalt  }
0x5c: {  	_ =	shalt  }
0x5d: {  	_ =	shalt  }
0x5e: {  	_ =	shalt  }
0x5f: {  	_ =	shalt  }
0x60: {  	_ =	shalt  }
0x61: {  	_ =	shalt  }
0x62: {  	_ =	shalt  }
0x63: {  	_ =	shalt  }
0x64: {  	_ =	shalt  }
0x65: {  	_ =	shalt  }
0x66: {  	_ =	shalt  }
0x67: {  	_ =	shalt  }
0x68: {  	_ =	shalt  }
0x69: {  	_ =	shalt  }
0x6a: {  	_ =	shalt  }
0x6b: {  	_ =	shalt  }
0x6c: {  	_ =	shalt  }
0x6d: {  	_ =	shalt  }
0x6e: {  	_ =	shalt  }
0x6f: {  	_ =	shalt  }
0x70: {  	_ =	shalt  }
0x71: {  	_ =	shalt  }
0x72: {  	_ =	shalt  }
0x73: {  	_ =	shalt  }
0x74: {  	_ =	shalt  }
0x75: {  	_ =	shalt  }
0x76: {  	_ =	shalt  }
0x77: {  	_ =	shalt  }
0x78: {  	_ =	shalt  }
0x79: {  	_ =	shalt  }
0x7a: {  	_ =	shalt  }
0x7b: {  	_ =	shalt  }
0x7c: {  	_ =	shalt  }
0x7d: {  	_ =	shalt  }
0x7e: {  	_ =	shalt  }
0x7f: {  	_ =	shalt  }
0x80: {  	_ =	shalt  }
0x81: {  	_ =	shalt  }
0x82: {  	_ =	shalt  }
0x83: {  	_ =	shalt  }
0x84: {  	_ =	shalt  }
0x85: {  	_ =	shalt  }
0x86: {  	_ =	shalt  }
0x87: {  	_ =	shalt  }
.Lfunc_end0:
.L_simem_size_0:
called_computation.2_lowered:
.L_overlay_start_0:
0x88: {  	s2 =	sld [smem:$0x3FD9]  }
0x89: {  	s3 =	sld [smem:$0x3FFE];
	_ =	sdelay $0x1  }
0x8a: {  	s1 =	srdreg.scid  }
0x8b: {  	s0 =	sand.u32 $0x1, s1  }
0x8c: {  	s17 =	sshll.u32 s0, $0xA;
	s2 =	sadd.s32 s3, s2  }
0x8d: {  	s2 =	sadd.s32 s2, s17  }
0x8e: {  	[smem:$0x3FC2] =	sst s2  }
0x8f: {  	_ = 	snop  }
0x90: {  	s2 =	sld [smem:$0x3FD0];
	(tm) =	ssettm $0x1  }
0x91: {  	s18 =	sld [smem:$0x3FFB];
	_ =	sdelay $0x3  }
0x92: {  	_ =	strace s18  }
0x93: {  	s3 =	sld [smem:$0x3FFC];
	_ =	sdelay $0x3  }
0x94: {  	_ =	strace s3  }
0x95: {  	s3 =	sld [smem:$0x3FFD];
	_ =	sdelay $0x3  }
0x96: {  	_ =	strace s3  }
0x97: {  	_ =	strace $0x8FFFFFFF  }
0x98: {  	s19 =	sld [smem:$0x3FDB];
	_ =	sdelay $0x1  }
0x99: {  	s4 =	simm.s32 $_scs_section_size  }
0x9a: {  	s5 =	simm.s32 $_size__tile_overlayer_lowered;
	s6 =	simm.s32 $_tile_overlayer_lowered  }
0x9b: {  	s22 =	simm.s32 $0x1BFF;
	s21 =	sshll.u32 s6, $0x1;
	s3 =	sadd.s32 s4, s19  }
0x9c: {  	s7 =	simm.s32 $0x0;
	s20 =	sshll.u32 s5, $0x1;
	s5 =	sadd.s32 s21, s3  }
0x9d: {  	[timem:s7], [sflag:s22] =	dma.local [hbm:s5], s20  }
0x9e: {  	_ =	swait.ge [sflag:s22], s20  }
0x9f: {  	s4 =	ssub.s32 $0x0, s20;
	[sflag:s22] =	ssyncset.done $0x0  }
0xa0: {  	[sflag:s22] =	ssyncadd.s32 s4;
	_ =	sdelay $0x1  }
0xa1: {  	s23 =	simm.s32 $0x1B8B  }
0xa2: {  	_ =	swait.ge [sflag:s23], $0x1  }
0xa3: {  	[sflag:s23] =	ssyncset.done $0x0  }
0xa4: {  	s25 =	simm.s32 $0x1B8E;
	s24 =	sld [smem:$0x3FFE];
	[sflag:s23] =	ssyncadd.s32 $0xFFFFFFFF  }
0xa5: {  	s26 =	simm.s32 $execute0_lowered;
	[smem:$0x3FD2] =	sst s25  }
0xa6: {  	s5 =	sshll.u32 s26, $0x1;
	_ =	strace $0x8000004C;
	[dreg:$0x1] =	wrdreg $0xFFFFFFFF  }
0xa7: {  	s28 =	simm.s32 $_size_execute0_lowered;
	s3 =	sadd.s32 s3, s5;
	[dreg:$0x0] =	wrdreg $0x0  }
0xa8: {  	s5 =	sshll.u32 s28, $0x1;
	[dreg:$0x2] =	wrdreg s3  }
0xa9: {  	[dreg:$0x3] =	wrdreg s5  }
0xaa: {  	[dreg:$0x4] =	wrdreg $0xC0  }
0xab: {  	_ =	task [dreg:s7], $0x5FFFF  }
0xac: {  	[dreg:$0x1] =	wrdreg $0xFFFFFFFF  }
0xad: {  	[dreg:$0x0] =	wrdreg $0x60  }
0xae: {  	[dreg:$0x2] =	wrdreg s24  }
0xaf: {  	[dreg:$0x3] =	wrdreg s2  }
0xb0: {  	[dreg:$0x4] =	wrdreg $0x9  }
0xb1: {  	_ =	task.clear_ibuf [dreg:s7], $0x5FFFF;
	_ =	strace $0x9000004C  }
0xb2: {  	s29 =	simm.s32 $0x9;
	_ =	strace $0x8000004E  }
0xb3: {  	_ =	swait.ge [sflag:s29], $0x1  }
0xb4: {  	[sflag:s29] =	ssyncadd.s32 $0xFFFFFFFF  }
0xb5: {  	_ =	strace $0x9000004E  }
0xb6: {  	_ =	sfence  }
0xb7: {  	s30 =	sld [smem:$0x0];
	_ =	sdelay $0x2  }
0xb8: {  	s31 =	sshll.u32 s1, $0xD;
	s1 =	sshrl.u32 s1, $0x2  }
0xb9: {  	s3 =	sand.u32 $0x4000, s31;
	s1 =	sadd.s32 s1, s30  }
0xba: {  	s0 =	sor.u32 s3, s0;
	s1 =	sshll.u32 s1, $0x11  }
0xbb: {  	s0 =	sor.u32 s1, s0  }
0xbc: {  	s0 =	sadd.s32 $0x8F2B, s0  }
0xbd: {  	[sflag:s0] =	ssyncadd.remote.s32 $0x1  }
0xbe: {  	_ =	sfence.sel $0xFFFF  }
0xbf: {  	[dreg:$0x0] =	wrdreg $0xFFFFFFFF;
	(pc) =	sbr.abs _section_cstart, $3  }
0xc0: {  	[dreg:$0x1] =	wrdreg $0xFFFFFFFF  }
0xc1: {  	_ =	task.clear_ibuf [dreg:s7], $0x2FFFF;
	_ =	strace $0x9FFFFFFF  }
0xc2: {  	(tm) =	ssettm $0x7FFFFFFF  }
0xc3: {  	_ =	shalt  }
tec
execute0_lowered:
.L_overlay_start_1:
0x0: {  	(tag) =	ssettag $0x1  }
0x1: {  	s1 =	srdreg.scid  }
0x2: {  	s0 =	stileid.u32;
	s6 =	rddreg [dreg:$0x0]  }
0x3: {  	s2 =	rddreg [dreg:$0x1];
	s3 =	simm.s32 $0x0;
	s14 =	simm.s32 $0xC380  }
0x4: {  	s15 =	simm.s32 $0x18700;
	s16 =	simm.s32 $0x196A0;
	s17 =	simm.s32 $0x1A640  }
0x5: {  	s18 =	simm.s32 $0x1B5E0;
	s19 =	simm.s32 $0x1;
	s20 =	simm.s32 $0x2  }
0x6: {  	s21 =	simm.s32 $0x0;
	s5 =	sand.u32 $0x1, s1;
	s1 =	rddreg [dreg:$0x2]  }
0x7: {  	s29 =	sshll.u32 s0, $0x1;
	[smem:$0x7FF] =	sst s3;
	s9 =	sshrl.u32 s0, $0x2  }
0x8: {  	p0 =	slt.u32 s0, $0x4;
	s4 =	sor.u32 s5, s29;
	_ =	strace $0x8000004D  }
0x9: {  	s10 =	ssub.s32 $0x2, s5;
	s11 =	smul.u32 $0x30D40, s9;
	s5 =	sadd.s32 $0x600, s6  }
0xa: {  	s7 =	sand.u32 $0x7, s4;
	s8 =	smul.u32 $0x1870, s4;
	s30 =	sshrl.u32 s10, $0x1  }
0xb: {  	s4 =	sadd.s32 $0x18E00, s6;
	s7 =	smul.u32 $0x1870, s7;
	s13 =	ssub.s32 s10, s30  }
0xc: {  	s31 =	sshrl.u32 s11, $0x3;
	s9 =	sadd.s32 $0xFA0, s11;
	s10 =	sadd.s32 $0x1F40, s11  }
0xd: {  	s12 =	sadd.s32 s8, s6;
	s8 =	sadd.s32 s5, s31;
	s7 =	sadd.s32 s7, s6  }
0xe: {  	s11 =	sadd.s32 $0x49E00, s12;
	s12 =	smax.u32 s13, $0x1;
	s6 =	sadd.s32 $0x31600, s7  }
0xf: {  	s13 =	simm.s32 $0x3;
	s7 =	sadd.s32 s4, s31;
	s2 =	smov.u32 @p0 s6  }
.LBB2_1:
0x10: {  	[tilespmem:s3], [sflag:$0x3] =	stream.linear.gather [hbm4b:s6+s3], $0xC380, $0x38;
	[tilespmem:$0x1C580] =	vst v63  }
0x11: {  	_ =	swait.ge [sflag:s13], $0xC380  }
0x12: {  	[sflag:s13] =	ssyncset.done $0x0  }
0x13: {  	[sflag:s13] =	ssyncadd.s32 $0xFFFF3C80  }
0x14: {  	[tilespmem:s14], [sflag:$0x3] =	stream.linear.gather [hbm4b:s2+s3], $0xC380, $0x38;
	[tilespmem:$0x1C580] =	vst v63  }
0x15: {  	_ =	swait.ge [sflag:s13], $0xC380  }
0x16: {  	[sflag:s13] =	ssyncset.done $0x0  }
0x17: {  	[sflag:s13] =	ssyncadd.s32 $0xFFFF3C80  }
0x18: {  	[tilespmem:s15], [sflag:$0x1] =	stream.linear.gather [hbm4b:s7+s3], $0xFA0, $0x38;
	[tilespmem:$0x1C580] =	vst v63  }
0x19: {  	s22 =	simm.s32 $0x0  }
0x1a: {  	[tilespmem:s16], [sflag:$0x1] =	stream.linear.gather [hbm4b:s8+s3], $0xFA0, $0x38;
	[tilespmem:$0x1C580] =	vst v63  }
.LBB2_2:
0x1b: {  	s23 =	smul.u32 $0x1F40, s22;
	_ =	sdelay $0x1  }
0x1c: {  	s24 =	sadd.s32 s23, s9  }
0x1d: {  	s24 =	sshrl.u32 s24, $0x3  }
0x1e: {  	s26 =	simm.s32 $0x0;
	s25 =	sadd.s32 s4, s24  }
0x1f: {  	[tilespmem:s17], [sflag:$0x2] =	stream.linear.gather [hbm4b:s25+s26], $0xFA0, $0x38;
	[tilespmem:$0x1C580] =	vst v63  }
0x20: {  	s24 =	sadd.s32 s5, s24  }
0x21: {  	[tilespmem:s18], [sflag:$0x2] =	stream.linear.gather [hbm4b:s24+s26], $0xFA0, $0x38;
	[tilespmem:$0x1C580] =	vst v63  }
0x22: {  	_ =	swait.ge [sflag:s19], $0xFA0  }
0x23: {  	[sflag:s19] =	ssyncset.done $0x0  }
0x24: {  	[sflag:s19] =	ssyncadd.s32 $0xFFFFF060  }
0x25: {  	_ =	swait.ge [sflag:s19], $0xFA0  }
0x26: {  	[sflag:s19] =	ssyncset.done $0x0  }
0x27: {  	s31 =	simm.s32 $0x0;
	[sflag:s19] =	ssyncadd.s32 $0xFFFFF060  }
0x28: {  	v0 =	vld [tilespmem:s31+$0x19720]  }
0x29: {  	v4 =	vld [tilespmem:s31+$0x196D0]  }
0x2a: {  	v5 =	vld [tilespmem:s31+$0x196B0]  }
0x2b: {  	v6 =	vld [tilespmem:s31+$0x196C0]  }
0x2c: {  	v7 =	vld [tilespmem:s31+$0x196E0]  }
0x2d: {  	v8 =	vld [tilespmem:s31+$0x19700]  }
0x2e: {  	v1 =	vld [tilespmem:s31+$0x18780]  }
0x2f: {  	v9 =	vld [tilespmem:s31+$0x196F0]  }
0x30: {  	v3 =	vld [tilespmem:s31+$0x18790]  }
0x31: {  	v2 =	vld [tilespmem:s31+$0x18730]  }
0x32: {  	v10 =	vld [tilespmem:s31+$0x18750]  }
0x33: {  	v11 =	vld [tilespmem:s31+$0x18740]  }
0x34: {  	v12 =	vld [tilespmem:s31+$0x18720]  }
0x35: {  	v13 =	vld [tilespmem:s31+$0x18770]  }
0x36: {  	v14 =	vld [tilespmem:s31+$0x18760]  }
0x37: {  	v15 =	vld [tilespmem:s31+$0x18710]  }
0x38: {  	v16 =	vld [tilespmem:s31+$0x18700]  }
0x39: {  	v17 =	vld [tilespmem:s31+$0x196A0]  }
0x3a: {  	v19 =	vld [tilespmem:s31+$0x19710]  }
0x3b: {  	v1 =	vld.idx.msk [tilespmem:v1+s3+$0x0], $0xffff  }
0x3c: {  	v18 =	vld.idx.msk [tilespmem:v2+s3+$0x0], $0xffff  }
0x3d: {  	v12 =	vld.idx.msk [tilespmem:v12+s3+$0x0], $0xffff  }
0x3e: {  	v11 =	vld.idx.msk [tilespmem:v11+s3+$0x0], $0xffff  }
0x3f: {  	v2 =	vld [tilespmem:s31+$0x19730]  }
0x40: {  	v15 =	vld.idx.msk [tilespmem:v15+s3+$0x0], $0xffff  }
0x41: {  	v16 =	vld.idx.msk [tilespmem:v16+s3+$0x0], $0xffff  }
0x42: {  	v13 =	vld.idx.msk [tilespmem:v13+s3+$0x0], $0xffff  }
0x43: {  	v14 =	vld.idx.msk [tilespmem:v14+s3+$0x0], $0xffff  }
0x44: {  	v3 =	vld.idx.msk [tilespmem:v3+s3+$0x0], $0xffff  }
0x45: {  	v10 =	vld.idx.msk [tilespmem:v10+s3+$0x0], $0xffff  }
0x46: {  	[tilespmem:v17+s14+$0x0] =	vst.idx.add.f32.msk $0xffff, v16  }
0x47: {  	[tilespmem:v5+s14+$0x0] =	vst.idx.add.f32.msk $0xffff, v15  }
0x48: {  	[tilespmem:v6+s14+$0x0] =	vst.idx.add.f32.msk $0xffff, v12  }
0x49: {  	[tilespmem:v4+s14+$0x0] =	vst.idx.add.f32.msk $0xffff, v18  }
0x4a: {  	[tilespmem:v7+s14+$0x0] =	vst.idx.add.f32.msk $0xffff, v11  }
0x4b: {  	[tilespmem:v9+s14+$0x0] =	vst.idx.add.f32.msk $0xffff, v10  }
0x4c: {  	[tilespmem:v8+s14+$0x0] =	vst.idx.add.f32.msk $0xffff, v14  }
0x4d: {  	s24 =	simm.s32 $0x280;
	[tilespmem:v19+s14+$0x0] =	vst.idx.add.f32.msk $0xffff, v13  }
.LBB2_3:
0x4e: {  	s25 =	sshra.s32 s24, $0x2;
	p0 =	sne.s32 s24, $0x3C00;
	s24 =	sadd.s32 $0x280, s24;
	[tilespmem:v0+s14+$0x0] =	vst.idx.add.f32.msk $0xffff, v1  }
0x4f: {  	[tilespmem:v2+s14+$0x0] =	vst.idx.add.f32.msk $0xffff, v3  }
0x50: {  	v0 =	vld [tilespmem:s25+$0x19720]  }
0x51: {  	v4 =	vld [tilespmem:s25+$0x196D0]  }
0x52: {  	v5 =	vld [tilespmem:s25+$0x196B0]  }
0x53: {  	v6 =	vld [tilespmem:s25+$0x196C0]  }
0x54: {  	v7 =	vld [tilespmem:s25+$0x196E0]  }
0x55: {  	v8 =	vld [tilespmem:s25+$0x19700]  }
0x56: {  	v1 =	vld [tilespmem:s25+$0x18780]  }
0x57: {  	v9 =	vld [tilespmem:s25+$0x196F0]  }
0x58: {  	v3 =	vld [tilespmem:s25+$0x18790]  }
0x59: {  	v2 =	vld [tilespmem:s25+$0x18730]  }
0x5a: {  	v10 =	vld [tilespmem:s25+$0x18750]  }
0x5b: {  	v11 =	vld [tilespmem:s25+$0x18740]  }
0x5c: {  	v12 =	vld [tilespmem:s25+$0x18720]  }
0x5d: {  	v13 =	vld [tilespmem:s25+$0x18770]  }
0x5e: {  	v14 =	vld [tilespmem:s25+$0x18760]  }
0x5f: {  	v15 =	vld [tilespmem:s25+$0x18710]  }
0x60: {  	v16 =	vld [tilespmem:s25+$0x18700]  }
0x61: {  	v17 =	vld [tilespmem:s25+$0x196A0]  }
0x62: {  	v1 =	vld.idx.msk [tilespmem:v1+s3+$0x0], $0xffff  }
0x63: {  	v18 =	vld.idx.msk [tilespmem:v2+s3+$0x0], $0xffff  }
0x64: {  	v12 =	vld.idx.msk [tilespmem:v12+s3+$0x0], $0xffff  }
0x65: {  	v11 =	vld.idx.msk [tilespmem:v11+s3+$0x0], $0xffff  }
0x66: {  	v2 =	vld [tilespmem:s25+$0x19730]  }
0x67: {  	v15 =	vld.idx.msk [tilespmem:v15+s3+$0x0], $0xffff  }
0x68: {  	v16 =	vld.idx.msk [tilespmem:v16+s3+$0x0], $0xffff  }
0x69: {  	v13 =	vld.idx.msk [tilespmem:v13+s3+$0x0], $0xffff  }
0x6a: {  	v19 =	vld [tilespmem:s25+$0x19710]  }
0x6b: {  	v14 =	vld.idx.msk [tilespmem:v14+s3+$0x0], $0xffff  }
0x6c: {  	v3 =	vld.idx.msk [tilespmem:v3+s3+$0x0], $0xffff  }
0x6d: {  	v10 =	vld.idx.msk [tilespmem:v10+s3+$0x0], $0xffff  }
0x6e: {  	[tilespmem:v17+s14+$0x0] =	vst.idx.add.f32.msk $0xffff, v16  }
0x6f: {  	[tilespmem:v5+s14+$0x0] =	vst.idx.add.f32.msk $0xffff, v15  }
0x70: {  	[tilespmem:v6+s14+$0x0] =	vst.idx.add.f32.msk $0xffff, v12  }
.Ltmp0:
0x71: {  	[tilespmem:v4+s14+$0x0] =	vst.idx.add.f32.msk $0xffff, v18;
	(pc) =	sbr.rel @p0 .LBB2_3-.Ltmp0, $4  }
0x72: {  	[tilespmem:v7+s14+$0x0] =	vst.idx.add.f32.msk $0xffff, v11  }
0x73: {  	[tilespmem:v9+s14+$0x0] =	vst.idx.add.f32.msk $0xffff, v10  }
0x74: {  	[tilespmem:v8+s14+$0x0] =	vst.idx.add.f32.msk $0xffff, v14  }
0x75: {  	[tilespmem:v19+s14+$0x0] =	vst.idx.add.f32.msk $0xffff, v13  }
0x76: {  	_ =	sdelay $0x1  }
0x77: {  	p0 =	seq.s32 s22, $0x18  }
0x78: {  	s23 =	sadd.s32 @!p0 s23, s10  }
0x79: {  	[tilespmem:v0+s14+$0x0] =	vst.idx.add.f32.msk $0xffff, v1;
	s23 =	sshrl.u32 @!p0 s23, $0x3  }
0x7a: {  	[tilespmem:v2+s14+$0x0] =	vst.idx.add.f32.msk $0xffff, v3;
	s25 =	simm.s32 @!p0 $0x0;
	s26 =	simm.s32 @!p0 $0x18700;
	s24 =	sadd.s32 @!p0 s4, s23  }
0x7b: {  	[tilespmem:s26], [sflag:$0x1] =	stream.linear.gather @!p0 [hbm4b:s24+s25], $0xFA0, $0x38;
	[tilespmem:$0x1C580] =	vst v63  }
0x7c: {  	s23 =	sadd.s32 @!p0 s5, s23;
	s24 =	simm.s32 @!p0 $0x196A0  }
0x7d: {  	[tilespmem:s24], [sflag:$0x1] =	stream.linear.gather @!p0 [hbm4b:s23+s25], $0xFA0, $0x38;
	[tilespmem:$0x1C580] =	vst v63  }
0x7e: {  	_ =	swait.ge [sflag:s20], $0xFA0  }
0x7f: {  	[sflag:s20] =	ssyncset.done $0x0  }
0x80: {  	[sflag:s20] =	ssyncadd.s32 $0xFFFFF060  }
0x81: {  	_ =	swait.ge [sflag:s20], $0xFA0  }
0x82: {  	[sflag:s20] =	ssyncset.done $0x0  }
0x83: {  	s31 =	simm.s32 $0x0;
	[sflag:s20] =	ssyncadd.s32 $0xFFFFF060  }
0x84: {  	v0 =	vld [tilespmem:s31+$0x1B660]  }
0x85: {  	v4 =	vld [tilespmem:s31+$0x1B610]  }
0x86: {  	v5 =	vld [tilespmem:s31+$0x1B5F0]  }
0x87: {  	v6 =	vld [tilespmem:s31+$0x1B600]  }
0x88: {  	v7 =	vld [tilespmem:s31+$0x1B620]  }
0x89: {  	v8 =	vld [tilespmem:s31+$0x1B640]  }
0x8a: {  	v1 =	vld [tilespmem:s31+$0x1A6C0]  }
0x8b: {  	v9 =	vld [tilespmem:s31+$0x1B630]  }
0x8c: {  	v3 =	vld [tilespmem:s31+$0x1A6D0]  }
0x8d: {  	v2 =	vld [tilespmem:s31+$0x1A670]  }
0x8e: {  	v10 =	vld [tilespmem:s31+$0x1A690]  }
0x8f: {  	v11 =	vld [tilespmem:s31+$0x1A680]  }
0x90: {  	v12 =	vld [tilespmem:s31+$0x1A660]  }
0x91: {  	v13 =	vld [tilespmem:s31+$0x1A6B0]  }
0x92: {  	v14 =	vld [tilespmem:s31+$0x1A6A0]  }
0x93: {  	v15 =	vld [tilespmem:s31+$0x1A650]  }
0x94: {  	v16 =	vld [tilespmem:s31+$0x1A640]  }
0x95: {  	v17 =	vld [tilespmem:s31+$0x1B5E0]  }
0x96: {  	v19 =	vld [tilespmem:s31+$0x1B650]  }
0x97: {  	v1 =	vld.idx.msk [tilespmem:v1+s3+$0x0], $0xffff  }
0x98: {  	v18 =	vld.idx.msk [tilespmem:v2+s3+$0x0], $0xffff  }
0x99: {  	v12 =	vld.idx.msk [tilespmem:v12+s3+$0x0], $0xffff  }
0x9a: {  	v11 =	vld.idx.msk [tilespmem:v11+s3+$0x0], $0xffff  }
0x9b: {  	v2 =	vld [tilespmem:s31+$0x1B670]  }
0x9c: {  	v15 =	vld.idx.msk [tilespmem:v15+s3+$0x0], $0xffff  }
0x9d: {  	v16 =	vld.idx.msk [tilespmem:v16+s3+$0x0], $0xffff  }
0x9e: {  	v13 =	vld.idx.msk [tilespmem:v13+s3+$0x0], $0xffff  }
0x9f: {  	v14 =	vld.idx.msk [tilespmem:v14+s3+$0x0], $0xffff  }
0xa0: {  	v3 =	vld.idx.msk [tilespmem:v3+s3+$0x0], $0xffff  }
0xa1: {  	v10 =	vld.idx.msk [tilespmem:v10+s3+$0x0], $0xffff  }
0xa2: {  	[tilespmem:v17+s14+$0x0] =	vst.idx.add.f32.msk $0xffff, v16  }
0xa3: {  	[tilespmem:v5+s14+$0x0] =	vst.idx.add.f32.msk $0xffff, v15  }
0xa4: {  	[tilespmem:v6+s14+$0x0] =	vst.idx.add.f32.msk $0xffff, v12  }
0xa5: {  	[tilespmem:v4+s14+$0x0] =	vst.idx.add.f32.msk $0xffff, v18  }
0xa6: {  	[tilespmem:v7+s14+$0x0] =	vst.idx.add.f32.msk $0xffff, v11  }
0xa7: {  	[tilespmem:v9+s14+$0x0] =	vst.idx.add.f32.msk $0xffff, v10  }
0xa8: {  	[tilespmem:v8+s14+$0x0] =	vst.idx.add.f32.msk $0xffff, v14  }
0xa9: {  	s23 =	simm.s32 $0x280;
	[tilespmem:v19+s14+$0x0] =	vst.idx.add.f32.msk $0xffff, v13  }
.LBB2_5:
0xaa: {  	s24 =	sshra.s32 s23, $0x2;
	p0 =	sne.s32 s23, $0x3C00;
	s23 =	sadd.s32 $0x280, s23;
	[tilespmem:v0+s14+$0x0] =	vst.idx.add.f32.msk $0xffff, v1  }
0xab: {  	[tilespmem:v2+s14+$0x0] =	vst.idx.add.f32.msk $0xffff, v3  }
0xac: {  	v0 =	vld [tilespmem:s24+$0x1B660]  }
0xad: {  	v4 =	vld [tilespmem:s24+$0x1B610]  }
0xae: {  	v5 =	vld [tilespmem:s24+$0x1B5F0]  }
0xaf: {  	v6 =	vld [tilespmem:s24+$0x1B600]  }
0xb0: {  	v7 =	vld [tilespmem:s24+$0x1B620]  }
0xb1: {  	v8 =	vld [tilespmem:s24+$0x1B640]  }
0xb2: {  	v1 =	vld [tilespmem:s24+$0x1A6C0]  }
0xb3: {  	v9 =	vld [tilespmem:s24+$0x1B630]  }
0xb4: {  	v3 =	vld [tilespmem:s24+$0x1A6D0]  }
0xb5: {  	v2 =	vld [tilespmem:s24+$0x1A670]  }
0xb6: {  	v10 =	vld [tilespmem:s24+$0x1A690]  }
0xb7: {  	v11 =	vld [tilespmem:s24+$0x1A680]  }
0xb8: {  	v12 =	vld [tilespmem:s24+$0x1A660]  }
0xb9: {  	v13 =	vld [tilespmem:s24+$0x1A6B0]  }
0xba: {  	v14 =	vld [tilespmem:s24+$0x1A6A0]  }
0xbb: {  	v15 =	vld [tilespmem:s24+$0x1A650]  }
0xbc: {  	v16 =	vld [tilespmem:s24+$0x1A640]  }
0xbd: {  	v17 =	vld [tilespmem:s24+$0x1B5E0]  }
0xbe: {  	v1 =	vld.idx.msk [tilespmem:v1+s3+$0x0], $0xffff  }
0xbf: {  	v18 =	vld.idx.msk [tilespmem:v2+s3+$0x0], $0xffff  }
0xc0: {  	v12 =	vld.idx.msk [tilespmem:v12+s3+$0x0], $0xffff  }
0xc1: {  	v11 =	vld.idx.msk [tilespmem:v11+s3+$0x0], $0xffff  }
0xc2: {  	v2 =	vld [tilespmem:s24+$0x1B670]  }
0xc3: {  	v15 =	vld.idx.msk [tilespmem:v15+s3+$0x0], $0xffff  }
0xc4: {  	v16 =	vld.idx.msk [tilespmem:v16+s3+$0x0], $0xffff  }
0xc5: {  	v13 =	vld.idx.msk [tilespmem:v13+s3+$0x0], $0xffff  }
0xc6: {  	v19 =	vld [tilespmem:s24+$0x1B650]  }
0xc7: {  	v14 =	vld.idx.msk [tilespmem:v14+s3+$0x0], $0xffff  }
0xc8: {  	v3 =	vld.idx.msk [tilespmem:v3+s3+$0x0], $0xffff  }
0xc9: {  	v10 =	vld.idx.msk [tilespmem:v10+s3+$0x0], $0xffff  }
0xca: {  	[tilespmem:v17+s14+$0x0] =	vst.idx.add.f32.msk $0xffff, v16  }
0xcb: {  	[tilespmem:v5+s14+$0x0] =	vst.idx.add.f32.msk $0xffff, v15  }
0xcc: {  	[tilespmem:v6+s14+$0x0] =	vst.idx.add.f32.msk $0xffff, v12  }
.Ltmp1:
0xcd: {  	[tilespmem:v4+s14+$0x0] =	vst.idx.add.f32.msk $0xffff, v18;
	(pc) =	sbr.rel @p0 .LBB2_5-.Ltmp1, $4  }
0xce: {  	[tilespmem:v7+s14+$0x0] =	vst.idx.add.f32.msk $0xffff, v11  }
0xcf: {  	[tilespmem:v9+s14+$0x0] =	vst.idx.add.f32.msk $0xffff, v10  }
0xd0: {  	[tilespmem:v8+s14+$0x0] =	vst.idx.add.f32.msk $0xffff, v14  }
0xd1: {  	[tilespmem:v19+s14+$0x0] =	vst.idx.add.f32.msk $0xffff, v13  }
0xd2: {  	s22 =	sadd.s32 $0x1, s22  }
0xd3: {  	p0 =	sne.s32 s22, $0x19  }
.Ltmp2:
0xd4: {  	_ = 	snop;
	(pc) =	sbr.rel @p0 .LBB2_2-.Ltmp2, $3  }
0xd5: {  	_ =	sdelay $0x1  }
0xd6: {  	[tilespmem:v0+s14+$0x0] =	vst.idx.add.f32.msk $0xffff, v1  }
0xd7: {  	[tilespmem:v2+s14+$0x0] =	vst.idx.add.f32.msk $0xffff, v3  }
0xd8: {  	s21 =	sadd.s32 $0x1, s21  }
0xd9: {  	p0 =	sne.s32 s21, s12  }
.Ltmp3:
0xda: {  	_ = 	snop;
	(pc) =	sbr.rel @p0 .LBB2_1-.Ltmp3, $4  }
0xdb: {  	[hbm4b:s11+s3] =	stream.linear.scatter [tilespmem:s14], [sflag:$0x3], $0xC380, $0x38;
	[tilespmem:$0x1C580] =	vst v63  }
0xdc: {  	_ =	swait.ge [sflag:s13], $0xC380  }
0xdd: {  	[sflag:s13] =	ssyncset.done $0x0  }
0xde: {  	[sflag:s13] =	ssyncadd.s32 $0xFFFF3C80  }
0xdf: {  	_ =	sfence.sel $0x180000  }
0xe0: {  	[bflag:$0x0] =	sbarrier.arrive $0xFFFF  }
0xe1: {  	p0 =	sne.s32 s0, $0x0;
	_ =	strace $0x9000004D  }
0xe2: {  	s0 =	sadd.s32 @!p0 $0x100000, s1;
	[bflag:$0x2] =	sbarrier.arrive $0xFFFF  }
0xe3: {  	[sflag:s0] =	ssyncadd.tile.s32 @!p0 $0x1;
	_ =	shalt  }
.Lfunc_end2:
_tile_overlayer_lowered:
.L_overlay_start_2:
0xe4: {  	(tag) =	ssettag $0x2  }
0xe5: {  	s0 =	rddreg [dreg:$0x0];
	s2 =	stileid.u32  }
0xe6: {  	s1 =	rddreg [dreg:$0x1];
	p0 =	sne.s32 s2, $0x0  }
0xe7: {  	s3 =	rddreg [dreg:$0x2];
	[bflag:$0x3] =	sbarrier.arrive $0xFFFF;
	s2 =	simm.s32 @!p0 $0x1C03  }
0xe8: {  	[timem:s3], [sflag:s2] =	dma.local @!p0 [hbm:s0], s1  }
0xe9: {  	s0 =	simm.s32 @!p0 $0x3  }
0xea: {  	_ =	swait.ge @!p0 [sflag:s0], s1  }
0xeb: {  	s1 =	ssub.s32 @!p0 $0x0, s1;
	[sflag:s0] =	ssyncset.done @!p0 $0x0  }
0xec: {  	[sflag:s0] =	ssyncadd.s32 @!p0 s1  }
0xed: {  	[bflag:$0x3] =	sbarrier.arrive $0xFFFF  }
0xee: {  	_ =	shalt  }

// kernel: kernel.9.cloned.1.call-start
scs
__scs_entry_jumppad:
0x0: {  	(pc) =	sbr.rel $0x88, $3  }
0x1: {  	(tag) =	ssettag $0x0;
	lr =	simm.s32 $0x1  }
0x2: {  	[smem:$0x3F9B] =	sst lr;
	_ =	strace $0xD0000000  }
0x3: {  	_ = 	snop  }
0x4: {  	_ = 	snop  }
0x5: {  	_ = 	snop  }
0x6: {  	_ = 	snop  }
0x7: {  	_ = 	snop  }
__scs_overlays_trampoline_lowered:
0x8: {  	[smem:$0x3FAA] =	sst s0  }
0x9: {  	[smem:$0x3FAB] =	sst s1  }
0xa: {  	[smem:$0x3FAC] =	sst s2  }
0xb: {  	[smem:$0x3FAD] =	sst s3  }
0xc: {  	[smem:$0x3FAE] =	sst s4  }
0xd: {  	[smem:$0x3FAF] =	sst s5  }
0xe: {  	[smem:$0x3FB0] =	sst s6  }
0xf: {  	[smem:$0x3FB1] =	sst s7  }
0x10: {  	[smem:$0x3FB2] =	sst s8  }
0x11: {  	[smem:$0x3FB3] =	sst s9;
	s0 =	simm.s32 @!p0 $0x0  }
0x12: {  	s1 =	sld [smem:$0x3F99];
	s0 =	simm.s32 @p0 $0x1  }
0x13: {  	[smem:$0x3FB4] =	sst s0;
	s0 =	simm.s32 @!p1 $0x0  }
0x14: {  	s2 =	sld [smem:$0x3F98];
	s0 =	simm.s32 @p1 $0x1  }
0x15: {  	[smem:$0x3FB5] =	sst s0;
	s0 =	simm.s32 @!p2 $0x0  }
0x16: {  	s3 =	sld [smem:$0x3FDB];
	s0 =	simm.s32 @p2 $0x1  }
0x17: {  	s4 =	simm.s32 $0x1BF5;
	[smem:$0x3FB7] =	sst s0  }
0x18: {  	s0 =	sld [smem:$0x3F9A];
	_ =	swait.ge [sflag:s4], $0x0  }
0x19: {  	s7 =	sld [smem:$0x3F9B]  }
0x1a: {  	s8 =	sadd.s32 $0xFFFFE003, lr  }
0x1b: {  	s9 =	sadd.s32 $0xFFFFFEF7, lr;
	s5 =	simm.s32 $0xFFFFFFFF;
	p2 =	slt.u32 s8, $0xFFFFF086  }
0x1c: {  	p1 =	slt.u32 s9, $0xF7A;
	s5 =	simm.s32 @!p2 $0x0  }
0x1d: {  	s5 =	simm.s32 @p1 $0x1;
	p0 =	seq.s32 s7, s2  }
0x1e: {  	s7 =	smul.u32 @!p0 $0xF7A, s2;
	p2 =	seq.s32 @!p0 s5, $0x0  }
0x1f: {  	s9 =	smul.u32 $0xF7A, s1;
	s8 =	simm.s32 @!p0 $0x1BF5;
	p2 =	por !p2, p0  }
0x20: {  	[sflag:s8] =	ssyncset.s32 @!p0 $0xFFFFF086;
	s6 =	sadd.s32 @!p0 s3, s7;
	s7 =	simm.s32 @!p0 $0x108  }
0x21: {  	s3 =	sadd.s32 s3, s9;
	s6 =	sadd.s32 @!p0 $0x88, s6;
	s7 =	simm.s32 @p2 $0x1082  }
0x22: {  	[simem:s7], [sflag:s8] =	dma.local @!p0 [hbm:s6], $0xF7A  }
0x23: {  	s9 =	sor.u32 $0xD0000000, s2;
	s6 =	simm.s32 $0x108;
	_ =	swait.ge @!p0 [sflag:s8], $0x0  }
0x24: {  	s3 =	sadd.s32 $0x88, s3;
	s6 =	simm.s32 @!p1 $0x1082;
	[sflag:s4] =	ssyncset.s32 $0xFFFFF086  }
0x25: {  	[simem:s6], [sflag:s4] =	dma.local [hbm:s3], $0xF7A  }
0x26: {  	[smem:$0x3F9B] =	sst s1;
	(tag) =	ssettag s2;
	_ =	strace s9  }
0x27: {  	s1 =	sld [smem:$0x3FAB]  }
0x28: {  	s2 =	sld [smem:$0x3FAC]  }
0x29: {  	s4 =	sld [smem:$0x3FAE]  }
0x2a: {  	p0 =	seq.s32 s5, $0x0;
	s5 =	sld [smem:$0x3FAF]  }
0x2b: {  	s6 =	sld [smem:$0x3FB0]  }
0x2c: {  	s7 =	sld [smem:$0x3FB1]  }
0x2d: {  	s3 =	simm.s32 $0x108;
	s8 =	sld [smem:$0x3FB2]  }
0x2e: {  	s3 =	simm.s32 @!p0 $0x1082;
	s9 =	sld [smem:$0x3FB3]  }
0x2f: {  	lr =	sadd.s32 s0, s3;
	s0 =	sld [smem:$0x3FAA]  }
0x30: {  	s3 =	sld [smem:$0x3FAD]  }
0x31: {  	[smem:$0x3FB6] =	sst s10  }
0x32: {  	s10 =	sld [smem:$0x3FB4];
	_ =	sdelay $0x3  }
0x33: {  	p0 =	seq.s32 s10, $0x1;
	s10 =	sld [smem:$0x3FB6];
	_ =	sdelay $0x3  }
0x34: {  	[smem:$0x3FB6] =	sst s10  }
0x35: {  	s10 =	sld [smem:$0x3FB5];
	_ =	sdelay $0x3  }
0x36: {  	p1 =	seq.s32 s10, $0x1;
	s10 =	sld [smem:$0x3FB6];
	_ =	sdelay $0x3  }
0x37: {  	[smem:$0x3FB6] =	sst s10  }
0x38: {  	s10 =	sld [smem:$0x3FB7]  }
0x39: {  	_ = 	snop;
	(pc) =	sbr.ind lr, $3  }
0x3a: {  	_ = 	snop  }
0x3b: {  	_ = 	snop  }
0x3c: {  	p2 =	seq.s32 s10, $0x1;
	s10 =	sld [smem:$0x3FB6]  }
0x3d: {  	_ =	shalt  }
0x3e: {  	_ =	shalt  }
0x3f: {  	_ =	shalt  }
0x40: {  	_ =	shalt  }
0x41: {  	_ =	shalt  }
0x42: {  	_ =	shalt  }
0x43: {  	_ =	shalt  }
0x44: {  	_ =	shalt  }
0x45: {  	_ =	shalt  }
0x46: {  	_ =	shalt  }
0x47: {  	_ =	shalt  }
0x48: {  	_ =	shalt  }
0x49: {  	_ =	shalt  }
0x4a: {  	_ =	shalt  }
0x4b: {  	_ =	shalt  }
0x4c: {  	_ =	shalt  }
0x4d: {  	_ =	shalt  }
0x4e: {  	_ =	shalt  }
0x4f: {  	_ =	shalt  }
0x50: {  	_ =	shalt  }
0x51: {  	_ =	shalt  }
0x52: {  	_ =	shalt  }
0x53: {  	_ =	shalt  }
0x54: {  	_ =	shalt  }
0x55: {  	_ =	shalt  }
0x56: {  	_ =	shalt  }
0x57: {  	_ =	shalt  }
0x58: {  	_ =	shalt  }
0x59: {  	_ =	shalt  }
0x5a: {  	_ =	shalt  }
0x5b: {  	_ =	shalt  }
0x5c: {  	_ =	shalt  }
0x5d: {  	_ =	shalt  }
0x5e: {  	_ =	shalt  }
0x5f: {  	_ =	shalt  }
0x60: {  	_ =	shalt  }
0x61: {  	_ =	shalt  }
0x62: {  	_ =	shalt  }
0x63: {  	_ =	shalt  }
0x64: {  	_ =	shalt  }
0x65: {  	_ =	shalt  }
0x66: {  	_ =	shalt  }
0x67: {  	_ =	shalt  }
0x68: {  	_ =	shalt  }
0x69: {  	_ =	shalt  }
0x6a: {  	_ =	shalt  }
0x6b: {  	_ =	shalt  }
0x6c: {  	_ =	shalt  }
0x6d: {  	_ =	shalt  }
0x6e: {  	_ =	shalt  }
0x6f: {  	_ =	shalt  }
0x70: {  	_ =	shalt  }
0x71: {  	_ =	shalt  }
0x72: {  	_ =	shalt  }
0x73: {  	_ =	shalt  }
0x74: {  	_ =	shalt  }
0x75: {  	_ =	shalt  }
0x76: {  	_ =	shalt  }
0x77: {  	_ =	shalt  }
0x78: {  	_ =	shalt  }
0x79: {  	_ =	shalt  }
0x7a: {  	_ =	shalt  }
0x7b: {  	_ =	shalt  }
0x7c: {  	_ =	shalt  }
0x7d: {  	_ =	shalt  }
0x7e: {  	_ =	shalt  }
0x7f: {  	_ =	shalt  }
0x80: {  	_ =	shalt  }
0x81: {  	_ =	shalt  }
0x82: {  	_ =	shalt  }
0x83: {  	_ =	shalt  }
0x84: {  	_ =	shalt  }
0x85: {  	_ =	shalt  }
0x86: {  	_ =	shalt  }
0x87: {  	_ =	shalt  }
.Lfunc_end0:
.L_simem_size_0:
called_computation_lowered:
.L_overlay_start_0:
0x88: {  	s2 =	sld [smem:$0x3FD9]  }
0x89: {  	s3 =	sld [smem:$0x3FFE];
	_ =	sdelay $0x1  }
0x8a: {  	s1 =	srdreg.scid  }
0x8b: {  	s0 =	sand.u32 $0x1, s1  }
0x8c: {  	s17 =	sshll.u32 s0, $0xA;
	s2 =	sadd.s32 s3, s2  }
0x8d: {  	s2 =	sadd.s32 s2, s17  }
0x8e: {  	[smem:$0x3FC2] =	sst s2  }
0x8f: {  	_ = 	snop  }
0x90: {  	s2 =	sld [smem:$0x3FD0];
	(tm) =	ssettm $0x1  }
0x91: {  	s18 =	sld [smem:$0x3FFB];
	_ =	sdelay $0x3  }
0x92: {  	_ =	strace s18  }
0x93: {  	s3 =	sld [smem:$0x3FFC];
	_ =	sdelay $0x3  }
0x94: {  	_ =	strace s3  }
0x95: {  	s3 =	sld [smem:$0x3FFD];
	_ =	sdelay $0x3  }
0x96: {  	_ =	strace s3  }
0x97: {  	_ =	strace $0x8FFFFFFF  }
0x98: {  	s19 =	sld [smem:$0x3FDB];
	_ =	sdelay $0x1  }
0x99: {  	s4 =	simm.s32 $_scs_section_size  }
0x9a: {  	s5 =	simm.s32 $_size__tile_overlayer_lowered;
	s6 =	simm.s32 $_tile_overlayer_lowered  }
0x9b: {  	s22 =	simm.s32 $0x1BFF;
	s21 =	sshll.u32 s6, $0x1;
	s3 =	sadd.s32 s4, s19  }
0x9c: {  	s7 =	simm.s32 $0x0;
	s20 =	sshll.u32 s5, $0x1;
	s5 =	sadd.s32 s21, s3  }
0x9d: {  	[timem:s7], [sflag:s22] =	dma.local [hbm:s5], s20  }
0x9e: {  	_ =	swait.ge [sflag:s22], s20  }
0x9f: {  	s4 =	ssub.s32 $0x0, s20;
	[sflag:s22] =	ssyncset.done $0x0  }
0xa0: {  	[sflag:s22] =	ssyncadd.s32 s4;
	_ =	sdelay $0x1  }
0xa1: {  	s23 =	simm.s32 $0x1B8B  }
0xa2: {  	_ =	swait.ge [sflag:s23], $0x1  }
0xa3: {  	[sflag:s23] =	ssyncset.done $0x0  }
0xa4: {  	s25 =	simm.s32 $0x1B8E;
	s24 =	sld [smem:$0x3FFE];
	[sflag:s23] =	ssyncadd.s32 $0xFFFFFFFF  }
0xa5: {  	s26 =	simm.s32 $execute0_lowered;
	[smem:$0x3FD2] =	sst s25  }
0xa6: {  	s5 =	sshll.u32 s26, $0x1;
	_ =	strace $0x80000046;
	[dreg:$0x1] =	wrdreg $0xFFFFFFFF  }
0xa7: {  	s28 =	simm.s32 $_size_execute0_lowered;
	s3 =	sadd.s32 s3, s5;
	[dreg:$0x0] =	wrdreg $0x0  }
0xa8: {  	s5 =	sshll.u32 s28, $0x1;
	[dreg:$0x2] =	wrdreg s3  }
0xa9: {  	[dreg:$0x3] =	wrdreg s5  }
0xaa: {  	[dreg:$0x4] =	wrdreg $0xC0  }
0xab: {  	_ =	task [dreg:s7], $0x5FFFF  }
0xac: {  	[dreg:$0x1] =	wrdreg $0xFFFFFFFF  }
0xad: {  	[dreg:$0x0] =	wrdreg $0x60  }
0xae: {  	[dreg:$0x2] =	wrdreg s24  }
0xaf: {  	[dreg:$0x3] =	wrdreg s2  }
0xb0: {  	[dreg:$0x4] =	wrdreg $0x9  }
0xb1: {  	_ =	task.clear_ibuf [dreg:s7], $0x5FFFF;
	_ =	strace $0x90000046  }
0xb2: {  	s29 =	simm.s32 $0x9;
	_ =	strace $0x80000048  }
0xb3: {  	_ =	swait.ge [sflag:s29], $0x1  }
0xb4: {  	[sflag:s29] =	ssyncadd.s32 $0xFFFFFFFF  }
0xb5: {  	_ =	strace $0x90000048  }
0xb6: {  	_ =	sfence  }
0xb7: {  	s30 =	sld [smem:$0x0];
	_ =	sdelay $0x2  }
0xb8: {  	s31 =	sshll.u32 s1, $0xD;
	s1 =	sshrl.u32 s1, $0x2  }
0xb9: {  	s3 =	sand.u32 $0x4000, s31;
	s1 =	sadd.s32 s1, s30  }
0xba: {  	s0 =	sor.u32 s3, s0;
	s1 =	sshll.u32 s1, $0x11  }
0xbb: {  	s0 =	sor.u32 s1, s0  }
0xbc: {  	s0 =	sadd.s32 $0x8F2B, s0  }
0xbd: {  	[sflag:s0] =	ssyncadd.remote.s32 $0x1  }
0xbe: {  	_ =	sfence.sel $0xFFFF  }
0xbf: {  	[dreg:$0x0] =	wrdreg $0xFFFFFFFF;
	(pc) =	sbr.abs _section_cstart, $3  }
0xc0: {  	[dreg:$0x1] =	wrdreg $0xFFFFFFFF  }
0xc1: {  	_ =	task.clear_ibuf [dreg:s7], $0x2FFFF;
	_ =	strace $0x9FFFFFFF  }
0xc2: {  	(tm) =	ssettm $0x7FFFFFFF  }
0xc3: {  	_ =	shalt  }
tec
execute0_lowered:
.L_overlay_start_1:
0x0: {  	(tag) =	ssettag $0x1  }
0x1: {  	s1 =	srdreg.scid;
	s0 =	stileid.u32  }
0x2: {  	s5 =	sand.u32 $0x1, s1;
	s31 =	sshll.u32 s0, $0x1  }
0x3: {  	s4 =	rddreg [dreg:$0x0];
	s6 =	sor.u32 s5, s31  }
0x4: {  	s2 =	rddreg [dreg:$0x1];
	s3 =	simm.s32 $0x0;
	s7 =	smul.u32 $0xC35, s6  }
0x5: {  	s9 =	simm.s32 $0x0;
	[smem:$0x7FF] =	sst s3;
	s6 =	smul.u32 $0x1870, s6  }
0x6: {  	s1 =	rddreg [dreg:$0x2];
	s5 =	ssub.s32 $0x2, s5;
	_ =	strace $0x80000047  }
0x7: {  	s8 =	sshrl.u32 s5, $0x1;
	s7 =	sadd.s32 s7, s4;
	s6 =	sadd.s32 s6, s4  }
0x8: {  	s8 =	ssub.s32 s5, s8;
	s4 =	sadd.s32 $0x600, s7;
	s5 =	sadd.s32 $0x31600, s6  }
0x9: {  	v0 =	vimm.f32 $1.000000000e+00;
	s6 =	smax.u32 s8, $0x1;
	s7 =	simm.s32 $0x1;
	s8 =	simm.s32 $0xC380  }
.LBB2_1:
0xa: {  	[tilespmem:s3], [sflag:$0x1] =	stream.linear.gather [hbm4b:s2+s3], $0xC380, $0x38;
	[tilespmem:$0x12540] =	vst v63  }
0xb: {  	_ =	swait.ge [sflag:s7], $0xC380  }
0xc: {  	[sflag:s7] =	ssyncset.done $0x0  }
0xd: {  	[sflag:s7] =	ssyncadd.s32 $0xFFFF3C80  }
0xe: {  	[tilespmem:s8], [sflag:$0x1] =	stream.linear.gather [hbm4b:s4+s3], $0x61A8, $0x38;
	[tilespmem:$0x12540] =	vst v63  }
0xf: {  	_ =	swait.ge [sflag:s7], $0x61A8  }
0x10: {  	[sflag:s7] =	ssyncset.done $0x0  }
0x11: {  	s10 =	simm.s32 $0xFFFFFFF8;
	s11 =	simm.s32 $0xC3C0;
	[sflag:s7] =	ssyncadd.s32 $0xFFFF9E58  }
.LBB2_2:
0x12: {  	v1 =	vld [tilespmem:s11+$0xFFFFFFC0];
	_ =	sdelay $0x7  }
0x13: {  	[tilespmem:v1+s3+$0x0] =	vst.idx.add.f32.msk $0xffff, v0  }
0x14: {  	v1 =	vld [tilespmem:s11+$0xFFFFFFD0];
	_ =	sdelay $0x7  }
0x15: {  	[tilespmem:v1+s3+$0x0] =	vst.idx.add.f32.msk $0xffff, v0  }
0x16: {  	v1 =	vld [tilespmem:s11+$0xFFFFFFE0];
	_ =	sdelay $0x7  }
0x17: {  	[tilespmem:v1+s3+$0x0] =	vst.idx.add.f32.msk $0xffff, v0  }
0x18: {  	v1 =	vld [tilespmem:s11+$0xFFFFFFF0];
	_ =	sdelay $0x7  }
0x19: {  	[tilespmem:v1+s3+$0x0] =	vst.idx.add.f32.msk $0xffff, v0  }
0x1a: {  	v1 =	vld [tilespmem:s11+$0x0];
	_ =	sdelay $0x7  }
0x1b: {  	[tilespmem:v1+s3+$0x0] =	vst.idx.add.f32.msk $0xffff, v0  }
0x1c: {  	v1 =	vld [tilespmem:s11+$0x10];
	_ =	sdelay $0x7  }
0x1d: {  	[tilespmem:v1+s3+$0x0] =	vst.idx.add.f32.msk $0xffff, v0  }
0x1e: {  	v1 =	vld [tilespmem:s11+$0x20];
	_ =	sdelay $0x7  }
0x1f: {  	[tilespmem:v1+s3+$0x0] =	vst.idx.add.f32.msk $0xffff, v0  }
0x20: {  	v1 =	vld [tilespmem:s11+$0x30];
	_ =	sdelay $0x1  }
0x21: {  	s10 =	sadd.s32 $0x8, s10  }
0x22: {  	p0 =	slt.u32 s10, $0x610  }
.Ltmp0:
0x23: {  	_ = 	snop;
	(pc) =	sbr.rel @p0 .LBB2_2-.Ltmp0, $2  }
0x24: {  	_ =	sdelay $0x2  }
0x25: {  	s11 =	sadd.s32 $0x80, s11;
	[tilespmem:v1+s3+$0x0] =	vst.idx.add.f32.msk $0xffff, v0  }
0x26: {  	v1 =	vld [tilespmem:$0x12500];
	_ =	sdelay $0x7  }
0x27: {  	[tilespmem:v1+s3+$0x0] =	vst.idx.add.f32.msk $0xffff, v0  }
0x28: {  	v1 =	vld [tilespmem:$0x12510];
	_ =	sdelay $0x7  }
0x29: {  	[tilespmem:v1+s3+$0x0] =	vst.idx.add.f32.msk $0xffff, v0  }
0x2a: {  	v1 =	vld [tilespmem:$0x12520];
	_ =	sdelay $0x5  }
0x2b: {  	s9 =	sadd.s32 $0x1, s9  }
0x2c: {  	p0 =	sne.s32 s9, s6  }
.Ltmp1:
0x2d: {  	[tilespmem:v1+s3+$0x0] =	vst.idx.add.f32.msk $0xff, v0;
	(pc) =	sbr.rel @p0 .LBB2_1-.Ltmp1, $4  }
0x2e: {  	[hbm4b:s5+s3] =	stream.linear.scatter [tilespmem:s3], [sflag:$0x1], $0xC380, $0x38;
	[tilespmem:$0x12540] =	vst v63  }
0x2f: {  	_ =	swait.ge [sflag:s7], $0xC380  }
0x30: {  	[sflag:s7] =	ssyncset.done $0x0  }
0x31: {  	[sflag:s7] =	ssyncadd.s32 $0xFFFF3C80  }
0x32: {  	_ =	sfence.sel $0x180000  }
0x33: {  	[bflag:$0x0] =	sbarrier.arrive $0xFFFF  }
0x34: {  	p0 =	sne.s32 s0, $0x0;
	_ =	strace $0x90000047  }
0x35: {  	s0 =	sadd.s32 @!p0 $0x100000, s1;
	[bflag:$0x2] =	sbarrier.arrive $0xFFFF  }
0x36: {  	[sflag:s0] =	ssyncadd.tile.s32 @!p0 $0x1;
	_ =	shalt  }
.Lfunc_end2:
_tile_overlayer_lowered:
.L_overlay_start_2:
0x37: {  	(tag) =	ssettag $0x2  }
0x38: {  	s0 =	rddreg [dreg:$0x0];
	s2 =	stileid.u32  }
0x39: {  	s1 =	rddreg [dreg:$0x1];
	p0 =	sne.s32 s2, $0x0  }
0x3a: {  	s3 =	rddreg [dreg:$0x2];
	[bflag:$0x3] =	sbarrier.arrive $0xFFFF;
	s2 =	simm.s32 @!p0 $0x1C01  }
0x3b: {  	[timem:s3], [sflag:s2] =	dma.local @!p0 [hbm:s0], s1  }
0x3c: {  	s0 =	simm.s32 @!p0 $0x1  }
0x3d: {  	_ =	swait.ge @!p0 [sflag:s0], s1  }
0x3e: {  	s1 =	ssub.s32 @!p0 $0x0, s1;
	[sflag:s0] =	ssyncset.done @!p0 $0x0  }
0x3f: {  	[sflag:s0] =	ssyncadd.s32 @!p0 s1  }
0x40: {  	[bflag:$0x3] =	sbarrier.arrive $0xFFFF  }
0x41: {  	_ =	shalt  }

</sc_bundles>
